<compile_context>
chip_gen: v7x
topology: tpu7x:2x2x1
jax: 0.10.2.dev20260603
libtpu: 0.0.44.dev20260713+nightly
codegen_flags: <defaults>
</compile_context>

<pallas_src>
import functools

import jax
import jax.numpy as jnp
from jax import lax
from jax.experimental import pallas as pl
from jax.experimental.pallas import tpu as pltpu
from jax.experimental.pallas import tpu_sc as plsc

N = 10000
N_PAD = 10240
E = 320000
F_IN = 128
H = 256
C = 40
C_PAD = 64

NTILE = 16
ROWS_PER_TILE = N_PAD // NTILE
EDGES_PER_TILE = E // NTILE
CHUNK = 125
NCHUNK = EDGES_PER_TILE // CHUNK
NCB = 40
NBLK = NCHUNK // NCB
NPAIR = NCB // 2

BLK = 2048



@functools.lru_cache(maxsize=None)
def _make_sc_agg(d):
  mesh = plsc.VectorSubcoreMesh(core_axis_name="c", subcore_axis_name="s",
                                num_cores=2, num_subcores=NTILE)
  out_type = (jax.ShapeDtypeStruct((N_PAD, d), jnp.float32),
              jax.ShapeDtypeStruct((N_PAD, d), jnp.float32))

  @functools.partial(
      pl.kernel, mesh=mesh, out_type=out_type,
      compiler_params=pltpu.CompilerParams(use_tc_tiling_on_sc=False),
      scratch_types=[
          pltpu.VMEM_SHARED((N_PAD, d), jnp.float32),
          pltpu.VMEM((NCB, CHUNK), jnp.int32),
          pltpu.VMEM((NCB, CHUNK), jnp.int32),
          pltpu.VMEM((CHUNK, d), jnp.float32),
          pltpu.VMEM((CHUNK, d), jnp.float32),
          pltpu.SemaphoreType.DMA,
          pltpu.SemaphoreType.DMA,
          pltpu.SemaphoreType.DMA,
          pltpu.SemaphoreType.DMA,
      ],
  )
  def agg_kernel(x0_hbm, x1_hbm, src_hbm, dst_hbm, z_hbm,
                 out0_hbm, out1_hbm, acc, src_v, dst_v, buf0, buf1,
                 g0, g1, s0, s1):
    c = lax.axis_index("c")
    s = lax.axis_index("s")
    rows = pl.ds(s * ROWS_PER_TILE, ROWS_PER_TILE)

    pltpu.sync_copy(z_hbm, acc.at[rows])
    plsc.subcore_barrier()

    def run(x_hbm, out_hbm):
      def outer(b, carry):
        blk = pl.ds(b * NCB, NCB)
        pltpu.sync_copy(src_hbm.at[s, blk], src_v)
        pltpu.sync_copy(dst_hbm.at[s, blk], dst_v)
        pltpu.async_copy(x_hbm.at[src_v.at[0]], buf0, g0)

        def pair(i, carry2):
          j0 = 2 * i
          pltpu.make_async_copy(x_hbm.at[src_v.at[j0]], buf0, g0).wait()
          pltpu.async_copy(buf0, acc.at[dst_v.at[j0]], s0, add=True)
          pltpu.make_async_copy(x_hbm.at[src_v.at[j0 + 1]], buf1, g1).wait()
          pltpu.async_copy(buf1, acc.at[dst_v.at[j0 + 1]], s1, add=True)
          pltpu.make_async_copy(buf0, acc.at[dst_v.at[j0]], s0).wait()

          @pl.when(i + 1 < NPAIR)
          def _():
            pltpu.async_copy(x_hbm.at[src_v.at[j0 + 2]], buf0, g0)

          pltpu.make_async_copy(buf1, acc.at[dst_v.at[j0 + 1]], s1).wait()

          @pl.when(i + 1 < NPAIR)
          def _():
            pltpu.async_copy(x_hbm.at[src_v.at[j0 + 3]], buf1, g1)

          return carry2

        pltpu.async_copy(x_hbm.at[src_v.at[1]], buf1, g1)
        lax.fori_loop(0, NPAIR, pair, 0)
        return carry

      lax.fori_loop(0, NBLK, outer, 0)
      plsc.subcore_barrier()
      pltpu.sync_copy(acc.at[rows], out_hbm.at[rows])

    @pl.when(c == 0)
    def _():
      run(x0_hbm, out0_hbm)

    @pl.when(c == 1)
    def _():
      run(x1_hbm, out1_hbm)

  return agg_kernel


def _agg80(*args):
  return _make_sc_agg(80)(*args)


def _agg128(*args):
  return _make_sc_agg(128)(*args)


def _agg32(*args):
  return _make_sc_agg(C_PAD // 2)(*args)



def _row_spec(d):
  return pl.BlockSpec((BLK, d), lambda i: (i, 0))


def _full_spec(r, c_):
  return pl.BlockSpec((r, c_), lambda i: (0, 0))


def _layer1_body(a0_ref, a1_ref, x_ref, wla_ref, wlb_ref, wr_ref, b_ref,
                 h0_ref, h1_ref, inv_ref):
  cnt = a0_ref[:, 64:65]
  inv = 1.0 / jnp.maximum(cnt, 1.0)
  g = jnp.dot(a0_ref[:, :64], wla_ref[...], preferred_element_type=jnp.float32)
  g += jnp.dot(a1_ref[:, :64], wlb_ref[...], preferred_element_type=jnp.float32)
  h = g * inv + jnp.dot(x_ref[...], wr_ref[...],
                        preferred_element_type=jnp.float32) + b_ref[...]
  h = jnp.maximum(h, 0.0)
  h0_ref[...] = h[:, :128]
  h1_ref[...] = h[:, 128:]
  inv_ref[...] = inv


def _layer1_tc(a0, a1, x, wla, wlb, wr, b):
  return pl.pallas_call(
      _layer1_body,
      grid=(N_PAD // BLK,),
      in_specs=[_row_spec(80), _row_spec(80), _row_spec(F_IN),
                _full_spec(64, H), _full_spec(64, H), _full_spec(F_IN, H),
                _full_spec(1, H)],
      out_specs=(_row_spec(128), _row_spec(128), _row_spec(1)),
      out_shape=(jax.ShapeDtypeStruct((N_PAD, 128), jnp.float32),
                 jax.ShapeDtypeStruct((N_PAD, 128), jnp.float32),
                 jax.ShapeDtypeStruct((N_PAD, 1), jnp.float32)),
  )(a0, a1, x, wla, wlb, wr, b)


def _layer23_body(a0_ref, a1_ref, h0_ref, h1_ref, inv_ref,
                  wla_ref, wlb_ref, wra_ref, wrb_ref, b_ref,
                  wl3_ref, wr3_ref, b3_ref,
                  p0_ref, p1_ref, r3_ref):
  g = jnp.dot(a0_ref[...], wla_ref[...], preferred_element_type=jnp.float32)
  g += jnp.dot(a1_ref[...], wlb_ref[...], preferred_element_type=jnp.float32)
  r = jnp.dot(h0_ref[...], wra_ref[...], preferred_element_type=jnp.float32)
  r += jnp.dot(h1_ref[...], wrb_ref[...], preferred_element_type=jnp.float32)
  h2 = jnp.maximum(g * inv_ref[...] + r + b_ref[...], 0.0)
  p = jnp.dot(h2, wl3_ref[...], preferred_element_type=jnp.float32)
  p0_ref[...] = p[:, :C_PAD // 2]
  p1_ref[...] = p[:, C_PAD // 2:]
  r3_ref[...] = jnp.dot(h2, wr3_ref[...],
                        preferred_element_type=jnp.float32) + b3_ref[...]


def _layer23_tc(a0, a1, h0, h1, inv, wla, wlb, wra, wrb, b, wl3, wr3, b3):
  half = C_PAD // 2
  return pl.pallas_call(
      _layer23_body,
      grid=(N_PAD // BLK,),
      in_specs=[_row_spec(128), _row_spec(128), _row_spec(128), _row_spec(128),
                _row_spec(1),
                _full_spec(128, H), _full_spec(128, H),
                _full_spec(128, H), _full_spec(128, H), _full_spec(1, H),
                _full_spec(H, C_PAD), _full_spec(H, C_PAD),
                _full_spec(1, C_PAD)],
      out_specs=(_row_spec(half), _row_spec(half), _row_spec(C_PAD)),
      out_shape=(jax.ShapeDtypeStruct((N_PAD, half), jnp.float32),
                 jax.ShapeDtypeStruct((N_PAD, half), jnp.float32),
                 jax.ShapeDtypeStruct((N_PAD, C_PAD), jnp.float32)),
  )(a0, a1, h0, h1, inv, wla, wlb, wra, wrb, b, wl3, wr3, b3)


def _final_body(a0_ref, a1_ref, r_ref, inv_ref, out_ref):
  v = jnp.concatenate([a0_ref[...], a1_ref[...]], axis=1) * inv_ref[...]
  v = v + r_ref[...]
  col = lax.broadcasted_iota(jnp.int32, (BLK, C_PAD), 1)
  valid = col < C
  mx = jnp.max(jnp.where(valid, v, -jnp.inf), axis=1, keepdims=True)
  e = jnp.where(valid, jnp.exp(v - mx), 0.0)
  lse = jnp.log(jnp.sum(e, axis=1, keepdims=True))
  out_ref[...] = (v - mx - lse)[:, :C]


def _final_tc(a0, a1, r, inv):
  half = C_PAD // 2
  return pl.pallas_call(
      _final_body,
      grid=(N_PAD // BLK,),
      in_specs=[_row_spec(half), _row_spec(half), _row_spec(C_PAD),
                _row_spec(1)],
      out_specs=_row_spec(C),
      out_shape=jax.ShapeDtypeStruct((N_PAD, C), jnp.float32),
  )(a0, a1, r, inv)



def kernel(x, edge_index, Wl1, Wr1, b1, Wl2, Wr2, b2, Wl3, Wr3, b3):
  src = edge_index[0].astype(jnp.int32)
  dst = edge_index[1].astype(jnp.int32)
  src3 = src.reshape(NTILE, NCHUNK, CHUNK)
  dst3 = dst.reshape(NTILE, NCHUNK, CHUNK)

  xp = jnp.pad(x, ((0, N_PAD - N), (0, 0)))
  ones = jnp.ones((N_PAD, 16), jnp.float32)
  x0 = jnp.concatenate([xp[:, :64], ones], axis=1)
  x1 = jnp.concatenate([xp[:, 64:], ones], axis=1)
  z80 = jnp.zeros((ROWS_PER_TILE, 80), jnp.float32)
  a10, a11 = _agg80(x0, x1, src3, dst3, z80)

  h0, h1, inv = _layer1_tc(a10, a11, xp, Wl1[:64], Wl1[64:], Wr1,
                           b1.reshape(1, H))

  z128 = jnp.zeros((ROWS_PER_TILE, 128), jnp.float32)
  a20, a21 = _agg128(h0, h1, src3, dst3, z128)

  wl3 = jnp.pad(Wl3, ((0, 0), (0, C_PAD - C)))
  wr3 = jnp.pad(Wr3, ((0, 0), (0, C_PAD - C)))
  b3p = jnp.pad(b3, (0, C_PAD - C)).reshape(1, C_PAD)
  p0, p1, r3 = _layer23_tc(a20, a21, h0, h1, inv, Wl2[:128], Wl2[128:],
                           Wr2[:128], Wr2[128:], b2.reshape(1, H),
                           wl3, wr3, b3p)

  z32 = jnp.zeros((ROWS_PER_TILE, C_PAD // 2), jnp.float32)
  a30, a31 = _agg32(p0, p1, src3, dst3, z32)

  return _final_tc(a30, a31, r3, inv)[:N]

# --- scband reference (transcript-rebuilt; emitter-appended) ---
"""Pipeline reference for scband-graph-sagemodel-31593779429434 (READ-ONLY COPY).

The authoritative reference and input builder live on the scoring server;
editing this copy changes nothing except your own understanding.
"""

import jax, jax.numpy as jnp
import numpy as np

N = 10000
E = 320000
F_IN = 128
H = 256
C = 40


def setup_inputs(seed: int = 0) -> dict:
    key = jax.random.key(seed)
    ks = jax.random.split(key, 12)
    x = jax.random.normal(ks[0], (N, F_IN), dtype=jnp.float32)
    edge_index = jax.random.randint(ks[1], (2, E), 0, N, dtype=jnp.int64)
    def w(k, fi, fo):
        return jax.random.normal(k, (fi, fo), dtype=jnp.float32) * (1.0 / np.sqrt(fi))
    return {
        "x": x,
        "edge_index": edge_index,
        "Wl1": w(ks[2], F_IN, H), "Wr1": w(ks[3], F_IN, H), "b1": jnp.zeros((H,), jnp.float32),
        "Wl2": w(ks[4], H, H),    "Wr2": w(ks[5], H, H),    "b2": jnp.zeros((H,), jnp.float32),
        "Wl3": w(ks[6], H, C),    "Wr3": w(ks[7], H, C),    "b3": jnp.zeros((C,), jnp.float32),
    }


def _sage_conv(x, edge_index, Wl, Wr, b):
    # PyG SAGEConv with mean aggregation:
    # out = lin_l(mean_{j in N(i)} x_j) + lin_r(x_i)
    n = x.shape[0]
    src = edge_index[0]
    dst = edge_index[1]
    msgs = x[src]  # gather: [E, d]
    agg = jax.ops.segment_sum(msgs, dst, num_segments=n)  # scatter-add
    cnt = jax.ops.segment_sum(jnp.ones((edge_index.shape[1], 1), x.dtype), dst, num_segments=n)
    mean = agg / jnp.clip(cnt, 1.0)
    return mean @ Wl + x @ Wr + b


def reference(x, edge_index, Wl1, Wr1, b1, Wl2, Wr2, b2, Wl3, Wr3, b3):
    h = jax.nn.relu(_sage_conv(x, edge_index, Wl1, Wr1, b1))
    h = jax.nn.relu(_sage_conv(h, edge_index, Wl2, Wr2, b2))
    h = _sage_conv(h, edge_index, Wl3, Wr3, b3)
    return jax.nn.log_softmax(h, axis=1)

if __name__ == "__main__":
    import jax
    _d = setup_inputs()
    print(jax.jit(kernel)(*tuple(_d.values())))

</pallas_src>

<mosaic_0001>
#map = affine_map<(d0, d1) -> (0, 0)>
#map1 = affine_map<(d0, d1) -> (0, 0, 0)>
module attributes {stable_mosaic.version = 14 : i64} {
  func.func @agg_kernel(%arg0: i32, %arg1: i32, %arg2: memref<10240x128xf32, #tpu.memory_space<hbm>>, %arg3: memref<10240x128xf32, #tpu.memory_space<hbm>>, %arg4: memref<16x160x125xi32, #tpu.memory_space<hbm>>, %arg5: memref<16x160x125xi32, #tpu.memory_space<hbm>>, %arg6: memref<640x128xf32, #tpu.memory_space<hbm>>, %arg7: memref<10240x128xf32, #tpu.memory_space<hbm>>, %arg8: memref<10240x128xf32, #tpu.memory_space<hbm>>, %arg9: memref<10240x128xf32, #tpu.memory_space<vmem_shared>>, %arg10: memref<40x125xi32, #tpu.memory_space<vmem>>, %arg11: memref<40x125xi32, #tpu.memory_space<vmem>>, %arg12: memref<125x128xf32, #tpu.memory_space<vmem>>, %arg13: memref<125x128xf32, #tpu.memory_space<vmem>>, %arg14: memref<!tpu.dma_semaphore, #tpu.memory_space<semaphore_mem>>, %arg15: memref<!tpu.dma_semaphore, #tpu.memory_space<semaphore_mem>>, %arg16: memref<!tpu.dma_semaphore, #tpu.memory_space<semaphore_mem>>, %arg17: memref<!tpu.dma_semaphore, #tpu.memory_space<semaphore_mem>>) attributes {dimension_semantics = [#tpu.dimension_semantics<core_parallel>, #tpu.dimension_semantics<subcore_parallel>], iteration_bounds = array<i64: 2, 16>, scalar_prefetch = 0 : i64, scratch_operands = 9 : i64, tpu.core_type = #tpu.core_type<sc_vector_subcore>, window_params = [{transform_indices = #map}, {transform_indices = #map}, {transform_indices = #map1}, {transform_indices = #map1}, {transform_indices = #map}, {transform_indices = #map}, {transform_indices = #map}]} {
    %mul3A = arith.constant 640 : i32
    %mul3A_0 = arith.muli %arg1, %mul3A : i32
    "tpu.region"() ({
      %run_scoped3A = tpu.sem_alloc : memref<!tpu.dma_semaphore, #tpu.memory_space<semaphore_mem>>
      %dma_start3A = arith.constant 0 : i32
      %dma_start3A_8 = tpu.memref_slice %arg9[%mul3A_0, %dma_start3A] : memref<10240x128xf32, #tpu.memory_space<vmem_shared>> -> memref<640x128xf32, #tpu.memory_space<vmem_shared>>
      tpu.enqueue_dma source(%arg6 : memref<640x128xf32, #tpu.memory_space<hbm>>) target(%dma_start3A_8 : memref<640x128xf32, #tpu.memory_space<vmem_shared>>) target_semaphore(%run_scoped3A : memref<!tpu.dma_semaphore, #tpu.memory_space<semaphore_mem>>)
      %dma_wait3A = arith.constant 0 : i32
      %dma_wait3A_9 = tpu.memref_slice %arg9[%mul3A_0, %dma_wait3A] : memref<10240x128xf32, #tpu.memory_space<vmem_shared>> -> memref<640x128xf32, #tpu.memory_space<vmem_shared>>
      tpu.wait_dma2 semaphore(%run_scoped3A : memref<!tpu.dma_semaphore, #tpu.memory_space<semaphore_mem>>) src(%arg6 : memref<640x128xf32, #tpu.memory_space<hbm>>) dst(%dma_wait3A_9 : memref<640x128xf32, #tpu.memory_space<vmem_shared>>)
      tpu.yield
    }) : () -> ()
    %barrier3A = arith.constant 0 : index
    tpu.barrier barrier_id(%barrier3A)
    %eq3A = arith.constant 0 : i32
    %eq3A_1 = arith.cmpi eq, %arg0, %eq3A : i32
    %convert_element_type3A = arith.extui %eq3A_1 : i1 to i32
    %cond3A = arith.constant 0 : i32
    %cond3A_2 = arith.cmpi ne, %convert_element_type3A, %cond3A : i32
    scf.if %cond3A_2 {
      %scan3A = arith.constant 0 : i32
      %scan3A_8 = arith.constant 0 : i32
      %scan3A_9 = arith.constant 4 : i32
      %scan3A_10 = arith.addi %scan3A_8, %scan3A_9 : i32
      %scan3A_11 = arith.constant 1 : i32
      scf.for %scan3A_14 = %scan3A_8 to %scan3A_10 step %scan3A_11  : i32 {
        %mul3A_15 = arith.constant 40 : i32
        %mul3A_16 = arith.muli %scan3A_14, %mul3A_15 : i32
        "tpu.region"() ({
          %run_scoped3A = tpu.sem_alloc : memref<!tpu.dma_semaphore, #tpu.memory_space<semaphore_mem>>
          %dma_start3A_36 = arith.constant 0 : i32
          %dma_start3A_37 = tpu.memref_slice %arg4[%arg1, %mul3A_16, %dma_start3A_36] : memref<16x160x125xi32, #tpu.memory_space<hbm>> -> memref<1x40x125xi32, #tpu.memory_space<hbm>>
          %dma_start3A_38 = tpu.memref_squeeze %dma_start3A_37 : memref<1x40x125xi32, #tpu.memory_space<hbm>> -> memref<40x125xi32, #tpu.memory_space<hbm>>
          %dma_start3A_39 = arith.constant 0 : i32
          %dma_start3A_40 = tpu.memref_slice %arg4[%arg1, %mul3A_16, %dma_start3A_39] : memref<16x160x125xi32, #tpu.memory_space<hbm>> -> memref<1x40x125xi32, #tpu.memory_space<hbm>>
          %dma_start3A_41 = tpu.memref_squeeze %dma_start3A_40 : memref<1x40x125xi32, #tpu.memory_space<hbm>> -> memref<40x125xi32, #tpu.memory_space<hbm>>
          tpu.enqueue_dma source(%dma_start3A_41 : memref<40x125xi32, #tpu.memory_space<hbm>>) target(%arg10 : memref<40x125xi32, #tpu.memory_space<vmem>>) target_semaphore(%run_scoped3A : memref<!tpu.dma_semaphore, #tpu.memory_space<semaphore_mem>>)
          %dma_wait3A = arith.constant 0 : i32
          %dma_wait3A_42 = tpu.memref_slice %arg4[%arg1, %mul3A_16, %dma_wait3A] : memref<16x160x125xi32, #tpu.memory_space<hbm>> -> memref<1x40x125xi32, #tpu.memory_space<hbm>>
          %dma_wait3A_43 = tpu.memref_squeeze %dma_wait3A_42 : memref<1x40x125xi32, #tpu.memory_space<hbm>> -> memref<40x125xi32, #tpu.memory_space<hbm>>
          %dma_wait3A_44 = arith.constant 0 : i32
          %dma_wait3A_45 = tpu.memref_slice %arg4[%arg1, %mul3A_16, %dma_wait3A_44] : memref<16x160x125xi32, #tpu.memory_space<hbm>> -> memref<1x40x125xi32, #tpu.memory_space<hbm>>
          %dma_wait3A_46 = tpu.memref_squeeze %dma_wait3A_45 : memref<1x40x125xi32, #tpu.memory_space<hbm>> -> memref<40x125xi32, #tpu.memory_space<hbm>>
          tpu.wait_dma2 semaphore(%run_scoped3A : memref<!tpu.dma_semaphore, #tpu.memory_space<semaphore_mem>>) src(%dma_wait3A_46 : memref<40x125xi32, #tpu.memory_space<hbm>>) dst(%arg10 : memref<40x125xi32, #tpu.memory_space<vmem>>)
          tpu.yield
        }) : () -> ()
        "tpu.region"() ({
          %run_scoped3A = tpu.sem_alloc : memref<!tpu.dma_semaphore, #tpu.memory_space<semaphore_mem>>
          %dma_start3A_36 = arith.constant 0 : i32
          %dma_start3A_37 = tpu.memref_slice %arg5[%arg1, %mul3A_16, %dma_start3A_36] : memref<16x160x125xi32, #tpu.memory_space<hbm>> -> memref<1x40x125xi32, #tpu.memory_space<hbm>>
          %dma_start3A_38 = tpu.memref_squeeze %dma_start3A_37 : memref<1x40x125xi32, #tpu.memory_space<hbm>> -> memref<40x125xi32, #tpu.memory_space<hbm>>
          %dma_start3A_39 = arith.constant 0 : i32
          %dma_start3A_40 = tpu.memref_slice %arg5[%arg1, %mul3A_16, %dma_start3A_39] : memref<16x160x125xi32, #tpu.memory_space<hbm>> -> memref<1x40x125xi32, #tpu.memory_space<hbm>>
          %dma_start3A_41 = tpu.memref_squeeze %dma_start3A_40 : memref<1x40x125xi32, #tpu.memory_space<hbm>> -> memref<40x125xi32, #tpu.memory_space<hbm>>
          tpu.enqueue_dma source(%dma_start3A_41 : memref<40x125xi32, #tpu.memory_space<hbm>>) target(%arg11 : memref<40x125xi32, #tpu.memory_space<vmem>>) target_semaphore(%run_scoped3A : memref<!tpu.dma_semaphore, #tpu.memory_space<semaphore_mem>>)
          %dma_wait3A = arith.constant 0 : i32
          %dma_wait3A_42 = tpu.memref_slice %arg5[%arg1, %mul3A_16, %dma_wait3A] : memref<16x160x125xi32, #tpu.memory_space<hbm>> -> memref<1x40x125xi32, #tpu.memory_space<hbm>>
          %dma_wait3A_43 = tpu.memref_squeeze %dma_wait3A_42 : memref<1x40x125xi32, #tpu.memory_space<hbm>> -> memref<40x125xi32, #tpu.memory_space<hbm>>
          %dma_wait3A_44 = arith.constant 0 : i32
          %dma_wait3A_45 = tpu.memref_slice %arg5[%arg1, %mul3A_16, %dma_wait3A_44] : memref<16x160x125xi32, #tpu.memory_space<hbm>> -> memref<1x40x125xi32, #tpu.memory_space<hbm>>
          %dma_wait3A_46 = tpu.memref_squeeze %dma_wait3A_45 : memref<1x40x125xi32, #tpu.memory_space<hbm>> -> memref<40x125xi32, #tpu.memory_space<hbm>>
          tpu.wait_dma2 semaphore(%run_scoped3A : memref<!tpu.dma_semaphore, #tpu.memory_space<semaphore_mem>>) src(%dma_wait3A_46 : memref<40x125xi32, #tpu.memory_space<hbm>>) dst(%arg11 : memref<40x125xi32, #tpu.memory_space<vmem>>)
          tpu.yield
        }) : () -> ()
        %dma_start3A = arith.constant 0 : i32
        %dma_start3A_17 = arith.constant 0 : i32
        %dma_start3A_18 = tpu.memref_slice %arg10[%dma_start3A, %dma_start3A_17] : memref<40x125xi32, #tpu.memory_space<vmem>> -> memref<1x125xi32, #tpu.memory_space<vmem>>
        %dma_start3A_19 = tpu.memref_squeeze %dma_start3A_18 : memref<1x125xi32, #tpu.memory_space<vmem>> -> memref<125xi32, #tpu.memory_space<vmem>>
        %dma_start3A_20 = arith.constant 0 : i32
        %dma_start3A_21 = arith.constant 0 : i32
        %dma_start3A_22 = tpu.memref_slice %arg2[%dma_start3A_20, %dma_start3A_21] : memref<10240x128xf32, #tpu.memory_space<hbm>> -> memref<10240x128xf32, #tpu.memory_space<hbm>>
        tpu.enqueue_indirect_dma source(%dma_start3A_22 : memref<10240x128xf32, #tpu.memory_space<hbm>>) target(%arg12 : memref<125x128xf32, #tpu.memory_space<vmem>>) offsets(%dma_start3A_19 : memref<125xi32, #tpu.memory_space<vmem>>) semaphore(%arg14 : memref<!tpu.dma_semaphore, #tpu.memory_space<semaphore_mem>>)
        %dma_start3A_23 = arith.constant 1 : i32
        %dma_start3A_24 = arith.constant 0 : i32
        %dma_start3A_25 = tpu.memref_slice %arg10[%dma_start3A_23, %dma_start3A_24] : memref<40x125xi32, #tpu.memory_space<vmem>> -> memref<1x125xi32, #tpu.memory_space<vmem>>
        %dma_start3A_26 = tpu.memref_squeeze %dma_start3A_25 : memref<1x125xi32, #tpu.memory_space<vmem>> -> memref<125xi32, #tpu.memory_space<vmem>>
        %dma_start3A_27 = arith.constant 0 : i32
        %dma_start3A_28 = arith.constant 0 : i32
        %dma_start3A_29 = tpu.memref_slice %arg2[%dma_start3A_27, %dma_start3A_28] : memref<10240x128xf32, #tpu.memory_space<hbm>> -> memref<10240x128xf32, #tpu.memory_space<hbm>>
        tpu.enqueue_indirect_dma source(%dma_start3A_29 : memref<10240x128xf32, #tpu.memory_space<hbm>>) target(%arg13 : memref<125x128xf32, #tpu.memory_space<vmem>>) offsets(%dma_start3A_26 : memref<125xi32, #tpu.memory_space<vmem>>) semaphore(%arg15 : memref<!tpu.dma_semaphore, #tpu.memory_space<semaphore_mem>>)
        %scan3A_30 = arith.constant 0 : i32
        %scan3A_31 = arith.constant 0 : i32
        %scan3A_32 = arith.constant 20 : i32
        %scan3A_33 = arith.addi %scan3A_31, %scan3A_32 : i32
        %scan3A_34 = arith.constant 1 : i32
        scf.for %scan3A_36 = %scan3A_31 to %scan3A_33 step %scan3A_34  : i32 {
          %mul3A_37 = arith.constant 2 : i32
          %mul3A_38 = arith.muli %mul3A_37, %scan3A_36 : i32
          %dma_wait3A = arith.constant 0 : i32
          %dma_wait3A_39 = tpu.memref_slice %arg10[%mul3A_38, %dma_wait3A] : memref<40x125xi32, #tpu.memory_space<vmem>> -> memref<1x125xi32, #tpu.memory_space<vmem>>
          %dma_wait3A_40 = tpu.memref_squeeze %dma_wait3A_39 : memref<1x125xi32, #tpu.memory_space<vmem>> -> memref<125xi32, #tpu.memory_space<vmem>>
          %dma_wait3A_41 = arith.constant 0 : i32
          %dma_wait3A_42 = arith.constant 0 : i32
          %dma_wait3A_43 = tpu.memref_slice %arg2[%dma_wait3A_41, %dma_wait3A_42] : memref<10240x128xf32, #tpu.memory_space<hbm>> -> memref<10240x128xf32, #tpu.memory_space<hbm>>
          tpu.wait_indirect_dma semaphore(%arg14 : memref<!tpu.dma_semaphore, #tpu.memory_space<semaphore_mem>>) src(%dma_wait3A_43 : memref<10240x128xf32, #tpu.memory_space<hbm>>) dst(%arg12 : memref<125x128xf32, #tpu.memory_space<vmem>>)
          %dma_start3A_44 = arith.constant 0 : i32
          %dma_start3A_45 = tpu.memref_slice %arg11[%mul3A_38, %dma_start3A_44] : memref<40x125xi32, #tpu.memory_space<vmem>> -> memref<1x125xi32, #tpu.memory_space<vmem>>
          %dma_start3A_46 = tpu.memref_squeeze %dma_start3A_45 : memref<1x125xi32, #tpu.memory_space<vmem>> -> memref<125xi32, #tpu.memory_space<vmem>>
          %dma_start3A_47 = arith.constant 0 : i32
          %dma_start3A_48 = arith.constant 0 : i32
          %dma_start3A_49 = tpu.memref_slice %arg9[%dma_start3A_47, %dma_start3A_48] : memref<10240x128xf32, #tpu.memory_space<vmem_shared>> -> memref<10240x128xf32, #tpu.memory_space<vmem_shared>>
          tpu.enqueue_indirect_dma source(%arg12 : memref<125x128xf32, #tpu.memory_space<vmem>>) target(%dma_start3A_49 : memref<10240x128xf32, #tpu.memory_space<vmem_shared>>) offsets(%dma_start3A_46 : memref<125xi32, #tpu.memory_space<vmem>>) semaphore(%arg16 : memref<!tpu.dma_semaphore, #tpu.memory_space<semaphore_mem>>) {add = true}
          %add3A = arith.constant 1 : i32
          %add3A_50 = arith.addi %mul3A_38, %add3A : i32
          %dma_wait3A_51 = arith.constant 0 : i32
          %dma_wait3A_52 = tpu.memref_slice %arg10[%add3A_50, %dma_wait3A_51] : memref<40x125xi32, #tpu.memory_space<vmem>> -> memref<1x125xi32, #tpu.memory_space<vmem>>
          %dma_wait3A_53 = tpu.memref_squeeze %dma_wait3A_52 : memref<1x125xi32, #tpu.memory_space<vmem>> -> memref<125xi32, #tpu.memory_space<vmem>>
          %dma_wait3A_54 = arith.constant 0 : i32
          %dma_wait3A_55 = arith.constant 0 : i32
          %dma_wait3A_56 = tpu.memref_slice %arg2[%dma_wait3A_54, %dma_wait3A_55] : memref<10240x128xf32, #tpu.memory_space<hbm>> -> memref<10240x128xf32, #tpu.memory_space<hbm>>
          tpu.wait_indirect_dma semaphore(%arg15 : memref<!tpu.dma_semaphore, #tpu.memory_space<semaphore_mem>>) src(%dma_wait3A_56 : memref<10240x128xf32, #tpu.memory_space<hbm>>) dst(%arg13 : memref<125x128xf32, #tpu.memory_space<vmem>>)
          %add3A_57 = arith.constant 1 : i32
          %add3A_58 = arith.addi %mul3A_38, %add3A_57 : i32
          %dma_start3A_59 = arith.constant 0 : i32
          %dma_start3A_60 = tpu.memref_slice %arg11[%add3A_58, %dma_start3A_59] : memref<40x125xi32, #tpu.memory_space<vmem>> -> memref<1x125xi32, #tpu.memory_space<vmem>>
          %dma_start3A_61 = tpu.memref_squeeze %dma_start3A_60 : memref<1x125xi32, #tpu.memory_space<vmem>> -> memref<125xi32, #tpu.memory_space<vmem>>
          %dma_start3A_62 = arith.constant 0 : i32
          %dma_start3A_63 = arith.constant 0 : i32
          %dma_start3A_64 = tpu.memref_slice %arg9[%dma_start3A_62, %dma_start3A_63] : memref<10240x128xf32, #tpu.memory_space<vmem_shared>> -> memref<10240x128xf32, #tpu.memory_space<vmem_shared>>
          tpu.enqueue_indirect_dma source(%arg13 : memref<125x128xf32, #tpu.memory_space<vmem>>) target(%dma_start3A_64 : memref<10240x128xf32, #tpu.memory_space<vmem_shared>>) offsets(%dma_start3A_61 : memref<125xi32, #tpu.memory_space<vmem>>) semaphore(%arg17 : memref<!tpu.dma_semaphore, #tpu.memory_space<semaphore_mem>>) {add = true}
          %dma_wait3A_65 = arith.constant 0 : i32
          %dma_wait3A_66 = tpu.memref_slice %arg11[%mul3A_38, %dma_wait3A_65] : memref<40x125xi32, #tpu.memory_space<vmem>> -> memref<1x125xi32, #tpu.memory_space<vmem>>
          %dma_wait3A_67 = tpu.memref_squeeze %dma_wait3A_66 : memref<1x125xi32, #tpu.memory_space<vmem>> -> memref<125xi32, #tpu.memory_space<vmem>>
          %dma_wait3A_68 = arith.constant 0 : i32
          %dma_wait3A_69 = arith.constant 0 : i32
          %dma_wait3A_70 = tpu.memref_slice %arg9[%dma_wait3A_68, %dma_wait3A_69] : memref<10240x128xf32, #tpu.memory_space<vmem_shared>> -> memref<10240x128xf32, #tpu.memory_space<vmem_shared>>
          tpu.wait_indirect_dma semaphore(%arg16 : memref<!tpu.dma_semaphore, #tpu.memory_space<semaphore_mem>>) src(%arg12 : memref<125x128xf32, #tpu.memory_space<vmem>>) dst(%dma_wait3A_70 : memref<10240x128xf32, #tpu.memory_space<vmem_shared>>)
          %add3A_71 = arith.constant 1 : i32
          %add3A_72 = arith.addi %scan3A_36, %add3A_71 : i32
          %lt3A = arith.constant 20 : i32
          %lt3A_73 = arith.cmpi slt, %add3A_72, %lt3A : i32
          %convert_element_type3A_74 = arith.extui %lt3A_73 : i1 to i32
          %cond3A_75 = arith.constant 0 : i32
          %cond3A_76 = arith.cmpi ne, %convert_element_type3A_74, %cond3A_75 : i32
          scf.if %cond3A_76 {
            %add3A_92 = arith.constant 2 : i32
            %add3A_93 = arith.addi %mul3A_38, %add3A_92 : i32
            %dma_start3A_94 = arith.constant 0 : i32
            %dma_start3A_95 = tpu.memref_slice %arg10[%add3A_93, %dma_start3A_94] : memref<40x125xi32, #tpu.memory_space<vmem>> -> memref<1x125xi32, #tpu.memory_space<vmem>>
            %dma_start3A_96 = tpu.memref_squeeze %dma_start3A_95 : memref<1x125xi32, #tpu.memory_space<vmem>> -> memref<125xi32, #tpu.memory_space<vmem>>
            %dma_start3A_97 = arith.constant 0 : i32
            %dma_start3A_98 = arith.constant 0 : i32
            %dma_start3A_99 = tpu.memref_slice %arg2[%dma_start3A_97, %dma_start3A_98] : memref<10240x128xf32, #tpu.memory_space<hbm>> -> memref<10240x128xf32, #tpu.memory_space<hbm>>
            tpu.enqueue_indirect_dma source(%dma_start3A_99 : memref<10240x128xf32, #tpu.memory_space<hbm>>) target(%arg12 : memref<125x128xf32, #tpu.memory_space<vmem>>) offsets(%dma_start3A_96 : memref<125xi32, #tpu.memory_space<vmem>>) semaphore(%arg14 : memref<!tpu.dma_semaphore, #tpu.memory_space<semaphore_mem>>)
          } else {
          }
          %add3A_77 = arith.constant 1 : i32
          %add3A_78 = arith.addi %mul3A_38, %add3A_77 : i32
          %dma_wait3A_79 = arith.constant 0 : i32
          %dma_wait3A_80 = tpu.memref_slice %arg11[%add3A_78, %dma_wait3A_79] : memref<40x125xi32, #tpu.memory_space<vmem>> -> memref<1x125xi32, #tpu.memory_space<vmem>>
          %dma_wait3A_81 = tpu.memref_squeeze %dma_wait3A_80 : memref<1x125xi32, #tpu.memory_space<vmem>> -> memref<125xi32, #tpu.memory_space<vmem>>
          %dma_wait3A_82 = arith.constant 0 : i32
          %dma_wait3A_83 = arith.constant 0 : i32
          %dma_wait3A_84 = tpu.memref_slice %arg9[%dma_wait3A_82, %dma_wait3A_83] : memref<10240x128xf32, #tpu.memory_space<vmem_shared>> -> memref<10240x128xf32, #tpu.memory_space<vmem_shared>>
          tpu.wait_indirect_dma semaphore(%arg17 : memref<!tpu.dma_semaphore, #tpu.memory_space<semaphore_mem>>) src(%arg13 : memref<125x128xf32, #tpu.memory_space<vmem>>) dst(%dma_wait3A_84 : memref<10240x128xf32, #tpu.memory_space<vmem_shared>>)
          %add3A_85 = arith.constant 1 : i32
          %add3A_86 = arith.addi %scan3A_36, %add3A_85 : i32
          %lt3A_87 = arith.constant 20 : i32
          %lt3A_88 = arith.cmpi slt, %add3A_86, %lt3A_87 : i32
          %convert_element_type3A_89 = arith.extui %lt3A_88 : i1 to i32
          %cond3A_90 = arith.constant 0 : i32
          %cond3A_91 = arith.cmpi ne, %convert_element_type3A_89, %cond3A_90 : i32
          scf.if %cond3A_91 {
            %add3A_92 = arith.constant 3 : i32
            %add3A_93 = arith.addi %mul3A_38, %add3A_92 : i32
            %dma_start3A_94 = arith.constant 0 : i32
            %dma_start3A_95 = tpu.memref_slice %arg10[%add3A_93, %dma_start3A_94] : memref<40x125xi32, #tpu.memory_space<vmem>> -> memref<1x125xi32, #tpu.memory_space<vmem>>
            %dma_start3A_96 = tpu.memref_squeeze %dma_start3A_95 : memref<1x125xi32, #tpu.memory_space<vmem>> -> memref<125xi32, #tpu.memory_space<vmem>>
            %dma_start3A_97 = arith.constant 0 : i32
            %dma_start3A_98 = arith.constant 0 : i32
            %dma_start3A_99 = tpu.memref_slice %arg2[%dma_start3A_97, %dma_start3A_98] : memref<10240x128xf32, #tpu.memory_space<hbm>> -> memref<10240x128xf32, #tpu.memory_space<hbm>>
            tpu.enqueue_indirect_dma source(%dma_start3A_99 : memref<10240x128xf32, #tpu.memory_space<hbm>>) target(%arg13 : memref<125x128xf32, #tpu.memory_space<vmem>>) offsets(%dma_start3A_96 : memref<125xi32, #tpu.memory_space<vmem>>) semaphore(%arg15 : memref<!tpu.dma_semaphore, #tpu.memory_space<semaphore_mem>>)
          } else {
          }
        }
        %scan3A_35 = arith.constant 20 : i32
      }
      %scan3A_12 = arith.constant 4 : i32
      %barrier3A_13 = arith.constant 0 : index
      tpu.barrier barrier_id(%barrier3A_13)
      "tpu.region"() ({
        %run_scoped3A = tpu.sem_alloc : memref<!tpu.dma_semaphore, #tpu.memory_space<semaphore_mem>>
        %dma_start3A = arith.constant 0 : i32
        %dma_start3A_14 = tpu.memref_slice %arg7[%mul3A_0, %dma_start3A] : memref<10240x128xf32, #tpu.memory_space<hbm>> -> memref<640x128xf32, #tpu.memory_space<hbm>>
        %dma_start3A_15 = arith.constant 0 : i32
        %dma_start3A_16 = tpu.memref_slice %arg9[%mul3A_0, %dma_start3A_15] : memref<10240x128xf32, #tpu.memory_space<vmem_shared>> -> memref<640x128xf32, #tpu.memory_space<vmem_shared>>
        tpu.enqueue_dma source(%dma_start3A_16 : memref<640x128xf32, #tpu.memory_space<vmem_shared>>) target(%dma_start3A_14 : memref<640x128xf32, #tpu.memory_space<hbm>>) target_semaphore(%run_scoped3A : memref<!tpu.dma_semaphore, #tpu.memory_space<semaphore_mem>>)
        %dma_wait3A = arith.constant 0 : i32
        %dma_wait3A_17 = tpu.memref_slice %arg7[%mul3A_0, %dma_wait3A] : memref<10240x128xf32, #tpu.memory_space<hbm>> -> memref<640x128xf32, #tpu.memory_space<hbm>>
        %dma_wait3A_18 = arith.constant 0 : i32
        %dma_wait3A_19 = tpu.memref_slice %arg9[%mul3A_0, %dma_wait3A_18] : memref<10240x128xf32, #tpu.memory_space<vmem_shared>> -> memref<640x128xf32, #tpu.memory_space<vmem_shared>>
        tpu.wait_dma2 semaphore(%run_scoped3A : memref<!tpu.dma_semaphore, #tpu.memory_space<semaphore_mem>>) src(%dma_wait3A_19 : memref<640x128xf32, #tpu.memory_space<vmem_shared>>) dst(%dma_wait3A_17 : memref<640x128xf32, #tpu.memory_space<hbm>>)
        tpu.yield
      }) : () -> ()
    } else {
    }
    %eq3A_3 = arith.constant 1 : i32
    %eq3A_4 = arith.cmpi eq, %arg0, %eq3A_3 : i32
    %convert_element_type3A_5 = arith.extui %eq3A_4 : i1 to i32
    %cond3A_6 = arith.constant 0 : i32
    %cond3A_7 = arith.cmpi ne, %convert_element_type3A_5, %cond3A_6 : i32
    scf.if %cond3A_7 {
      %scan3A = arith.constant 0 : i32
      %scan3A_8 = arith.constant 0 : i32
      %scan3A_9 = arith.constant 4 : i32
      %scan3A_10 = arith.addi %scan3A_8, %scan3A_9 : i32
      %scan3A_11 = arith.constant 1 : i32
      scf.for %scan3A_14 = %scan3A_8 to %scan3A_10 step %scan3A_11  : i32 {
        %mul3A_15 = arith.constant 40 : i32
        %mul3A_16 = arith.muli %scan3A_14, %mul3A_15 : i32
        "tpu.region"() ({
          %run_scoped3A = tpu.sem_alloc : memref<!tpu.dma_semaphore, #tpu.memory_space<semaphore_mem>>
          %dma_start3A_36 = arith.constant 0 : i32
          %dma_start3A_37 = tpu.memref_slice %arg4[%arg1, %mul3A_16, %dma_start3A_36] : memref<16x160x125xi32, #tpu.memory_space<hbm>> -> memref<1x40x125xi32, #tpu.memory_space<hbm>>
          %dma_start3A_38 = tpu.memref_squeeze %dma_start3A_37 : memref<1x40x125xi32, #tpu.memory_space<hbm>> -> memref<40x125xi32, #tpu.memory_space<hbm>>
          %dma_start3A_39 = arith.constant 0 : i32
          %dma_start3A_40 = tpu.memref_slice %arg4[%arg1, %mul3A_16, %dma_start3A_39] : memref<16x160x125xi32, #tpu.memory_space<hbm>> -> memref<1x40x125xi32, #tpu.memory_space<hbm>>
          %dma_start3A_41 = tpu.memref_squeeze %dma_start3A_40 : memref<1x40x125xi32, #tpu.memory_space<hbm>> -> memref<40x125xi32, #tpu.memory_space<hbm>>
          tpu.enqueue_dma source(%dma_start3A_41 : memref<40x125xi32, #tpu.memory_space<hbm>>) target(%arg10 : memref<40x125xi32, #tpu.memory_space<vmem>>) target_semaphore(%run_scoped3A : memref<!tpu.dma_semaphore, #tpu.memory_space<semaphore_mem>>)
          %dma_wait3A = arith.constant 0 : i32
          %dma_wait3A_42 = tpu.memref_slice %arg4[%arg1, %mul3A_16, %dma_wait3A] : memref<16x160x125xi32, #tpu.memory_space<hbm>> -> memref<1x40x125xi32, #tpu.memory_space<hbm>>
          %dma_wait3A_43 = tpu.memref_squeeze %dma_wait3A_42 : memref<1x40x125xi32, #tpu.memory_space<hbm>> -> memref<40x125xi32, #tpu.memory_space<hbm>>
          %dma_wait3A_44 = arith.constant 0 : i32
          %dma_wait3A_45 = tpu.memref_slice %arg4[%arg1, %mul3A_16, %dma_wait3A_44] : memref<16x160x125xi32, #tpu.memory_space<hbm>> -> memref<1x40x125xi32, #tpu.memory_space<hbm>>
          %dma_wait3A_46 = tpu.memref_squeeze %dma_wait3A_45 : memref<1x40x125xi32, #tpu.memory_space<hbm>> -> memref<40x125xi32, #tpu.memory_space<hbm>>
          tpu.wait_dma2 semaphore(%run_scoped3A : memref<!tpu.dma_semaphore, #tpu.memory_space<semaphore_mem>>) src(%dma_wait3A_46 : memref<40x125xi32, #tpu.memory_space<hbm>>) dst(%arg10 : memref<40x125xi32, #tpu.memory_space<vmem>>)
          tpu.yield
        }) : () -> ()
        "tpu.region"() ({
          %run_scoped3A = tpu.sem_alloc : memref<!tpu.dma_semaphore, #tpu.memory_space<semaphore_mem>>
          %dma_start3A_36 = arith.constant 0 : i32
          %dma_start3A_37 = tpu.memref_slice %arg5[%arg1, %mul3A_16, %dma_start3A_36] : memref<16x160x125xi32, #tpu.memory_space<hbm>> -> memref<1x40x125xi32, #tpu.memory_space<hbm>>
          %dma_start3A_38 = tpu.memref_squeeze %dma_start3A_37 : memref<1x40x125xi32, #tpu.memory_space<hbm>> -> memref<40x125xi32, #tpu.memory_space<hbm>>
          %dma_start3A_39 = arith.constant 0 : i32
          %dma_start3A_40 = tpu.memref_slice %arg5[%arg1, %mul3A_16, %dma_start3A_39] : memref<16x160x125xi32, #tpu.memory_space<hbm>> -> memref<1x40x125xi32, #tpu.memory_space<hbm>>
          %dma_start3A_41 = tpu.memref_squeeze %dma_start3A_40 : memref<1x40x125xi32, #tpu.memory_space<hbm>> -> memref<40x125xi32, #tpu.memory_space<hbm>>
          tpu.enqueue_dma source(%dma_start3A_41 : memref<40x125xi32, #tpu.memory_space<hbm>>) target(%arg11 : memref<40x125xi32, #tpu.memory_space<vmem>>) target_semaphore(%run_scoped3A : memref<!tpu.dma_semaphore, #tpu.memory_space<semaphore_mem>>)
          %dma_wait3A = arith.constant 0 : i32
          %dma_wait3A_42 = tpu.memref_slice %arg5[%arg1, %mul3A_16, %dma_wait3A] : memref<16x160x125xi32, #tpu.memory_space<hbm>> -> memref<1x40x125xi32, #tpu.memory_space<hbm>>
          %dma_wait3A_43 = tpu.memref_squeeze %dma_wait3A_42 : memref<1x40x125xi32, #tpu.memory_space<hbm>> -> memref<40x125xi32, #tpu.memory_space<hbm>>
          %dma_wait3A_44 = arith.constant 0 : i32
          %dma_wait3A_45 = tpu.memref_slice %arg5[%arg1, %mul3A_16, %dma_wait3A_44] : memref<16x160x125xi32, #tpu.memory_space<hbm>> -> memref<1x40x125xi32, #tpu.memory_space<hbm>>
          %dma_wait3A_46 = tpu.memref_squeeze %dma_wait3A_45 : memref<1x40x125xi32, #tpu.memory_space<hbm>> -> memref<40x125xi32, #tpu.memory_space<hbm>>
          tpu.wait_dma2 semaphore(%run_scoped3A : memref<!tpu.dma_semaphore, #tpu.memory_space<semaphore_mem>>) src(%dma_wait3A_46 : memref<40x125xi32, #tpu.memory_space<hbm>>) dst(%arg11 : memref<40x125xi32, #tpu.memory_space<vmem>>)
          tpu.yield
        }) : () -> ()
        %dma_start3A = arith.constant 0 : i32
        %dma_start3A_17 = arith.constant 0 : i32
        %dma_start3A_18 = tpu.memref_slice %arg10[%dma_start3A, %dma_start3A_17] : memref<40x125xi32, #tpu.memory_space<vmem>> -> memref<1x125xi32, #tpu.memory_space<vmem>>
        %dma_start3A_19 = tpu.memref_squeeze %dma_start3A_18 : memref<1x125xi32, #tpu.memory_space<vmem>> -> memref<125xi32, #tpu.memory_space<vmem>>
        %dma_start3A_20 = arith.constant 0 : i32
        %dma_start3A_21 = arith.constant 0 : i32
        %dma_start3A_22 = tpu.memref_slice %arg3[%dma_start3A_20, %dma_start3A_21] : memref<10240x128xf32, #tpu.memory_space<hbm>> -> memref<10240x128xf32, #tpu.memory_space<hbm>>
        tpu.enqueue_indirect_dma source(%dma_start3A_22 : memref<10240x128xf32, #tpu.memory_space<hbm>>) target(%arg12 : memref<125x128xf32, #tpu.memory_space<vmem>>) offsets(%dma_start3A_19 : memref<125xi32, #tpu.memory_space<vmem>>) semaphore(%arg14 : memref<!tpu.dma_semaphore, #tpu.memory_space<semaphore_mem>>)
        %dma_start3A_23 = arith.constant 1 : i32
        %dma_start3A_24 = arith.constant 0 : i32
        %dma_start3A_25 = tpu.memref_slice %arg10[%dma_start3A_23, %dma_start3A_24] : memref<40x125xi32, #tpu.memory_space<vmem>> -> memref<1x125xi32, #tpu.memory_space<vmem>>
        %dma_start3A_26 = tpu.memref_squeeze %dma_start3A_25 : memref<1x125xi32, #tpu.memory_space<vmem>> -> memref<125xi32, #tpu.memory_space<vmem>>
        %dma_start3A_27 = arith.constant 0 : i32
        %dma_start3A_28 = arith.constant 0 : i32
        %dma_start3A_29 = tpu.memref_slice %arg3[%dma_start3A_27, %dma_start3A_28] : memref<10240x128xf32, #tpu.memory_space<hbm>> -> memref<10240x128xf32, #tpu.memory_space<hbm>>
        tpu.enqueue_indirect_dma source(%dma_start3A_29 : memref<10240x128xf32, #tpu.memory_space<hbm>>) target(%arg13 : memref<125x128xf32, #tpu.memory_space<vmem>>) offsets(%dma_start3A_26 : memref<125xi32, #tpu.memory_space<vmem>>) semaphore(%arg15 : memref<!tpu.dma_semaphore, #tpu.memory_space<semaphore_mem>>)
        %scan3A_30 = arith.constant 0 : i32
        %scan3A_31 = arith.constant 0 : i32
        %scan3A_32 = arith.constant 20 : i32
        %scan3A_33 = arith.addi %scan3A_31, %scan3A_32 : i32
        %scan3A_34 = arith.constant 1 : i32
        scf.for %scan3A_36 = %scan3A_31 to %scan3A_33 step %scan3A_34  : i32 {
          %mul3A_37 = arith.constant 2 : i32
          %mul3A_38 = arith.muli %mul3A_37, %scan3A_36 : i32
          %dma_wait3A = arith.constant 0 : i32
          %dma_wait3A_39 = tpu.memref_slice %arg10[%mul3A_38, %dma_wait3A] : memref<40x125xi32, #tpu.memory_space<vmem>> -> memref<1x125xi32, #tpu.memory_space<vmem>>
          %dma_wait3A_40 = tpu.memref_squeeze %dma_wait3A_39 : memref<1x125xi32, #tpu.memory_space<vmem>> -> memref<125xi32, #tpu.memory_space<vmem>>
          %dma_wait3A_41 = arith.constant 0 : i32
          %dma_wait3A_42 = arith.constant 0 : i32
          %dma_wait3A_43 = tpu.memref_slice %arg3[%dma_wait3A_41, %dma_wait3A_42] : memref<10240x128xf32, #tpu.memory_space<hbm>> -> memref<10240x128xf32, #tpu.memory_space<hbm>>
          tpu.wait_indirect_dma semaphore(%arg14 : memref<!tpu.dma_semaphore, #tpu.memory_space<semaphore_mem>>) src(%dma_wait3A_43 : memref<10240x128xf32, #tpu.memory_space<hbm>>) dst(%arg12 : memref<125x128xf32, #tpu.memory_space<vmem>>)
          %dma_start3A_44 = arith.constant 0 : i32
          %dma_start3A_45 = tpu.memref_slice %arg11[%mul3A_38, %dma_start3A_44] : memref<40x125xi32, #tpu.memory_space<vmem>> -> memref<1x125xi32, #tpu.memory_space<vmem>>
          %dma_start3A_46 = tpu.memref_squeeze %dma_start3A_45 : memref<1x125xi32, #tpu.memory_space<vmem>> -> memref<125xi32, #tpu.memory_space<vmem>>
          %dma_start3A_47 = arith.constant 0 : i32
          %dma_start3A_48 = arith.constant 0 : i32
          %dma_start3A_49 = tpu.memref_slice %arg9[%dma_start3A_47, %dma_start3A_48] : memref<10240x128xf32, #tpu.memory_space<vmem_shared>> -> memref<10240x128xf32, #tpu.memory_space<vmem_shared>>
          tpu.enqueue_indirect_dma source(%arg12 : memref<125x128xf32, #tpu.memory_space<vmem>>) target(%dma_start3A_49 : memref<10240x128xf32, #tpu.memory_space<vmem_shared>>) offsets(%dma_start3A_46 : memref<125xi32, #tpu.memory_space<vmem>>) semaphore(%arg16 : memref<!tpu.dma_semaphore, #tpu.memory_space<semaphore_mem>>) {add = true}
          %add3A = arith.constant 1 : i32
          %add3A_50 = arith.addi %mul3A_38, %add3A : i32
          %dma_wait3A_51 = arith.constant 0 : i32
          %dma_wait3A_52 = tpu.memref_slice %arg10[%add3A_50, %dma_wait3A_51] : memref<40x125xi32, #tpu.memory_space<vmem>> -> memref<1x125xi32, #tpu.memory_space<vmem>>
          %dma_wait3A_53 = tpu.memref_squeeze %dma_wait3A_52 : memref<1x125xi32, #tpu.memory_space<vmem>> -> memref<125xi32, #tpu.memory_space<vmem>>
          %dma_wait3A_54 = arith.constant 0 : i32
          %dma_wait3A_55 = arith.constant 0 : i32
          %dma_wait3A_56 = tpu.memref_slice %arg3[%dma_wait3A_54, %dma_wait3A_55] : memref<10240x128xf32, #tpu.memory_space<hbm>> -> memref<10240x128xf32, #tpu.memory_space<hbm>>
          tpu.wait_indirect_dma semaphore(%arg15 : memref<!tpu.dma_semaphore, #tpu.memory_space<semaphore_mem>>) src(%dma_wait3A_56 : memref<10240x128xf32, #tpu.memory_space<hbm>>) dst(%arg13 : memref<125x128xf32, #tpu.memory_space<vmem>>)
          %add3A_57 = arith.constant 1 : i32
          %add3A_58 = arith.addi %mul3A_38, %add3A_57 : i32
          %dma_start3A_59 = arith.constant 0 : i32
          %dma_start3A_60 = tpu.memref_slice %arg11[%add3A_58, %dma_start3A_59] : memref<40x125xi32, #tpu.memory_space<vmem>> -> memref<1x125xi32, #tpu.memory_space<vmem>>
          %dma_start3A_61 = tpu.memref_squeeze %dma_start3A_60 : memref<1x125xi32, #tpu.memory_space<vmem>> -> memref<125xi32, #tpu.memory_space<vmem>>
          %dma_start3A_62 = arith.constant 0 : i32
          %dma_start3A_63 = arith.constant 0 : i32
          %dma_start3A_64 = tpu.memref_slice %arg9[%dma_start3A_62, %dma_start3A_63] : memref<10240x128xf32, #tpu.memory_space<vmem_shared>> -> memref<10240x128xf32, #tpu.memory_space<vmem_shared>>
          tpu.enqueue_indirect_dma source(%arg13 : memref<125x128xf32, #tpu.memory_space<vmem>>) target(%dma_start3A_64 : memref<10240x128xf32, #tpu.memory_space<vmem_shared>>) offsets(%dma_start3A_61 : memref<125xi32, #tpu.memory_space<vmem>>) semaphore(%arg17 : memref<!tpu.dma_semaphore, #tpu.memory_space<semaphore_mem>>) {add = true}
          %dma_wait3A_65 = arith.constant 0 : i32
          %dma_wait3A_66 = tpu.memref_slice %arg11[%mul3A_38, %dma_wait3A_65] : memref<40x125xi32, #tpu.memory_space<vmem>> -> memref<1x125xi32, #tpu.memory_space<vmem>>
          %dma_wait3A_67 = tpu.memref_squeeze %dma_wait3A_66 : memref<1x125xi32, #tpu.memory_space<vmem>> -> memref<125xi32, #tpu.memory_space<vmem>>
          %dma_wait3A_68 = arith.constant 0 : i32
          %dma_wait3A_69 = arith.constant 0 : i32
          %dma_wait3A_70 = tpu.memref_slice %arg9[%dma_wait3A_68, %dma_wait3A_69] : memref<10240x128xf32, #tpu.memory_space<vmem_shared>> -> memref<10240x128xf32, #tpu.memory_space<vmem_shared>>
          tpu.wait_indirect_dma semaphore(%arg16 : memref<!tpu.dma_semaphore, #tpu.memory_space<semaphore_mem>>) src(%arg12 : memref<125x128xf32, #tpu.memory_space<vmem>>) dst(%dma_wait3A_70 : memref<10240x128xf32, #tpu.memory_space<vmem_shared>>)
          %add3A_71 = arith.constant 1 : i32
          %add3A_72 = arith.addi %scan3A_36, %add3A_71 : i32
          %lt3A = arith.constant 20 : i32
          %lt3A_73 = arith.cmpi slt, %add3A_72, %lt3A : i32
          %convert_element_type3A_74 = arith.extui %lt3A_73 : i1 to i32
          %cond3A_75 = arith.constant 0 : i32
          %cond3A_76 = arith.cmpi ne, %convert_element_type3A_74, %cond3A_75 : i32
          scf.if %cond3A_76 {
            %add3A_92 = arith.constant 2 : i32
            %add3A_93 = arith.addi %mul3A_38, %add3A_92 : i32
            %dma_start3A_94 = arith.constant 0 : i32
            %dma_start3A_95 = tpu.memref_slice %arg10[%add3A_93, %dma_start3A_94] : memref<40x125xi32, #tpu.memory_space<vmem>> -> memref<1x125xi32, #tpu.memory_space<vmem>>
            %dma_start3A_96 = tpu.memref_squeeze %dma_start3A_95 : memref<1x125xi32, #tpu.memory_space<vmem>> -> memref<125xi32, #tpu.memory_space<vmem>>
            %dma_start3A_97 = arith.constant 0 : i32
            %dma_start3A_98 = arith.constant 0 : i32
            %dma_start3A_99 = tpu.memref_slice %arg3[%dma_start3A_97, %dma_start3A_98] : memref<10240x128xf32, #tpu.memory_space<hbm>> -> memref<10240x128xf32, #tpu.memory_space<hbm>>
            tpu.enqueue_indirect_dma source(%dma_start3A_99 : memref<10240x128xf32, #tpu.memory_space<hbm>>) target(%arg12 : memref<125x128xf32, #tpu.memory_space<vmem>>) offsets(%dma_start3A_96 : memref<125xi32, #tpu.memory_space<vmem>>) semaphore(%arg14 : memref<!tpu.dma_semaphore, #tpu.memory_space<semaphore_mem>>)
          } else {
          }
          %add3A_77 = arith.constant 1 : i32
          %add3A_78 = arith.addi %mul3A_38, %add3A_77 : i32
          %dma_wait3A_79 = arith.constant 0 : i32
          %dma_wait3A_80 = tpu.memref_slice %arg11[%add3A_78, %dma_wait3A_79] : memref<40x125xi32, #tpu.memory_space<vmem>> -> memref<1x125xi32, #tpu.memory_space<vmem>>
          %dma_wait3A_81 = tpu.memref_squeeze %dma_wait3A_80 : memref<1x125xi32, #tpu.memory_space<vmem>> -> memref<125xi32, #tpu.memory_space<vmem>>
          %dma_wait3A_82 = arith.constant 0 : i32
          %dma_wait3A_83 = arith.constant 0 : i32
          %dma_wait3A_84 = tpu.memref_slice %arg9[%dma_wait3A_82, %dma_wait3A_83] : memref<10240x128xf32, #tpu.memory_space<vmem_shared>> -> memref<10240x128xf32, #tpu.memory_space<vmem_shared>>
          tpu.wait_indirect_dma semaphore(%arg17 : memref<!tpu.dma_semaphore, #tpu.memory_space<semaphore_mem>>) src(%arg13 : memref<125x128xf32, #tpu.memory_space<vmem>>) dst(%dma_wait3A_84 : memref<10240x128xf32, #tpu.memory_space<vmem_shared>>)
          %add3A_85 = arith.constant 1 : i32
          %add3A_86 = arith.addi %scan3A_36, %add3A_85 : i32
          %lt3A_87 = arith.constant 20 : i32
          %lt3A_88 = arith.cmpi slt, %add3A_86, %lt3A_87 : i32
          %convert_element_type3A_89 = arith.extui %lt3A_88 : i1 to i32
          %cond3A_90 = arith.constant 0 : i32
          %cond3A_91 = arith.cmpi ne, %convert_element_type3A_89, %cond3A_90 : i32
          scf.if %cond3A_91 {
            %add3A_92 = arith.constant 3 : i32
            %add3A_93 = arith.addi %mul3A_38, %add3A_92 : i32
            %dma_start3A_94 = arith.constant 0 : i32
            %dma_start3A_95 = tpu.memref_slice %arg10[%add3A_93, %dma_start3A_94] : memref<40x125xi32, #tpu.memory_space<vmem>> -> memref<1x125xi32, #tpu.memory_space<vmem>>
            %dma_start3A_96 = tpu.memref_squeeze %dma_start3A_95 : memref<1x125xi32, #tpu.memory_space<vmem>> -> memref<125xi32, #tpu.memory_space<vmem>>
            %dma_start3A_97 = arith.constant 0 : i32
            %dma_start3A_98 = arith.constant 0 : i32
            %dma_start3A_99 = tpu.memref_slice %arg3[%dma_start3A_97, %dma_start3A_98] : memref<10240x128xf32, #tpu.memory_space<hbm>> -> memref<10240x128xf32, #tpu.memory_space<hbm>>
            tpu.enqueue_indirect_dma source(%dma_start3A_99 : memref<10240x128xf32, #tpu.memory_space<hbm>>) target(%arg13 : memref<125x128xf32, #tpu.memory_space<vmem>>) offsets(%dma_start3A_96 : memref<125xi32, #tpu.memory_space<vmem>>) semaphore(%arg15 : memref<!tpu.dma_semaphore, #tpu.memory_space<semaphore_mem>>)
          } else {
          }
        }
        %scan3A_35 = arith.constant 20 : i32
      }
      %scan3A_12 = arith.constant 4 : i32
      %barrier3A_13 = arith.constant 0 : index
      tpu.barrier barrier_id(%barrier3A_13)
      "tpu.region"() ({
        %run_scoped3A = tpu.sem_alloc : memref<!tpu.dma_semaphore, #tpu.memory_space<semaphore_mem>>
        %dma_start3A = arith.constant 0 : i32
        %dma_start3A_14 = tpu.memref_slice %arg8[%mul3A_0, %dma_start3A] : memref<10240x128xf32, #tpu.memory_space<hbm>> -> memref<640x128xf32, #tpu.memory_space<hbm>>
        %dma_start3A_15 = arith.constant 0 : i32
        %dma_start3A_16 = tpu.memref_slice %arg9[%mul3A_0, %dma_start3A_15] : memref<10240x128xf32, #tpu.memory_space<vmem_shared>> -> memref<640x128xf32, #tpu.memory_space<vmem_shared>>
        tpu.enqueue_dma source(%dma_start3A_16 : memref<640x128xf32, #tpu.memory_space<vmem_shared>>) target(%dma_start3A_14 : memref<640x128xf32, #tpu.memory_space<hbm>>) target_semaphore(%run_scoped3A : memref<!tpu.dma_semaphore, #tpu.memory_space<semaphore_mem>>)
        %dma_wait3A = arith.constant 0 : i32
        %dma_wait3A_17 = tpu.memref_slice %arg8[%mul3A_0, %dma_wait3A] : memref<10240x128xf32, #tpu.memory_space<hbm>> -> memref<640x128xf32, #tpu.memory_space<hbm>>
        %dma_wait3A_18 = arith.constant 0 : i32
        %dma_wait3A_19 = tpu.memref_slice %arg9[%mul3A_0, %dma_wait3A_18] : memref<10240x128xf32, #tpu.memory_space<vmem_shared>> -> memref<640x128xf32, #tpu.memory_space<vmem_shared>>
        tpu.wait_dma2 semaphore(%run_scoped3A : memref<!tpu.dma_semaphore, #tpu.memory_space<semaphore_mem>>) src(%dma_wait3A_19 : memref<640x128xf32, #tpu.memory_space<vmem_shared>>) dst(%dma_wait3A_17 : memref<640x128xf32, #tpu.memory_space<hbm>>)
        tpu.yield
      }) : () -> ()
    } else {
    }
    return
  }
}

#map = affine_map<(d0, d1) -> (0, 0)>
#map1 = affine_map<(d0, d1) -> (0, 0, 0)>
module attributes {stable_mosaic.version = 14 : i64} {
  func.func @agg_kernel(%arg0: i32, %arg1: i32, %arg2: memref<10240x32xf32, #tpu.memory_space<hbm>>, %arg3: memref<10240x32xf32, #tpu.memory_space<hbm>>, %arg4: memref<16x160x125xi32, #tpu.memory_space<hbm>>, %arg5: memref<16x160x125xi32, #tpu.memory_space<hbm>>, %arg6: memref<640x32xf32, #tpu.memory_space<hbm>>, %arg7: memref<10240x32xf32, #tpu.memory_space<hbm>>, %arg8: memref<10240x32xf32, #tpu.memory_space<hbm>>, %arg9: memref<10240x32xf32, #tpu.memory_space<vmem_shared>>, %arg10: memref<40x125xi32, #tpu.memory_space<vmem>>, %arg11: memref<40x125xi32, #tpu.memory_space<vmem>>, %arg12: memref<125x32xf32, #tpu.memory_space<vmem>>, %arg13: memref<125x32xf32, #tpu.memory_space<vmem>>, %arg14: memref<!tpu.dma_semaphore, #tpu.memory_space<semaphore_mem>>, %arg15: memref<!tpu.dma_semaphore, #tpu.memory_space<semaphore_mem>>, %arg16: memref<!tpu.dma_semaphore, #tpu.memory_space<semaphore_mem>>, %arg17: memref<!tpu.dma_semaphore, #tpu.memory_space<semaphore_mem>>) attributes {dimension_semantics = [#tpu.dimension_semantics<core_parallel>, #tpu.dimension_semantics<subcore_parallel>], iteration_bounds = array<i64: 2, 16>, scalar_prefetch = 0 : i64, scratch_operands = 9 : i64, tpu.core_type = #tpu.core_type<sc_vector_subcore>, window_params = [{transform_indices = #map}, {transform_indices = #map}, {transform_indices = #map1}, {transform_indices = #map1}, {transform_indices = #map}, {transform_indices = #map}, {transform_indices = #map}]} {
    %mul3A = arith.constant 640 : i32
    %mul3A_0 = arith.muli %arg1, %mul3A : i32
    "tpu.region"() ({
      %run_scoped3A = tpu.sem_alloc : memref<!tpu.dma_semaphore, #tpu.memory_space<semaphore_mem>>
      %dma_start3A = arith.constant 0 : i32
      %dma_start3A_8 = tpu.memref_slice %arg9[%mul3A_0, %dma_start3A] : memref<10240x32xf32, #tpu.memory_space<vmem_shared>> -> memref<640x32xf32, #tpu.memory_space<vmem_shared>>
      tpu.enqueue_dma source(%arg6 : memref<640x32xf32, #tpu.memory_space<hbm>>) target(%dma_start3A_8 : memref<640x32xf32, #tpu.memory_space<vmem_shared>>) target_semaphore(%run_scoped3A : memref<!tpu.dma_semaphore, #tpu.memory_space<semaphore_mem>>)
      %dma_wait3A = arith.constant 0 : i32
      %dma_wait3A_9 = tpu.memref_slice %arg9[%mul3A_0, %dma_wait3A] : memref<10240x32xf32, #tpu.memory_space<vmem_shared>> -> memref<640x32xf32, #tpu.memory_space<vmem_shared>>
      tpu.wait_dma2 semaphore(%run_scoped3A : memref<!tpu.dma_semaphore, #tpu.memory_space<semaphore_mem>>) src(%arg6 : memref<640x32xf32, #tpu.memory_space<hbm>>) dst(%dma_wait3A_9 : memref<640x32xf32, #tpu.memory_space<vmem_shared>>)
      tpu.yield
    }) : () -> ()
    %barrier3A = arith.constant 0 : index
    tpu.barrier barrier_id(%barrier3A)
    %eq3A = arith.constant 0 : i32
    %eq3A_1 = arith.cmpi eq, %arg0, %eq3A : i32
    %convert_element_type3A = arith.extui %eq3A_1 : i1 to i32
    %cond3A = arith.constant 0 : i32
    %cond3A_2 = arith.cmpi ne, %convert_element_type3A, %cond3A : i32
    scf.if %cond3A_2 {
      %scan3A = arith.constant 0 : i32
      %scan3A_8 = arith.constant 0 : i32
      %scan3A_9 = arith.constant 4 : i32
      %scan3A_10 = arith.addi %scan3A_8, %scan3A_9 : i32
      %scan3A_11 = arith.constant 1 : i32
      scf.for %scan3A_14 = %scan3A_8 to %scan3A_10 step %scan3A_11  : i32 {
        %mul3A_15 = arith.constant 40 : i32
        %mul3A_16 = arith.muli %scan3A_14, %mul3A_15 : i32
        "tpu.region"() ({
          %run_scoped3A = tpu.sem_alloc : memref<!tpu.dma_semaphore, #tpu.memory_space<semaphore_mem>>
          %dma_start3A_36 = arith.constant 0 : i32
          %dma_start3A_37 = tpu.memref_slice %arg4[%arg1, %mul3A_16, %dma_start3A_36] : memref<16x160x125xi32, #tpu.memory_space<hbm>> -> memref<1x40x125xi32, #tpu.memory_space<hbm>>
          %dma_start3A_38 = tpu.memref_squeeze %dma_start3A_37 : memref<1x40x125xi32, #tpu.memory_space<hbm>> -> memref<40x125xi32, #tpu.memory_space<hbm>>
          %dma_start3A_39 = arith.constant 0 : i32
          %dma_start3A_40 = tpu.memref_slice %arg4[%arg1, %mul3A_16, %dma_start3A_39] : memref<16x160x125xi32, #tpu.memory_space<hbm>> -> memref<1x40x125xi32, #tpu.memory_space<hbm>>
          %dma_start3A_41 = tpu.memref_squeeze %dma_start3A_40 : memref<1x40x125xi32, #tpu.memory_space<hbm>> -> memref<40x125xi32, #tpu.memory_space<hbm>>
          tpu.enqueue_dma source(%dma_start3A_41 : memref<40x125xi32, #tpu.memory_space<hbm>>) target(%arg10 : memref<40x125xi32, #tpu.memory_space<vmem>>) target_semaphore(%run_scoped3A : memref<!tpu.dma_semaphore, #tpu.memory_space<semaphore_mem>>)
          %dma_wait3A = arith.constant 0 : i32
          %dma_wait3A_42 = tpu.memref_slice %arg4[%arg1, %mul3A_16, %dma_wait3A] : memref<16x160x125xi32, #tpu.memory_space<hbm>> -> memref<1x40x125xi32, #tpu.memory_space<hbm>>
          %dma_wait3A_43 = tpu.memref_squeeze %dma_wait3A_42 : memref<1x40x125xi32, #tpu.memory_space<hbm>> -> memref<40x125xi32, #tpu.memory_space<hbm>>
          %dma_wait3A_44 = arith.constant 0 : i32
          %dma_wait3A_45 = tpu.memref_slice %arg4[%arg1, %mul3A_16, %dma_wait3A_44] : memref<16x160x125xi32, #tpu.memory_space<hbm>> -> memref<1x40x125xi32, #tpu.memory_space<hbm>>
          %dma_wait3A_46 = tpu.memref_squeeze %dma_wait3A_45 : memref<1x40x125xi32, #tpu.memory_space<hbm>> -> memref<40x125xi32, #tpu.memory_space<hbm>>
          tpu.wait_dma2 semaphore(%run_scoped3A : memref<!tpu.dma_semaphore, #tpu.memory_space<semaphore_mem>>) src(%dma_wait3A_46 : memref<40x125xi32, #tpu.memory_space<hbm>>) dst(%arg10 : memref<40x125xi32, #tpu.memory_space<vmem>>)
          tpu.yield
        }) : () -> ()
        "tpu.region"() ({
          %run_scoped3A = tpu.sem_alloc : memref<!tpu.dma_semaphore, #tpu.memory_space<semaphore_mem>>
          %dma_start3A_36 = arith.constant 0 : i32
          %dma_start3A_37 = tpu.memref_slice %arg5[%arg1, %mul3A_16, %dma_start3A_36] : memref<16x160x125xi32, #tpu.memory_space<hbm>> -> memref<1x40x125xi32, #tpu.memory_space<hbm>>
          %dma_start3A_38 = tpu.memref_squeeze %dma_start3A_37 : memref<1x40x125xi32, #tpu.memory_space<hbm>> -> memref<40x125xi32, #tpu.memory_space<hbm>>
          %dma_start3A_39 = arith.constant 0 : i32
          %dma_start3A_40 = tpu.memref_slice %arg5[%arg1, %mul3A_16, %dma_start3A_39] : memref<16x160x125xi32, #tpu.memory_space<hbm>> -> memref<1x40x125xi32, #tpu.memory_space<hbm>>
          %dma_start3A_41 = tpu.memref_squeeze %dma_start3A_40 : memref<1x40x125xi32, #tpu.memory_space<hbm>> -> memref<40x125xi32, #tpu.memory_space<hbm>>
          tpu.enqueue_dma source(%dma_start3A_41 : memref<40x125xi32, #tpu.memory_space<hbm>>) target(%arg11 : memref<40x125xi32, #tpu.memory_space<vmem>>) target_semaphore(%run_scoped3A : memref<!tpu.dma_semaphore, #tpu.memory_space<semaphore_mem>>)
          %dma_wait3A = arith.constant 0 : i32
          %dma_wait3A_42 = tpu.memref_slice %arg5[%arg1, %mul3A_16, %dma_wait3A] : memref<16x160x125xi32, #tpu.memory_space<hbm>> -> memref<1x40x125xi32, #tpu.memory_space<hbm>>
          %dma_wait3A_43 = tpu.memref_squeeze %dma_wait3A_42 : memref<1x40x125xi32, #tpu.memory_space<hbm>> -> memref<40x125xi32, #tpu.memory_space<hbm>>
          %dma_wait3A_44 = arith.constant 0 : i32
          %dma_wait3A_45 = tpu.memref_slice %arg5[%arg1, %mul3A_16, %dma_wait3A_44] : memref<16x160x125xi32, #tpu.memory_space<hbm>> -> memref<1x40x125xi32, #tpu.memory_space<hbm>>
          %dma_wait3A_46 = tpu.memref_squeeze %dma_wait3A_45 : memref<1x40x125xi32, #tpu.memory_space<hbm>> -> memref<40x125xi32, #tpu.memory_space<hbm>>
          tpu.wait_dma2 semaphore(%run_scoped3A : memref<!tpu.dma_semaphore, #tpu.memory_space<semaphore_mem>>) src(%dma_wait3A_46 : memref<40x125xi32, #tpu.memory_space<hbm>>) dst(%arg11 : memref<40x125xi32, #tpu.memory_space<vmem>>)
          tpu.yield
        }) : () -> ()
        %dma_start3A = arith.constant 0 : i32
        %dma_start3A_17 = arith.constant 0 : i32
        %dma_start3A_18 = tpu.memref_slice %arg10[%dma_start3A, %dma_start3A_17] : memref<40x125xi32, #tpu.memory_space<vmem>> -> memref<1x125xi32, #tpu.memory_space<vmem>>
        %dma_start3A_19 = tpu.memref_squeeze %dma_start3A_18 : memref<1x125xi32, #tpu.memory_space<vmem>> -> memref<125xi32, #tpu.memory_space<vmem>>
        %dma_start3A_20 = arith.constant 0 : i32
        %dma_start3A_21 = arith.constant 0 : i32
        %dma_start3A_22 = tpu.memref_slice %arg2[%dma_start3A_20, %dma_start3A_21] : memref<10240x32xf32, #tpu.memory_space<hbm>> -> memref<10240x32xf32, #tpu.memory_space<hbm>>
        tpu.enqueue_indirect_dma source(%dma_start3A_22 : memref<10240x32xf32, #tpu.memory_space<hbm>>) target(%arg12 : memref<125x32xf32, #tpu.memory_space<vmem>>) offsets(%dma_start3A_19 : memref<125xi32, #tpu.memory_space<vmem>>) semaphore(%arg14 : memref<!tpu.dma_semaphore, #tpu.memory_space<semaphore_mem>>)
        %dma_start3A_23 = arith.constant 1 : i32
        %dma_start3A_24 = arith.constant 0 : i32
        %dma_start3A_25 = tpu.memref_slice %arg10[%dma_start3A_23, %dma_start3A_24] : memref<40x125xi32, #tpu.memory_space<vmem>> -> memref<1x125xi32, #tpu.memory_space<vmem>>
        %dma_start3A_26 = tpu.memref_squeeze %dma_start3A_25 : memref<1x125xi32, #tpu.memory_space<vmem>> -> memref<125xi32, #tpu.memory_space<vmem>>
        %dma_start3A_27 = arith.constant 0 : i32
        %dma_start3A_28 = arith.constant 0 : i32
        %dma_start3A_29 = tpu.memref_slice %arg2[%dma_start3A_27, %dma_start3A_28] : memref<10240x32xf32, #tpu.memory_space<hbm>> -> memref<10240x32xf32, #tpu.memory_space<hbm>>
        tpu.enqueue_indirect_dma source(%dma_start3A_29 : memref<10240x32xf32, #tpu.memory_space<hbm>>) target(%arg13 : memref<125x32xf32, #tpu.memory_space<vmem>>) offsets(%dma_start3A_26 : memref<125xi32, #tpu.memory_space<vmem>>) semaphore(%arg15 : memref<!tpu.dma_semaphore, #tpu.memory_space<semaphore_mem>>)
        %scan3A_30 = arith.constant 0 : i32
        %scan3A_31 = arith.constant 0 : i32
        %scan3A_32 = arith.constant 20 : i32
        %scan3A_33 = arith.addi %scan3A_31, %scan3A_32 : i32
        %scan3A_34 = arith.constant 1 : i32
        scf.for %scan3A_36 = %scan3A_31 to %scan3A_33 step %scan3A_34  : i32 {
          %mul3A_37 = arith.constant 2 : i32
          %mul3A_38 = arith.muli %mul3A_37, %scan3A_36 : i32
          %dma_wait3A = arith.constant 0 : i32
          %dma_wait3A_39 = tpu.memref_slice %arg10[%mul3A_38, %dma_wait3A] : memref<40x125xi32, #tpu.memory_space<vmem>> -> memref<1x125xi32, #tpu.memory_space<vmem>>
          %dma_wait3A_40 = tpu.memref_squeeze %dma_wait3A_39 : memref<1x125xi32, #tpu.memory_space<vmem>> -> memref<125xi32, #tpu.memory_space<vmem>>
          %dma_wait3A_41 = arith.constant 0 : i32
          %dma_wait3A_42 = arith.constant 0 : i32
          %dma_wait3A_43 = tpu.memref_slice %arg2[%dma_wait3A_41, %dma_wait3A_42] : memref<10240x32xf32, #tpu.memory_space<hbm>> -> memref<10240x32xf32, #tpu.memory_space<hbm>>
          tpu.wait_indirect_dma semaphore(%arg14 : memref<!tpu.dma_semaphore, #tpu.memory_space<semaphore_mem>>) src(%dma_wait3A_43 : memref<10240x32xf32, #tpu.memory_space<hbm>>) dst(%arg12 : memref<125x32xf32, #tpu.memory_space<vmem>>)
          %dma_start3A_44 = arith.constant 0 : i32
          %dma_start3A_45 = tpu.memref_slice %arg11[%mul3A_38, %dma_start3A_44] : memref<40x125xi32, #tpu.memory_space<vmem>> -> memref<1x125xi32, #tpu.memory_space<vmem>>
          %dma_start3A_46 = tpu.memref_squeeze %dma_start3A_45 : memref<1x125xi32, #tpu.memory_space<vmem>> -> memref<125xi32, #tpu.memory_space<vmem>>
          %dma_start3A_47 = arith.constant 0 : i32
          %dma_start3A_48 = arith.constant 0 : i32
          %dma_start3A_49 = tpu.memref_slice %arg9[%dma_start3A_47, %dma_start3A_48] : memref<10240x32xf32, #tpu.memory_space<vmem_shared>> -> memref<10240x32xf32, #tpu.memory_space<vmem_shared>>
          tpu.enqueue_indirect_dma source(%arg12 : memref<125x32xf32, #tpu.memory_space<vmem>>) target(%dma_start3A_49 : memref<10240x32xf32, #tpu.memory_space<vmem_shared>>) offsets(%dma_start3A_46 : memref<125xi32, #tpu.memory_space<vmem>>) semaphore(%arg16 : memref<!tpu.dma_semaphore, #tpu.memory_space<semaphore_mem>>) {add = true}
          %add3A = arith.constant 1 : i32
          %add3A_50 = arith.addi %mul3A_38, %add3A : i32
          %dma_wait3A_51 = arith.constant 0 : i32
          %dma_wait3A_52 = tpu.memref_slice %arg10[%add3A_50, %dma_wait3A_51] : memref<40x125xi32, #tpu.memory_space<vmem>> -> memref<1x125xi32, #tpu.memory_space<vmem>>
          %dma_wait3A_53 = tpu.memref_squeeze %dma_wait3A_52 : memref<1x125xi32, #tpu.memory_space<vmem>> -> memref<125xi32, #tpu.memory_space<vmem>>
          %dma_wait3A_54 = arith.constant 0 : i32
          %dma_wait3A_55 = arith.constant 0 : i32
          %dma_wait3A_56 = tpu.memref_slice %arg2[%dma_wait3A_54, %dma_wait3A_55] : memref<10240x32xf32, #tpu.memory_space<hbm>> -> memref<10240x32xf32, #tpu.memory_space<hbm>>
          tpu.wait_indirect_dma semaphore(%arg15 : memref<!tpu.dma_semaphore, #tpu.memory_space<semaphore_mem>>) src(%dma_wait3A_56 : memref<10240x32xf32, #tpu.memory_space<hbm>>) dst(%arg13 : memref<125x32xf32, #tpu.memory_space<vmem>>)
          %add3A_57 = arith.constant 1 : i32
          %add3A_58 = arith.addi %mul3A_38, %add3A_57 : i32
          %dma_start3A_59 = arith.constant 0 : i32
          %dma_start3A_60 = tpu.memref_slice %arg11[%add3A_58, %dma_start3A_59] : memref<40x125xi32, #tpu.memory_space<vmem>> -> memref<1x125xi32, #tpu.memory_space<vmem>>
          %dma_start3A_61 = tpu.memref_squeeze %dma_start3A_60 : memref<1x125xi32, #tpu.memory_space<vmem>> -> memref<125xi32, #tpu.memory_space<vmem>>
          %dma_start3A_62 = arith.constant 0 : i32
          %dma_start3A_63 = arith.constant 0 : i32
          %dma_start3A_64 = tpu.memref_slice %arg9[%dma_start3A_62, %dma_start3A_63] : memref<10240x32xf32, #tpu.memory_space<vmem_shared>> -> memref<10240x32xf32, #tpu.memory_space<vmem_shared>>
          tpu.enqueue_indirect_dma source(%arg13 : memref<125x32xf32, #tpu.memory_space<vmem>>) target(%dma_start3A_64 : memref<10240x32xf32, #tpu.memory_space<vmem_shared>>) offsets(%dma_start3A_61 : memref<125xi32, #tpu.memory_space<vmem>>) semaphore(%arg17 : memref<!tpu.dma_semaphore, #tpu.memory_space<semaphore_mem>>) {add = true}
          %dma_wait3A_65 = arith.constant 0 : i32
          %dma_wait3A_66 = tpu.memref_slice %arg11[%mul3A_38, %dma_wait3A_65] : memref<40x125xi32, #tpu.memory_space<vmem>> -> memref<1x125xi32, #tpu.memory_space<vmem>>
          %dma_wait3A_67 = tpu.memref_squeeze %dma_wait3A_66 : memref<1x125xi32, #tpu.memory_space<vmem>> -> memref<125xi32, #tpu.memory_space<vmem>>
          %dma_wait3A_68 = arith.constant 0 : i32
          %dma_wait3A_69 = arith.constant 0 : i32
          %dma_wait3A_70 = tpu.memref_slice %arg9[%dma_wait3A_68, %dma_wait3A_69] : memref<10240x32xf32, #tpu.memory_space<vmem_shared>> -> memref<10240x32xf32, #tpu.memory_space<vmem_shared>>
          tpu.wait_indirect_dma semaphore(%arg16 : memref<!tpu.dma_semaphore, #tpu.memory_space<semaphore_mem>>) src(%arg12 : memref<125x32xf32, #tpu.memory_space<vmem>>) dst(%dma_wait3A_70 : memref<10240x32xf32, #tpu.memory_space<vmem_shared>>)
          %add3A_71 = arith.constant 1 : i32
          %add3A_72 = arith.addi %scan3A_36, %add3A_71 : i32
          %lt3A = arith.constant 20 : i32
          %lt3A_73 = arith.cmpi slt, %add3A_72, %lt3A : i32
          %convert_element_type3A_74 = arith.extui %lt3A_73 : i1 to i32
          %cond3A_75 = arith.constant 0 : i32
          %cond3A_76 = arith.cmpi ne, %convert_element_type3A_74, %cond3A_75 : i32
          scf.if %cond3A_76 {
            %add3A_92 = arith.constant 2 : i32
            %add3A_93 = arith.addi %mul3A_38, %add3A_92 : i32
            %dma_start3A_94 = arith.constant 0 : i32
            %dma_start3A_95 = tpu.memref_slice %arg10[%add3A_93, %dma_start3A_94] : memref<40x125xi32, #tpu.memory_space<vmem>> -> memref<1x125xi32, #tpu.memory_space<vmem>>
            %dma_start3A_96 = tpu.memref_squeeze %dma_start3A_95 : memref<1x125xi32, #tpu.memory_space<vmem>> -> memref<125xi32, #tpu.memory_space<vmem>>
            %dma_start3A_97 = arith.constant 0 : i32
            %dma_start3A_98 = arith.constant 0 : i32
            %dma_start3A_99 = tpu.memref_slice %arg2[%dma_start3A_97, %dma_start3A_98] : memref<10240x32xf32, #tpu.memory_space<hbm>> -> memref<10240x32xf32, #tpu.memory_space<hbm>>
            tpu.enqueue_indirect_dma source(%dma_start3A_99 : memref<10240x32xf32, #tpu.memory_space<hbm>>) target(%arg12 : memref<125x32xf32, #tpu.memory_space<vmem>>) offsets(%dma_start3A_96 : memref<125xi32, #tpu.memory_space<vmem>>) semaphore(%arg14 : memref<!tpu.dma_semaphore, #tpu.memory_space<semaphore_mem>>)
          } else {
          }
          %add3A_77 = arith.constant 1 : i32
          %add3A_78 = arith.addi %mul3A_38, %add3A_77 : i32
          %dma_wait3A_79 = arith.constant 0 : i32
          %dma_wait3A_80 = tpu.memref_slice %arg11[%add3A_78, %dma_wait3A_79] : memref<40x125xi32, #tpu.memory_space<vmem>> -> memref<1x125xi32, #tpu.memory_space<vmem>>
          %dma_wait3A_81 = tpu.memref_squeeze %dma_wait3A_80 : memref<1x125xi32, #tpu.memory_space<vmem>> -> memref<125xi32, #tpu.memory_space<vmem>>
          %dma_wait3A_82 = arith.constant 0 : i32
          %dma_wait3A_83 = arith.constant 0 : i32
          %dma_wait3A_84 = tpu.memref_slice %arg9[%dma_wait3A_82, %dma_wait3A_83] : memref<10240x32xf32, #tpu.memory_space<vmem_shared>> -> memref<10240x32xf32, #tpu.memory_space<vmem_shared>>
          tpu.wait_indirect_dma semaphore(%arg17 : memref<!tpu.dma_semaphore, #tpu.memory_space<semaphore_mem>>) src(%arg13 : memref<125x32xf32, #tpu.memory_space<vmem>>) dst(%dma_wait3A_84 : memref<10240x32xf32, #tpu.memory_space<vmem_shared>>)
          %add3A_85 = arith.constant 1 : i32
          %add3A_86 = arith.addi %scan3A_36, %add3A_85 : i32
          %lt3A_87 = arith.constant 20 : i32
          %lt3A_88 = arith.cmpi slt, %add3A_86, %lt3A_87 : i32
          %convert_element_type3A_89 = arith.extui %lt3A_88 : i1 to i32
          %cond3A_90 = arith.constant 0 : i32
          %cond3A_91 = arith.cmpi ne, %convert_element_type3A_89, %cond3A_90 : i32
          scf.if %cond3A_91 {
            %add3A_92 = arith.constant 3 : i32
            %add3A_93 = arith.addi %mul3A_38, %add3A_92 : i32
            %dma_start3A_94 = arith.constant 0 : i32
            %dma_start3A_95 = tpu.memref_slice %arg10[%add3A_93, %dma_start3A_94] : memref<40x125xi32, #tpu.memory_space<vmem>> -> memref<1x125xi32, #tpu.memory_space<vmem>>
            %dma_start3A_96 = tpu.memref_squeeze %dma_start3A_95 : memref<1x125xi32, #tpu.memory_space<vmem>> -> memref<125xi32, #tpu.memory_space<vmem>>
            %dma_start3A_97 = arith.constant 0 : i32
            %dma_start3A_98 = arith.constant 0 : i32
            %dma_start3A_99 = tpu.memref_slice %arg2[%dma_start3A_97, %dma_start3A_98] : memref<10240x32xf32, #tpu.memory_space<hbm>> -> memref<10240x32xf32, #tpu.memory_space<hbm>>
            tpu.enqueue_indirect_dma source(%dma_start3A_99 : memref<10240x32xf32, #tpu.memory_space<hbm>>) target(%arg13 : memref<125x32xf32, #tpu.memory_space<vmem>>) offsets(%dma_start3A_96 : memref<125xi32, #tpu.memory_space<vmem>>) semaphore(%arg15 : memref<!tpu.dma_semaphore, #tpu.memory_space<semaphore_mem>>)
          } else {
          }
        }
        %scan3A_35 = arith.constant 20 : i32
      }
      %scan3A_12 = arith.constant 4 : i32
      %barrier3A_13 = arith.constant 0 : index
      tpu.barrier barrier_id(%barrier3A_13)
      "tpu.region"() ({
        %run_scoped3A = tpu.sem_alloc : memref<!tpu.dma_semaphore, #tpu.memory_space<semaphore_mem>>
        %dma_start3A = arith.constant 0 : i32
        %dma_start3A_14 = tpu.memref_slice %arg7[%mul3A_0, %dma_start3A] : memref<10240x32xf32, #tpu.memory_space<hbm>> -> memref<640x32xf32, #tpu.memory_space<hbm>>
        %dma_start3A_15 = arith.constant 0 : i32
        %dma_start3A_16 = tpu.memref_slice %arg9[%mul3A_0, %dma_start3A_15] : memref<10240x32xf32, #tpu.memory_space<vmem_shared>> -> memref<640x32xf32, #tpu.memory_space<vmem_shared>>
        tpu.enqueue_dma source(%dma_start3A_16 : memref<640x32xf32, #tpu.memory_space<vmem_shared>>) target(%dma_start3A_14 : memref<640x32xf32, #tpu.memory_space<hbm>>) target_semaphore(%run_scoped3A : memref<!tpu.dma_semaphore, #tpu.memory_space<semaphore_mem>>)
        %dma_wait3A = arith.constant 0 : i32
        %dma_wait3A_17 = tpu.memref_slice %arg7[%mul3A_0, %dma_wait3A] : memref<10240x32xf32, #tpu.memory_space<hbm>> -> memref<640x32xf32, #tpu.memory_space<hbm>>
        %dma_wait3A_18 = arith.constant 0 : i32
        %dma_wait3A_19 = tpu.memref_slice %arg9[%mul3A_0, %dma_wait3A_18] : memref<10240x32xf32, #tpu.memory_space<vmem_shared>> -> memref<640x32xf32, #tpu.memory_space<vmem_shared>>
        tpu.wait_dma2 semaphore(%run_scoped3A : memref<!tpu.dma_semaphore, #tpu.memory_space<semaphore_mem>>) src(%dma_wait3A_19 : memref<640x32xf32, #tpu.memory_space<vmem_shared>>) dst(%dma_wait3A_17 : memref<640x32xf32, #tpu.memory_space<hbm>>)
        tpu.yield
      }) : () -> ()
    } else {
    }
    %eq3A_3 = arith.constant 1 : i32
    %eq3A_4 = arith.cmpi eq, %arg0, %eq3A_3 : i32
    %convert_element_type3A_5 = arith.extui %eq3A_4 : i1 to i32
    %cond3A_6 = arith.constant 0 : i32
    %cond3A_7 = arith.cmpi ne, %convert_element_type3A_5, %cond3A_6 : i32
    scf.if %cond3A_7 {
      %scan3A = arith.constant 0 : i32
      %scan3A_8 = arith.constant 0 : i32
      %scan3A_9 = arith.constant 4 : i32
      %scan3A_10 = arith.addi %scan3A_8, %scan3A_9 : i32
      %scan3A_11 = arith.constant 1 : i32
      scf.for %scan3A_14 = %scan3A_8 to %scan3A_10 step %scan3A_11  : i32 {
        %mul3A_15 = arith.constant 40 : i32
        %mul3A_16 = arith.muli %scan3A_14, %mul3A_15 : i32
        "tpu.region"() ({
          %run_scoped3A = tpu.sem_alloc : memref<!tpu.dma_semaphore, #tpu.memory_space<semaphore_mem>>
          %dma_start3A_36 = arith.constant 0 : i32
          %dma_start3A_37 = tpu.memref_slice %arg4[%arg1, %mul3A_16, %dma_start3A_36] : memref<16x160x125xi32, #tpu.memory_space<hbm>> -> memref<1x40x125xi32, #tpu.memory_space<hbm>>
          %dma_start3A_38 = tpu.memref_squeeze %dma_start3A_37 : memref<1x40x125xi32, #tpu.memory_space<hbm>> -> memref<40x125xi32, #tpu.memory_space<hbm>>
          %dma_start3A_39 = arith.constant 0 : i32
          %dma_start3A_40 = tpu.memref_slice %arg4[%arg1, %mul3A_16, %dma_start3A_39] : memref<16x160x125xi32, #tpu.memory_space<hbm>> -> memref<1x40x125xi32, #tpu.memory_space<hbm>>
          %dma_start3A_41 = tpu.memref_squeeze %dma_start3A_40 : memref<1x40x125xi32, #tpu.memory_space<hbm>> -> memref<40x125xi32, #tpu.memory_space<hbm>>
          tpu.enqueue_dma source(%dma_start3A_41 : memref<40x125xi32, #tpu.memory_space<hbm>>) target(%arg10 : memref<40x125xi32, #tpu.memory_space<vmem>>) target_semaphore(%run_scoped3A : memref<!tpu.dma_semaphore, #tpu.memory_space<semaphore_mem>>)
          %dma_wait3A = arith.constant 0 : i32
          %dma_wait3A_42 = tpu.memref_slice %arg4[%arg1, %mul3A_16, %dma_wait3A] : memref<16x160x125xi32, #tpu.memory_space<hbm>> -> memref<1x40x125xi32, #tpu.memory_space<hbm>>
          %dma_wait3A_43 = tpu.memref_squeeze %dma_wait3A_42 : memref<1x40x125xi32, #tpu.memory_space<hbm>> -> memref<40x125xi32, #tpu.memory_space<hbm>>
          %dma_wait3A_44 = arith.constant 0 : i32
          %dma_wait3A_45 = tpu.memref_slice %arg4[%arg1, %mul3A_16, %dma_wait3A_44] : memref<16x160x125xi32, #tpu.memory_space<hbm>> -> memref<1x40x125xi32, #tpu.memory_space<hbm>>
          %dma_wait3A_46 = tpu.memref_squeeze %dma_wait3A_45 : memref<1x40x125xi32, #tpu.memory_space<hbm>> -> memref<40x125xi32, #tpu.memory_space<hbm>>
          tpu.wait_dma2 semaphore(%run_scoped3A : memref<!tpu.dma_semaphore, #tpu.memory_space<semaphore_mem>>) src(%dma_wait3A_46 : memref<40x125xi32, #tpu.memory_space<hbm>>) dst(%arg10 : memref<40x125xi32, #tpu.memory_space<vmem>>)
          tpu.yield
        }) : () -> ()
        "tpu.region"() ({
          %run_scoped3A = tpu.sem_alloc : memref<!tpu.dma_semaphore, #tpu.memory_space<semaphore_mem>>
          %dma_start3A_36 = arith.constant 0 : i32
          %dma_start3A_37 = tpu.memref_slice %arg5[%arg1, %mul3A_16, %dma_start3A_36] : memref<16x160x125xi32, #tpu.memory_space<hbm>> -> memref<1x40x125xi32, #tpu.memory_space<hbm>>
          %dma_start3A_38 = tpu.memref_squeeze %dma_start3A_37 : memref<1x40x125xi32, #tpu.memory_space<hbm>> -> memref<40x125xi32, #tpu.memory_space<hbm>>
          %dma_start3A_39 = arith.constant 0 : i32
          %dma_start3A_40 = tpu.memref_slice %arg5[%arg1, %mul3A_16, %dma_start3A_39] : memref<16x160x125xi32, #tpu.memory_space<hbm>> -> memref<1x40x125xi32, #tpu.memory_space<hbm>>
          %dma_start3A_41 = tpu.memref_squeeze %dma_start3A_40 : memref<1x40x125xi32, #tpu.memory_space<hbm>> -> memref<40x125xi32, #tpu.memory_space<hbm>>
          tpu.enqueue_dma source(%dma_start3A_41 : memref<40x125xi32, #tpu.memory_space<hbm>>) target(%arg11 : memref<40x125xi32, #tpu.memory_space<vmem>>) target_semaphore(%run_scoped3A : memref<!tpu.dma_semaphore, #tpu.memory_space<semaphore_mem>>)
          %dma_wait3A = arith.constant 0 : i32
          %dma_wait3A_42 = tpu.memref_slice %arg5[%arg1, %mul3A_16, %dma_wait3A] : memref<16x160x125xi32, #tpu.memory_space<hbm>> -> memref<1x40x125xi32, #tpu.memory_space<hbm>>
          %dma_wait3A_43 = tpu.memref_squeeze %dma_wait3A_42 : memref<1x40x125xi32, #tpu.memory_space<hbm>> -> memref<40x125xi32, #tpu.memory_space<hbm>>
          %dma_wait3A_44 = arith.constant 0 : i32
          %dma_wait3A_45 = tpu.memref_slice %arg5[%arg1, %mul3A_16, %dma_wait3A_44] : memref<16x160x125xi32, #tpu.memory_space<hbm>> -> memref<1x40x125xi32, #tpu.memory_space<hbm>>
          %dma_wait3A_46 = tpu.memref_squeeze %dma_wait3A_45 : memref<1x40x125xi32, #tpu.memory_space<hbm>> -> memref<40x125xi32, #tpu.memory_space<hbm>>
          tpu.wait_dma2 semaphore(%run_scoped3A : memref<!tpu.dma_semaphore, #tpu.memory_space<semaphore_mem>>) src(%dma_wait3A_46 : memref<40x125xi32, #tpu.memory_space<hbm>>) dst(%arg11 : memref<40x125xi32, #tpu.memory_space<vmem>>)
          tpu.yield
        }) : () -> ()
        %dma_start3A = arith.constant 0 : i32
        %dma_start3A_17 = arith.constant 0 : i32
        %dma_start3A_18 = tpu.memref_slice %arg10[%dma_start3A, %dma_start3A_17] : memref<40x125xi32, #tpu.memory_space<vmem>> -> memref<1x125xi32, #tpu.memory_space<vmem>>
        %dma_start3A_19 = tpu.memref_squeeze %dma_start3A_18 : memref<1x125xi32, #tpu.memory_space<vmem>> -> memref<125xi32, #tpu.memory_space<vmem>>
        %dma_start3A_20 = arith.constant 0 : i32
        %dma_start3A_21 = arith.constant 0 : i32
        %dma_start3A_22 = tpu.memref_slice %arg3[%dma_start3A_20, %dma_start3A_21] : memref<10240x32xf32, #tpu.memory_space<hbm>> -> memref<10240x32xf32, #tpu.memory_space<hbm>>
        tpu.enqueue_indirect_dma source(%dma_start3A_22 : memref<10240x32xf32, #tpu.memory_space<hbm>>) target(%arg12 : memref<125x32xf32, #tpu.memory_space<vmem>>) offsets(%dma_start3A_19 : memref<125xi32, #tpu.memory_space<vmem>>) semaphore(%arg14 : memref<!tpu.dma_semaphore, #tpu.memory_space<semaphore_mem>>)
        %dma_start3A_23 = arith.constant 1 : i32
        %dma_start3A_24 = arith.constant 0 : i32
        %dma_start3A_25 = tpu.memref_slice %arg10[%dma_start3A_23, %dma_start3A_24] : memref<40x125xi32, #tpu.memory_space<vmem>> -> memref<1x125xi32, #tpu.memory_space<vmem>>
        %dma_start3A_26 = tpu.memref_squeeze %dma_start3A_25 : memref<1x125xi32, #tpu.memory_space<vmem>> -> memref<125xi32, #tpu.memory_space<vmem>>
        %dma_start3A_27 = arith.constant 0 : i32
        %dma_start3A_28 = arith.constant 0 : i32
        %dma_start3A_29 = tpu.memref_slice %arg3[%dma_start3A_27, %dma_start3A_28] : memref<10240x32xf32, #tpu.memory_space<hbm>> -> memref<10240x32xf32, #tpu.memory_space<hbm>>
        tpu.enqueue_indirect_dma source(%dma_start3A_29 : memref<10240x32xf32, #tpu.memory_space<hbm>>) target(%arg13 : memref<125x32xf32, #tpu.memory_space<vmem>>) offsets(%dma_start3A_26 : memref<125xi32, #tpu.memory_space<vmem>>) semaphore(%arg15 : memref<!tpu.dma_semaphore, #tpu.memory_space<semaphore_mem>>)
        %scan3A_30 = arith.constant 0 : i32
        %scan3A_31 = arith.constant 0 : i32
        %scan3A_32 = arith.constant 20 : i32
        %scan3A_33 = arith.addi %scan3A_31, %scan3A_32 : i32
        %scan3A_34 = arith.constant 1 : i32
        scf.for %scan3A_36 = %scan3A_31 to %scan3A_33 step %scan3A_34  : i32 {
          %mul3A_37 = arith.constant 2 : i32
          %mul3A_38 = arith.muli %mul3A_37, %scan3A_36 : i32
          %dma_wait3A = arith.constant 0 : i32
          %dma_wait3A_39 = tpu.memref_slice %arg10[%mul3A_38, %dma_wait3A] : memref<40x125xi32, #tpu.memory_space<vmem>> -> memref<1x125xi32, #tpu.memory_space<vmem>>
          %dma_wait3A_40 = tpu.memref_squeeze %dma_wait3A_39 : memref<1x125xi32, #tpu.memory_space<vmem>> -> memref<125xi32, #tpu.memory_space<vmem>>
          %dma_wait3A_41 = arith.constant 0 : i32
          %dma_wait3A_42 = arith.constant 0 : i32
          %dma_wait3A_43 = tpu.memref_slice %arg3[%dma_wait3A_41, %dma_wait3A_42] : memref<10240x32xf32, #tpu.memory_space<hbm>> -> memref<10240x32xf32, #tpu.memory_space<hbm>>
          tpu.wait_indirect_dma semaphore(%arg14 : memref<!tpu.dma_semaphore, #tpu.memory_space<semaphore_mem>>) src(%dma_wait3A_43 : memref<10240x32xf32, #tpu.memory_space<hbm>>) dst(%arg12 : memref<125x32xf32, #tpu.memory_space<vmem>>)
          %dma_start3A_44 = arith.constant 0 : i32
          %dma_start3A_45 = tpu.memref_slice %arg11[%mul3A_38, %dma_start3A_44] : memref<40x125xi32, #tpu.memory_space<vmem>> -> memref<1x125xi32, #tpu.memory_space<vmem>>
          %dma_start3A_46 = tpu.memref_squeeze %dma_start3A_45 : memref<1x125xi32, #tpu.memory_space<vmem>> -> memref<125xi32, #tpu.memory_space<vmem>>
          %dma_start3A_47 = arith.constant 0 : i32
          %dma_start3A_48 = arith.constant 0 : i32
          %dma_start3A_49 = tpu.memref_slice %arg9[%dma_start3A_47, %dma_start3A_48] : memref<10240x32xf32, #tpu.memory_space<vmem_shared>> -> memref<10240x32xf32, #tpu.memory_space<vmem_shared>>
          tpu.enqueue_indirect_dma source(%arg12 : memref<125x32xf32, #tpu.memory_space<vmem>>) target(%dma_start3A_49 : memref<10240x32xf32, #tpu.memory_space<vmem_shared>>) offsets(%dma_start3A_46 : memref<125xi32, #tpu.memory_space<vmem>>) semaphore(%arg16 : memref<!tpu.dma_semaphore, #tpu.memory_space<semaphore_mem>>) {add = true}
          %add3A = arith.constant 1 : i32
          %add3A_50 = arith.addi %mul3A_38, %add3A : i32
          %dma_wait3A_51 = arith.constant 0 : i32
          %dma_wait3A_52 = tpu.memref_slice %arg10[%add3A_50, %dma_wait3A_51] : memref<40x125xi32, #tpu.memory_space<vmem>> -> memref<1x125xi32, #tpu.memory_space<vmem>>
          %dma_wait3A_53 = tpu.memref_squeeze %dma_wait3A_52 : memref<1x125xi32, #tpu.memory_space<vmem>> -> memref<125xi32, #tpu.memory_space<vmem>>
          %dma_wait3A_54 = arith.constant 0 : i32
          %dma_wait3A_55 = arith.constant 0 : i32
          %dma_wait3A_56 = tpu.memref_slice %arg3[%dma_wait3A_54, %dma_wait3A_55] : memref<10240x32xf32, #tpu.memory_space<hbm>> -> memref<10240x32xf32, #tpu.memory_space<hbm>>
          tpu.wait_indirect_dma semaphore(%arg15 : memref<!tpu.dma_semaphore, #tpu.memory_space<semaphore_mem>>) src(%dma_wait3A_56 : memref<10240x32xf32, #tpu.memory_space<hbm>>) dst(%arg13 : memref<125x32xf32, #tpu.memory_space<vmem>>)
          %add3A_57 = arith.constant 1 : i32
          %add3A_58 = arith.addi %mul3A_38, %add3A_57 : i32
          %dma_start3A_59 = arith.constant 0 : i32
          %dma_start3A_60 = tpu.memref_slice %arg11[%add3A_58, %dma_start3A_59] : memref<40x125xi32, #tpu.memory_space<vmem>> -> memref<1x125xi32, #tpu.memory_space<vmem>>
          %dma_start3A_61 = tpu.memref_squeeze %dma_start3A_60 : memref<1x125xi32, #tpu.memory_space<vmem>> -> memref<125xi32, #tpu.memory_space<vmem>>
          %dma_start3A_62 = arith.constant 0 : i32
          %dma_start3A_63 = arith.constant 0 : i32
          %dma_start3A_64 = tpu.memref_slice %arg9[%dma_start3A_62, %dma_start3A_63] : memref<10240x32xf32, #tpu.memory_space<vmem_shared>> -> memref<10240x32xf32, #tpu.memory_space<vmem_shared>>
          tpu.enqueue_indirect_dma source(%arg13 : memref<125x32xf32, #tpu.memory_space<vmem>>) target(%dma_start3A_64 : memref<10240x32xf32, #tpu.memory_space<vmem_shared>>) offsets(%dma_start3A_61 : memref<125xi32, #tpu.memory_space<vmem>>) semaphore(%arg17 : memref<!tpu.dma_semaphore, #tpu.memory_space<semaphore_mem>>) {add = true}
          %dma_wait3A_65 = arith.constant 0 : i32
          %dma_wait3A_66 = tpu.memref_slice %arg11[%mul3A_38, %dma_wait3A_65] : memref<40x125xi32, #tpu.memory_space<vmem>> -> memref<1x125xi32, #tpu.memory_space<vmem>>
          %dma_wait3A_67 = tpu.memref_squeeze %dma_wait3A_66 : memref<1x125xi32, #tpu.memory_space<vmem>> -> memref<125xi32, #tpu.memory_space<vmem>>
          %dma_wait3A_68 = arith.constant 0 : i32
          %dma_wait3A_69 = arith.constant 0 : i32
          %dma_wait3A_70 = tpu.memref_slice %arg9[%dma_wait3A_68, %dma_wait3A_69] : memref<10240x32xf32, #tpu.memory_space<vmem_shared>> -> memref<10240x32xf32, #tpu.memory_space<vmem_shared>>
          tpu.wait_indirect_dma semaphore(%arg16 : memref<!tpu.dma_semaphore, #tpu.memory_space<semaphore_mem>>) src(%arg12 : memref<125x32xf32, #tpu.memory_space<vmem>>) dst(%dma_wait3A_70 : memref<10240x32xf32, #tpu.memory_space<vmem_shared>>)
          %add3A_71 = arith.constant 1 : i32
          %add3A_72 = arith.addi %scan3A_36, %add3A_71 : i32
          %lt3A = arith.constant 20 : i32
          %lt3A_73 = arith.cmpi slt, %add3A_72, %lt3A : i32
          %convert_element_type3A_74 = arith.extui %lt3A_73 : i1 to i32
          %cond3A_75 = arith.constant 0 : i32
          %cond3A_76 = arith.cmpi ne, %convert_element_type3A_74, %cond3A_75 : i32
          scf.if %cond3A_76 {
            %add3A_92 = arith.constant 2 : i32
            %add3A_93 = arith.addi %mul3A_38, %add3A_92 : i32
            %dma_start3A_94 = arith.constant 0 : i32
            %dma_start3A_95 = tpu.memref_slice %arg10[%add3A_93, %dma_start3A_94] : memref<40x125xi32, #tpu.memory_space<vmem>> -> memref<1x125xi32, #tpu.memory_space<vmem>>
            %dma_start3A_96 = tpu.memref_squeeze %dma_start3A_95 : memref<1x125xi32, #tpu.memory_space<vmem>> -> memref<125xi32, #tpu.memory_space<vmem>>
            %dma_start3A_97 = arith.constant 0 : i32
            %dma_start3A_98 = arith.constant 0 : i32
            %dma_start3A_99 = tpu.memref_slice %arg3[%dma_start3A_97, %dma_start3A_98] : memref<10240x32xf32, #tpu.memory_space<hbm>> -> memref<10240x32xf32, #tpu.memory_space<hbm>>
            tpu.enqueue_indirect_dma source(%dma_start3A_99 : memref<10240x32xf32, #tpu.memory_space<hbm>>) target(%arg12 : memref<125x32xf32, #tpu.memory_space<vmem>>) offsets(%dma_start3A_96 : memref<125xi32, #tpu.memory_space<vmem>>) semaphore(%arg14 : memref<!tpu.dma_semaphore, #tpu.memory_space<semaphore_mem>>)
          } else {
          }
          %add3A_77 = arith.constant 1 : i32
          %add3A_78 = arith.addi %mul3A_38, %add3A_77 : i32
          %dma_wait3A_79 = arith.constant 0 : i32
          %dma_wait3A_80 = tpu.memref_slice %arg11[%add3A_78, %dma_wait3A_79] : memref<40x125xi32, #tpu.memory_space<vmem>> -> memref<1x125xi32, #tpu.memory_space<vmem>>
          %dma_wait3A_81 = tpu.memref_squeeze %dma_wait3A_80 : memref<1x125xi32, #tpu.memory_space<vmem>> -> memref<125xi32, #tpu.memory_space<vmem>>
          %dma_wait3A_82 = arith.constant 0 : i32
          %dma_wait3A_83 = arith.constant 0 : i32
          %dma_wait3A_84 = tpu.memref_slice %arg9[%dma_wait3A_82, %dma_wait3A_83] : memref<10240x32xf32, #tpu.memory_space<vmem_shared>> -> memref<10240x32xf32, #tpu.memory_space<vmem_shared>>
          tpu.wait_indirect_dma semaphore(%arg17 : memref<!tpu.dma_semaphore, #tpu.memory_space<semaphore_mem>>) src(%arg13 : memref<125x32xf32, #tpu.memory_space<vmem>>) dst(%dma_wait3A_84 : memref<10240x32xf32, #tpu.memory_space<vmem_shared>>)
          %add3A_85 = arith.constant 1 : i32
          %add3A_86 = arith.addi %scan3A_36, %add3A_85 : i32
          %lt3A_87 = arith.constant 20 : i32
          %lt3A_88 = arith.cmpi slt, %add3A_86, %lt3A_87 : i32
          %convert_element_type3A_89 = arith.extui %lt3A_88 : i1 to i32
          %cond3A_90 = arith.constant 0 : i32
          %cond3A_91 = arith.cmpi ne, %convert_element_type3A_89, %cond3A_90 : i32
          scf.if %cond3A_91 {
            %add3A_92 = arith.constant 3 : i32
            %add3A_93 = arith.addi %mul3A_38, %add3A_92 : i32
            %dma_start3A_94 = arith.constant 0 : i32
            %dma_start3A_95 = tpu.memref_slice %arg10[%add3A_93, %dma_start3A_94] : memref<40x125xi32, #tpu.memory_space<vmem>> -> memref<1x125xi32, #tpu.memory_space<vmem>>
            %dma_start3A_96 = tpu.memref_squeeze %dma_start3A_95 : memref<1x125xi32, #tpu.memory_space<vmem>> -> memref<125xi32, #tpu.memory_space<vmem>>
            %dma_start3A_97 = arith.constant 0 : i32
            %dma_start3A_98 = arith.constant 0 : i32
            %dma_start3A_99 = tpu.memref_slice %arg3[%dma_start3A_97, %dma_start3A_98] : memref<10240x32xf32, #tpu.memory_space<hbm>> -> memref<10240x32xf32, #tpu.memory_space<hbm>>
            tpu.enqueue_indirect_dma source(%dma_start3A_99 : memref<10240x32xf32, #tpu.memory_space<hbm>>) target(%arg13 : memref<125x32xf32, #tpu.memory_space<vmem>>) offsets(%dma_start3A_96 : memref<125xi32, #tpu.memory_space<vmem>>) semaphore(%arg15 : memref<!tpu.dma_semaphore, #tpu.memory_space<semaphore_mem>>)
          } else {
          }
        }
        %scan3A_35 = arith.constant 20 : i32
      }
      %scan3A_12 = arith.constant 4 : i32
      %barrier3A_13 = arith.constant 0 : index
      tpu.barrier barrier_id(%barrier3A_13)
      "tpu.region"() ({
        %run_scoped3A = tpu.sem_alloc : memref<!tpu.dma_semaphore, #tpu.memory_space<semaphore_mem>>
        %dma_start3A = arith.constant 0 : i32
        %dma_start3A_14 = tpu.memref_slice %arg8[%mul3A_0, %dma_start3A] : memref<10240x32xf32, #tpu.memory_space<hbm>> -> memref<640x32xf32, #tpu.memory_space<hbm>>
        %dma_start3A_15 = arith.constant 0 : i32
        %dma_start3A_16 = tpu.memref_slice %arg9[%mul3A_0, %dma_start3A_15] : memref<10240x32xf32, #tpu.memory_space<vmem_shared>> -> memref<640x32xf32, #tpu.memory_space<vmem_shared>>
        tpu.enqueue_dma source(%dma_start3A_16 : memref<640x32xf32, #tpu.memory_space<vmem_shared>>) target(%dma_start3A_14 : memref<640x32xf32, #tpu.memory_space<hbm>>) target_semaphore(%run_scoped3A : memref<!tpu.dma_semaphore, #tpu.memory_space<semaphore_mem>>)
        %dma_wait3A = arith.constant 0 : i32
        %dma_wait3A_17 = tpu.memref_slice %arg8[%mul3A_0, %dma_wait3A] : memref<10240x32xf32, #tpu.memory_space<hbm>> -> memref<640x32xf32, #tpu.memory_space<hbm>>
        %dma_wait3A_18 = arith.constant 0 : i32
        %dma_wait3A_19 = tpu.memref_slice %arg9[%mul3A_0, %dma_wait3A_18] : memref<10240x32xf32, #tpu.memory_space<vmem_shared>> -> memref<640x32xf32, #tpu.memory_space<vmem_shared>>
        tpu.wait_dma2 semaphore(%run_scoped3A : memref<!tpu.dma_semaphore, #tpu.memory_space<semaphore_mem>>) src(%dma_wait3A_19 : memref<640x32xf32, #tpu.memory_space<vmem_shared>>) dst(%dma_wait3A_17 : memref<640x32xf32, #tpu.memory_space<hbm>>)
        tpu.yield
      }) : () -> ()
    } else {
    }
    return
  }
}

#map = affine_map<(d0, d1) -> (0, 0)>
#map1 = affine_map<(d0, d1) -> (0, 0, 0)>
module attributes {stable_mosaic.version = 14 : i64} {
  func.func @agg_kernel(%arg0: i32, %arg1: i32, %arg2: memref<10240x80xf32, #tpu.memory_space<hbm>>, %arg3: memref<10240x80xf32, #tpu.memory_space<hbm>>, %arg4: memref<16x160x125xi32, #tpu.memory_space<hbm>>, %arg5: memref<16x160x125xi32, #tpu.memory_space<hbm>>, %arg6: memref<640x80xf32, #tpu.memory_space<hbm>>, %arg7: memref<10240x80xf32, #tpu.memory_space<hbm>>, %arg8: memref<10240x80xf32, #tpu.memory_space<hbm>>, %arg9: memref<10240x80xf32, #tpu.memory_space<vmem_shared>>, %arg10: memref<40x125xi32, #tpu.memory_space<vmem>>, %arg11: memref<40x125xi32, #tpu.memory_space<vmem>>, %arg12: memref<125x80xf32, #tpu.memory_space<vmem>>, %arg13: memref<125x80xf32, #tpu.memory_space<vmem>>, %arg14: memref<!tpu.dma_semaphore, #tpu.memory_space<semaphore_mem>>, %arg15: memref<!tpu.dma_semaphore, #tpu.memory_space<semaphore_mem>>, %arg16: memref<!tpu.dma_semaphore, #tpu.memory_space<semaphore_mem>>, %arg17: memref<!tpu.dma_semaphore, #tpu.memory_space<semaphore_mem>>) attributes {dimension_semantics = [#tpu.dimension_semantics<core_parallel>, #tpu.dimension_semantics<subcore_parallel>], iteration_bounds = array<i64: 2, 16>, scalar_prefetch = 0 : i64, scratch_operands = 9 : i64, tpu.core_type = #tpu.core_type<sc_vector_subcore>, window_params = [{transform_indices = #map}, {transform_indices = #map}, {transform_indices = #map1}, {transform_indices = #map1}, {transform_indices = #map}, {transform_indices = #map}, {transform_indices = #map}]} {
    %mul3A = arith.constant 640 : i32
    %mul3A_0 = arith.muli %arg1, %mul3A : i32
    "tpu.region"() ({
      %run_scoped3A = tpu.sem_alloc : memref<!tpu.dma_semaphore, #tpu.memory_space<semaphore_mem>>
      %dma_start3A = arith.constant 0 : i32
      %dma_start3A_8 = tpu.memref_slice %arg9[%mul3A_0, %dma_start3A] : memref<10240x80xf32, #tpu.memory_space<vmem_shared>> -> memref<640x80xf32, #tpu.memory_space<vmem_shared>>
      tpu.enqueue_dma source(%arg6 : memref<640x80xf32, #tpu.memory_space<hbm>>) target(%dma_start3A_8 : memref<640x80xf32, #tpu.memory_space<vmem_shared>>) target_semaphore(%run_scoped3A : memref<!tpu.dma_semaphore, #tpu.memory_space<semaphore_mem>>)
      %dma_wait3A = arith.constant 0 : i32
      %dma_wait3A_9 = tpu.memref_slice %arg9[%mul3A_0, %dma_wait3A] : memref<10240x80xf32, #tpu.memory_space<vmem_shared>> -> memref<640x80xf32, #tpu.memory_space<vmem_shared>>
      tpu.wait_dma2 semaphore(%run_scoped3A : memref<!tpu.dma_semaphore, #tpu.memory_space<semaphore_mem>>) src(%arg6 : memref<640x80xf32, #tpu.memory_space<hbm>>) dst(%dma_wait3A_9 : memref<640x80xf32, #tpu.memory_space<vmem_shared>>)
      tpu.yield
    }) : () -> ()
    %barrier3A = arith.constant 0 : index
    tpu.barrier barrier_id(%barrier3A)
    %eq3A = arith.constant 0 : i32
    %eq3A_1 = arith.cmpi eq, %arg0, %eq3A : i32
    %convert_element_type3A = arith.extui %eq3A_1 : i1 to i32
    %cond3A = arith.constant 0 : i32
    %cond3A_2 = arith.cmpi ne, %convert_element_type3A, %cond3A : i32
    scf.if %cond3A_2 {
      %scan3A = arith.constant 0 : i32
      %scan3A_8 = arith.constant 0 : i32
      %scan3A_9 = arith.constant 4 : i32
      %scan3A_10 = arith.addi %scan3A_8, %scan3A_9 : i32
      %scan3A_11 = arith.constant 1 : i32
      scf.for %scan3A_14 = %scan3A_8 to %scan3A_10 step %scan3A_11  : i32 {
        %mul3A_15 = arith.constant 40 : i32
        %mul3A_16 = arith.muli %scan3A_14, %mul3A_15 : i32
        "tpu.region"() ({
          %run_scoped3A = tpu.sem_alloc : memref<!tpu.dma_semaphore, #tpu.memory_space<semaphore_mem>>
          %dma_start3A_36 = arith.constant 0 : i32
          %dma_start3A_37 = tpu.memref_slice %arg4[%arg1, %mul3A_16, %dma_start3A_36] : memref<16x160x125xi32, #tpu.memory_space<hbm>> -> memref<1x40x125xi32, #tpu.memory_space<hbm>>
          %dma_start3A_38 = tpu.memref_squeeze %dma_start3A_37 : memref<1x40x125xi32, #tpu.memory_space<hbm>> -> memref<40x125xi32, #tpu.memory_space<hbm>>
          %dma_start3A_39 = arith.constant 0 : i32
          %dma_start3A_40 = tpu.memref_slice %arg4[%arg1, %mul3A_16, %dma_start3A_39] : memref<16x160x125xi32, #tpu.memory_space<hbm>> -> memref<1x40x125xi32, #tpu.memory_space<hbm>>
          %dma_start3A_41 = tpu.memref_squeeze %dma_start3A_40 : memref<1x40x125xi32, #tpu.memory_space<hbm>> -> memref<40x125xi32, #tpu.memory_space<hbm>>
          tpu.enqueue_dma source(%dma_start3A_41 : memref<40x125xi32, #tpu.memory_space<hbm>>) target(%arg10 : memref<40x125xi32, #tpu.memory_space<vmem>>) target_semaphore(%run_scoped3A : memref<!tpu.dma_semaphore, #tpu.memory_space<semaphore_mem>>)
          %dma_wait3A = arith.constant 0 : i32
          %dma_wait3A_42 = tpu.memref_slice %arg4[%arg1, %mul3A_16, %dma_wait3A] : memref<16x160x125xi32, #tpu.memory_space<hbm>> -> memref<1x40x125xi32, #tpu.memory_space<hbm>>
          %dma_wait3A_43 = tpu.memref_squeeze %dma_wait3A_42 : memref<1x40x125xi32, #tpu.memory_space<hbm>> -> memref<40x125xi32, #tpu.memory_space<hbm>>
          %dma_wait3A_44 = arith.constant 0 : i32
          %dma_wait3A_45 = tpu.memref_slice %arg4[%arg1, %mul3A_16, %dma_wait3A_44] : memref<16x160x125xi32, #tpu.memory_space<hbm>> -> memref<1x40x125xi32, #tpu.memory_space<hbm>>
          %dma_wait3A_46 = tpu.memref_squeeze %dma_wait3A_45 : memref<1x40x125xi32, #tpu.memory_space<hbm>> -> memref<40x125xi32, #tpu.memory_space<hbm>>
          tpu.wait_dma2 semaphore(%run_scoped3A : memref<!tpu.dma_semaphore, #tpu.memory_space<semaphore_mem>>) src(%dma_wait3A_46 : memref<40x125xi32, #tpu.memory_space<hbm>>) dst(%arg10 : memref<40x125xi32, #tpu.memory_space<vmem>>)
          tpu.yield
        }) : () -> ()
        "tpu.region"() ({
          %run_scoped3A = tpu.sem_alloc : memref<!tpu.dma_semaphore, #tpu.memory_space<semaphore_mem>>
          %dma_start3A_36 = arith.constant 0 : i32
          %dma_start3A_37 = tpu.memref_slice %arg5[%arg1, %mul3A_16, %dma_start3A_36] : memref<16x160x125xi32, #tpu.memory_space<hbm>> -> memref<1x40x125xi32, #tpu.memory_space<hbm>>
          %dma_start3A_38 = tpu.memref_squeeze %dma_start3A_37 : memref<1x40x125xi32, #tpu.memory_space<hbm>> -> memref<40x125xi32, #tpu.memory_space<hbm>>
          %dma_start3A_39 = arith.constant 0 : i32
          %dma_start3A_40 = tpu.memref_slice %arg5[%arg1, %mul3A_16, %dma_start3A_39] : memref<16x160x125xi32, #tpu.memory_space<hbm>> -> memref<1x40x125xi32, #tpu.memory_space<hbm>>
          %dma_start3A_41 = tpu.memref_squeeze %dma_start3A_40 : memref<1x40x125xi32, #tpu.memory_space<hbm>> -> memref<40x125xi32, #tpu.memory_space<hbm>>
          tpu.enqueue_dma source(%dma_start3A_41 : memref<40x125xi32, #tpu.memory_space<hbm>>) target(%arg11 : memref<40x125xi32, #tpu.memory_space<vmem>>) target_semaphore(%run_scoped3A : memref<!tpu.dma_semaphore, #tpu.memory_space<semaphore_mem>>)
          %dma_wait3A = arith.constant 0 : i32
          %dma_wait3A_42 = tpu.memref_slice %arg5[%arg1, %mul3A_16, %dma_wait3A] : memref<16x160x125xi32, #tpu.memory_space<hbm>> -> memref<1x40x125xi32, #tpu.memory_space<hbm>>
          %dma_wait3A_43 = tpu.memref_squeeze %dma_wait3A_42 : memref<1x40x125xi32, #tpu.memory_space<hbm>> -> memref<40x125xi32, #tpu.memory_space<hbm>>
          %dma_wait3A_44 = arith.constant 0 : i32
          %dma_wait3A_45 = tpu.memref_slice %arg5[%arg1, %mul3A_16, %dma_wait3A_44] : memref<16x160x125xi32, #tpu.memory_space<hbm>> -> memref<1x40x125xi32, #tpu.memory_space<hbm>>
          %dma_wait3A_46 = tpu.memref_squeeze %dma_wait3A_45 : memref<1x40x125xi32, #tpu.memory_space<hbm>> -> memref<40x125xi32, #tpu.memory_space<hbm>>
          tpu.wait_dma2 semaphore(%run_scoped3A : memref<!tpu.dma_semaphore, #tpu.memory_space<semaphore_mem>>) src(%dma_wait3A_46 : memref<40x125xi32, #tpu.memory_space<hbm>>) dst(%arg11 : memref<40x125xi32, #tpu.memory_space<vmem>>)
          tpu.yield
        }) : () -> ()
        %dma_start3A = arith.constant 0 : i32
        %dma_start3A_17 = arith.constant 0 : i32
        %dma_start3A_18 = tpu.memref_slice %arg10[%dma_start3A, %dma_start3A_17] : memref<40x125xi32, #tpu.memory_space<vmem>> -> memref<1x125xi32, #tpu.memory_space<vmem>>
        %dma_start3A_19 = tpu.memref_squeeze %dma_start3A_18 : memref<1x125xi32, #tpu.memory_space<vmem>> -> memref<125xi32, #tpu.memory_space<vmem>>
        %dma_start3A_20 = arith.constant 0 : i32
        %dma_start3A_21 = arith.constant 0 : i32
        %dma_start3A_22 = tpu.memref_slice %arg2[%dma_start3A_20, %dma_start3A_21] : memref<10240x80xf32, #tpu.memory_space<hbm>> -> memref<10240x80xf32, #tpu.memory_space<hbm>>
        tpu.enqueue_indirect_dma source(%dma_start3A_22 : memref<10240x80xf32, #tpu.memory_space<hbm>>) target(%arg12 : memref<125x80xf32, #tpu.memory_space<vmem>>) offsets(%dma_start3A_19 : memref<125xi32, #tpu.memory_space<vmem>>) semaphore(%arg14 : memref<!tpu.dma_semaphore, #tpu.memory_space<semaphore_mem>>)
        %dma_start3A_23 = arith.constant 1 : i32
        %dma_start3A_24 = arith.constant 0 : i32
        %dma_start3A_25 = tpu.memref_slice %arg10[%dma_start3A_23, %dma_start3A_24] : memref<40x125xi32, #tpu.memory_space<vmem>> -> memref<1x125xi32, #tpu.memory_space<vmem>>
        %dma_start3A_26 = tpu.memref_squeeze %dma_start3A_25 : memref<1x125xi32, #tpu.memory_space<vmem>> -> memref<125xi32, #tpu.memory_space<vmem>>
        %dma_start3A_27 = arith.constant 0 : i32
        %dma_start3A_28 = arith.constant 0 : i32
        %dma_start3A_29 = tpu.memref_slice %arg2[%dma_start3A_27, %dma_start3A_28] : memref<10240x80xf32, #tpu.memory_space<hbm>> -> memref<10240x80xf32, #tpu.memory_space<hbm>>
        tpu.enqueue_indirect_dma source(%dma_start3A_29 : memref<10240x80xf32, #tpu.memory_space<hbm>>) target(%arg13 : memref<125x80xf32, #tpu.memory_space<vmem>>) offsets(%dma_start3A_26 : memref<125xi32, #tpu.memory_space<vmem>>) semaphore(%arg15 : memref<!tpu.dma_semaphore, #tpu.memory_space<semaphore_mem>>)
        %scan3A_30 = arith.constant 0 : i32
        %scan3A_31 = arith.constant 0 : i32
        %scan3A_32 = arith.constant 20 : i32
        %scan3A_33 = arith.addi %scan3A_31, %scan3A_32 : i32
        %scan3A_34 = arith.constant 1 : i32
        scf.for %scan3A_36 = %scan3A_31 to %scan3A_33 step %scan3A_34  : i32 {
          %mul3A_37 = arith.constant 2 : i32
          %mul3A_38 = arith.muli %mul3A_37, %scan3A_36 : i32
          %dma_wait3A = arith.constant 0 : i32
          %dma_wait3A_39 = tpu.memref_slice %arg10[%mul3A_38, %dma_wait3A] : memref<40x125xi32, #tpu.memory_space<vmem>> -> memref<1x125xi32, #tpu.memory_space<vmem>>
          %dma_wait3A_40 = tpu.memref_squeeze %dma_wait3A_39 : memref<1x125xi32, #tpu.memory_space<vmem>> -> memref<125xi32, #tpu.memory_space<vmem>>
          %dma_wait3A_41 = arith.constant 0 : i32
          %dma_wait3A_42 = arith.constant 0 : i32
          %dma_wait3A_43 = tpu.memref_slice %arg2[%dma_wait3A_41, %dma_wait3A_42] : memref<10240x80xf32, #tpu.memory_space<hbm>> -> memref<10240x80xf32, #tpu.memory_space<hbm>>
          tpu.wait_indirect_dma semaphore(%arg14 : memref<!tpu.dma_semaphore, #tpu.memory_space<semaphore_mem>>) src(%dma_wait3A_43 : memref<10240x80xf32, #tpu.memory_space<hbm>>) dst(%arg12 : memref<125x80xf32, #tpu.memory_space<vmem>>)
          %dma_start3A_44 = arith.constant 0 : i32
          %dma_start3A_45 = tpu.memref_slice %arg11[%mul3A_38, %dma_start3A_44] : memref<40x125xi32, #tpu.memory_space<vmem>> -> memref<1x125xi32, #tpu.memory_space<vmem>>
          %dma_start3A_46 = tpu.memref_squeeze %dma_start3A_45 : memref<1x125xi32, #tpu.memory_space<vmem>> -> memref<125xi32, #tpu.memory_space<vmem>>
          %dma_start3A_47 = arith.constant 0 : i32
          %dma_start3A_48 = arith.constant 0 : i32
          %dma_start3A_49 = tpu.memref_slice %arg9[%dma_start3A_47, %dma_start3A_48] : memref<10240x80xf32, #tpu.memory_space<vmem_shared>> -> memref<10240x80xf32, #tpu.memory_space<vmem_shared>>
          tpu.enqueue_indirect_dma source(%arg12 : memref<125x80xf32, #tpu.memory_space<vmem>>) target(%dma_start3A_49 : memref<10240x80xf32, #tpu.memory_space<vmem_shared>>) offsets(%dma_start3A_46 : memref<125xi32, #tpu.memory_space<vmem>>) semaphore(%arg16 : memref<!tpu.dma_semaphore, #tpu.memory_space<semaphore_mem>>) {add = true}
          %add3A = arith.constant 1 : i32
          %add3A_50 = arith.addi %mul3A_38, %add3A : i32
          %dma_wait3A_51 = arith.constant 0 : i32
          %dma_wait3A_52 = tpu.memref_slice %arg10[%add3A_50, %dma_wait3A_51] : memref<40x125xi32, #tpu.memory_space<vmem>> -> memref<1x125xi32, #tpu.memory_space<vmem>>
          %dma_wait3A_53 = tpu.memref_squeeze %dma_wait3A_52 : memref<1x125xi32, #tpu.memory_space<vmem>> -> memref<125xi32, #tpu.memory_space<vmem>>
          %dma_wait3A_54 = arith.constant 0 : i32
          %dma_wait3A_55 = arith.constant 0 : i32
          %dma_wait3A_56 = tpu.memref_slice %arg2[%dma_wait3A_54, %dma_wait3A_55] : memref<10240x80xf32, #tpu.memory_space<hbm>> -> memref<10240x80xf32, #tpu.memory_space<hbm>>
          tpu.wait_indirect_dma semaphore(%arg15 : memref<!tpu.dma_semaphore, #tpu.memory_space<semaphore_mem>>) src(%dma_wait3A_56 : memref<10240x80xf32, #tpu.memory_space<hbm>>) dst(%arg13 : memref<125x80xf32, #tpu.memory_space<vmem>>)
          %add3A_57 = arith.constant 1 : i32
          %add3A_58 = arith.addi %mul3A_38, %add3A_57 : i32
          %dma_start3A_59 = arith.constant 0 : i32
          %dma_start3A_60 = tpu.memref_slice %arg11[%add3A_58, %dma_start3A_59] : memref<40x125xi32, #tpu.memory_space<vmem>> -> memref<1x125xi32, #tpu.memory_space<vmem>>
          %dma_start3A_61 = tpu.memref_squeeze %dma_start3A_60 : memref<1x125xi32, #tpu.memory_space<vmem>> -> memref<125xi32, #tpu.memory_space<vmem>>
          %dma_start3A_62 = arith.constant 0 : i32
          %dma_start3A_63 = arith.constant 0 : i32
          %dma_start3A_64 = tpu.memref_slice %arg9[%dma_start3A_62, %dma_start3A_63] : memref<10240x80xf32, #tpu.memory_space<vmem_shared>> -> memref<10240x80xf32, #tpu.memory_space<vmem_shared>>
          tpu.enqueue_indirect_dma source(%arg13 : memref<125x80xf32, #tpu.memory_space<vmem>>) target(%dma_start3A_64 : memref<10240x80xf32, #tpu.memory_space<vmem_shared>>) offsets(%dma_start3A_61 : memref<125xi32, #tpu.memory_space<vmem>>) semaphore(%arg17 : memref<!tpu.dma_semaphore, #tpu.memory_space<semaphore_mem>>) {add = true}
          %dma_wait3A_65 = arith.constant 0 : i32
          %dma_wait3A_66 = tpu.memref_slice %arg11[%mul3A_38, %dma_wait3A_65] : memref<40x125xi32, #tpu.memory_space<vmem>> -> memref<1x125xi32, #tpu.memory_space<vmem>>
          %dma_wait3A_67 = tpu.memref_squeeze %dma_wait3A_66 : memref<1x125xi32, #tpu.memory_space<vmem>> -> memref<125xi32, #tpu.memory_space<vmem>>
          %dma_wait3A_68 = arith.constant 0 : i32
          %dma_wait3A_69 = arith.constant 0 : i32
          %dma_wait3A_70 = tpu.memref_slice %arg9[%dma_wait3A_68, %dma_wait3A_69] : memref<10240x80xf32, #tpu.memory_space<vmem_shared>> -> memref<10240x80xf32, #tpu.memory_space<vmem_shared>>
          tpu.wait_indirect_dma semaphore(%arg16 : memref<!tpu.dma_semaphore, #tpu.memory_space<semaphore_mem>>) src(%arg12 : memref<125x80xf32, #tpu.memory_space<vmem>>) dst(%dma_wait3A_70 : memref<10240x80xf32, #tpu.memory_space<vmem_shared>>)
          %add3A_71 = arith.constant 1 : i32
          %add3A_72 = arith.addi %scan3A_36, %add3A_71 : i32
          %lt3A = arith.constant 20 : i32
          %lt3A_73 = arith.cmpi slt, %add3A_72, %lt3A : i32
          %convert_element_type3A_74 = arith.extui %lt3A_73 : i1 to i32
          %cond3A_75 = arith.constant 0 : i32
          %cond3A_76 = arith.cmpi ne, %convert_element_type3A_74, %cond3A_75 : i32
          scf.if %cond3A_76 {
            %add3A_92 = arith.constant 2 : i32
            %add3A_93 = arith.addi %mul3A_38, %add3A_92 : i32
            %dma_start3A_94 = arith.constant 0 : i32
            %dma_start3A_95 = tpu.memref_slice %arg10[%add3A_93, %dma_start3A_94] : memref<40x125xi32, #tpu.memory_space<vmem>> -> memref<1x125xi32, #tpu.memory_space<vmem>>
            %dma_start3A_96 = tpu.memref_squeeze %dma_start3A_95 : memref<1x125xi32, #tpu.memory_space<vmem>> -> memref<125xi32, #tpu.memory_space<vmem>>
            %dma_start3A_97 = arith.constant 0 : i32
            %dma_start3A_98 = arith.constant 0 : i32
            %dma_start3A_99 = tpu.memref_slice %arg2[%dma_start3A_97, %dma_start3A_98] : memref<10240x80xf32, #tpu.memory_space<hbm>> -> memref<10240x80xf32, #tpu.memory_space<hbm>>
            tpu.enqueue_indirect_dma source(%dma_start3A_99 : memref<10240x80xf32, #tpu.memory_space<hbm>>) target(%arg12 : memref<125x80xf32, #tpu.memory_space<vmem>>) offsets(%dma_start3A_96 : memref<125xi32, #tpu.memory_space<vmem>>) semaphore(%arg14 : memref<!tpu.dma_semaphore, #tpu.memory_space<semaphore_mem>>)
          } else {
          }
          %add3A_77 = arith.constant 1 : i32
          %add3A_78 = arith.addi %mul3A_38, %add3A_77 : i32
          %dma_wait3A_79 = arith.constant 0 : i32
          %dma_wait3A_80 = tpu.memref_slice %arg11[%add3A_78, %dma_wait3A_79] : memref<40x125xi32, #tpu.memory_space<vmem>> -> memref<1x125xi32, #tpu.memory_space<vmem>>
          %dma_wait3A_81 = tpu.memref_squeeze %dma_wait3A_80 : memref<1x125xi32, #tpu.memory_space<vmem>> -> memref<125xi32, #tpu.memory_space<vmem>>
          %dma_wait3A_82 = arith.constant 0 : i32
          %dma_wait3A_83 = arith.constant 0 : i32
          %dma_wait3A_84 = tpu.memref_slice %arg9[%dma_wait3A_82, %dma_wait3A_83] : memref<10240x80xf32, #tpu.memory_space<vmem_shared>> -> memref<10240x80xf32, #tpu.memory_space<vmem_shared>>
          tpu.wait_indirect_dma semaphore(%arg17 : memref<!tpu.dma_semaphore, #tpu.memory_space<semaphore_mem>>) src(%arg13 : memref<125x80xf32, #tpu.memory_space<vmem>>) dst(%dma_wait3A_84 : memref<10240x80xf32, #tpu.memory_space<vmem_shared>>)
          %add3A_85 = arith.constant 1 : i32
          %add3A_86 = arith.addi %scan3A_36, %add3A_85 : i32
          %lt3A_87 = arith.constant 20 : i32
          %lt3A_88 = arith.cmpi slt, %add3A_86, %lt3A_87 : i32
          %convert_element_type3A_89 = arith.extui %lt3A_88 : i1 to i32
          %cond3A_90 = arith.constant 0 : i32
          %cond3A_91 = arith.cmpi ne, %convert_element_type3A_89, %cond3A_90 : i32
          scf.if %cond3A_91 {
            %add3A_92 = arith.constant 3 : i32
            %add3A_93 = arith.addi %mul3A_38, %add3A_92 : i32
            %dma_start3A_94 = arith.constant 0 : i32
            %dma_start3A_95 = tpu.memref_slice %arg10[%add3A_93, %dma_start3A_94] : memref<40x125xi32, #tpu.memory_space<vmem>> -> memref<1x125xi32, #tpu.memory_space<vmem>>
            %dma_start3A_96 = tpu.memref_squeeze %dma_start3A_95 : memref<1x125xi32, #tpu.memory_space<vmem>> -> memref<125xi32, #tpu.memory_space<vmem>>
            %dma_start3A_97 = arith.constant 0 : i32
            %dma_start3A_98 = arith.constant 0 : i32
            %dma_start3A_99 = tpu.memref_slice %arg2[%dma_start3A_97, %dma_start3A_98] : memref<10240x80xf32, #tpu.memory_space<hbm>> -> memref<10240x80xf32, #tpu.memory_space<hbm>>
            tpu.enqueue_indirect_dma source(%dma_start3A_99 : memref<10240x80xf32, #tpu.memory_space<hbm>>) target(%arg13 : memref<125x80xf32, #tpu.memory_space<vmem>>) offsets(%dma_start3A_96 : memref<125xi32, #tpu.memory_space<vmem>>) semaphore(%arg15 : memref<!tpu.dma_semaphore, #tpu.memory_space<semaphore_mem>>)
          } else {
          }
        }
        %scan3A_35 = arith.constant 20 : i32
      }
      %scan3A_12 = arith.constant 4 : i32
      %barrier3A_13 = arith.constant 0 : index
      tpu.barrier barrier_id(%barrier3A_13)
      "tpu.region"() ({
        %run_scoped3A = tpu.sem_alloc : memref<!tpu.dma_semaphore, #tpu.memory_space<semaphore_mem>>
        %dma_start3A = arith.constant 0 : i32
        %dma_start3A_14 = tpu.memref_slice %arg7[%mul3A_0, %dma_start3A] : memref<10240x80xf32, #tpu.memory_space<hbm>> -> memref<640x80xf32, #tpu.memory_space<hbm>>
        %dma_start3A_15 = arith.constant 0 : i32
        %dma_start3A_16 = tpu.memref_slice %arg9[%mul3A_0, %dma_start3A_15] : memref<10240x80xf32, #tpu.memory_space<vmem_shared>> -> memref<640x80xf32, #tpu.memory_space<vmem_shared>>
        tpu.enqueue_dma source(%dma_start3A_16 : memref<640x80xf32, #tpu.memory_space<vmem_shared>>) target(%dma_start3A_14 : memref<640x80xf32, #tpu.memory_space<hbm>>) target_semaphore(%run_scoped3A : memref<!tpu.dma_semaphore, #tpu.memory_space<semaphore_mem>>)
        %dma_wait3A = arith.constant 0 : i32
        %dma_wait3A_17 = tpu.memref_slice %arg7[%mul3A_0, %dma_wait3A] : memref<10240x80xf32, #tpu.memory_space<hbm>> -> memref<640x80xf32, #tpu.memory_space<hbm>>
        %dma_wait3A_18 = arith.constant 0 : i32
        %dma_wait3A_19 = tpu.memref_slice %arg9[%mul3A_0, %dma_wait3A_18] : memref<10240x80xf32, #tpu.memory_space<vmem_shared>> -> memref<640x80xf32, #tpu.memory_space<vmem_shared>>
        tpu.wait_dma2 semaphore(%run_scoped3A : memref<!tpu.dma_semaphore, #tpu.memory_space<semaphore_mem>>) src(%dma_wait3A_19 : memref<640x80xf32, #tpu.memory_space<vmem_shared>>) dst(%dma_wait3A_17 : memref<640x80xf32, #tpu.memory_space<hbm>>)
        tpu.yield
      }) : () -> ()
    } else {
    }
    %eq3A_3 = arith.constant 1 : i32
    %eq3A_4 = arith.cmpi eq, %arg0, %eq3A_3 : i32
    %convert_element_type3A_5 = arith.extui %eq3A_4 : i1 to i32
    %cond3A_6 = arith.constant 0 : i32
    %cond3A_7 = arith.cmpi ne, %convert_element_type3A_5, %cond3A_6 : i32
    scf.if %cond3A_7 {
      %scan3A = arith.constant 0 : i32
      %scan3A_8 = arith.constant 0 : i32
      %scan3A_9 = arith.constant 4 : i32
      %scan3A_10 = arith.addi %scan3A_8, %scan3A_9 : i32
      %scan3A_11 = arith.constant 1 : i32
      scf.for %scan3A_14 = %scan3A_8 to %scan3A_10 step %scan3A_11  : i32 {
        %mul3A_15 = arith.constant 40 : i32
        %mul3A_16 = arith.muli %scan3A_14, %mul3A_15 : i32
        "tpu.region"() ({
          %run_scoped3A = tpu.sem_alloc : memref<!tpu.dma_semaphore, #tpu.memory_space<semaphore_mem>>
          %dma_start3A_36 = arith.constant 0 : i32
          %dma_start3A_37 = tpu.memref_slice %arg4[%arg1, %mul3A_16, %dma_start3A_36] : memref<16x160x125xi32, #tpu.memory_space<hbm>> -> memref<1x40x125xi32, #tpu.memory_space<hbm>>
          %dma_start3A_38 = tpu.memref_squeeze %dma_start3A_37 : memref<1x40x125xi32, #tpu.memory_space<hbm>> -> memref<40x125xi32, #tpu.memory_space<hbm>>
          %dma_start3A_39 = arith.constant 0 : i32
          %dma_start3A_40 = tpu.memref_slice %arg4[%arg1, %mul3A_16, %dma_start3A_39] : memref<16x160x125xi32, #tpu.memory_space<hbm>> -> memref<1x40x125xi32, #tpu.memory_space<hbm>>
          %dma_start3A_41 = tpu.memref_squeeze %dma_start3A_40 : memref<1x40x125xi32, #tpu.memory_space<hbm>> -> memref<40x125xi32, #tpu.memory_space<hbm>>
          tpu.enqueue_dma source(%dma_start3A_41 : memref<40x125xi32, #tpu.memory_space<hbm>>) target(%arg10 : memref<40x125xi32, #tpu.memory_space<vmem>>) target_semaphore(%run_scoped3A : memref<!tpu.dma_semaphore, #tpu.memory_space<semaphore_mem>>)
          %dma_wait3A = arith.constant 0 : i32
          %dma_wait3A_42 = tpu.memref_slice %arg4[%arg1, %mul3A_16, %dma_wait3A] : memref<16x160x125xi32, #tpu.memory_space<hbm>> -> memref<1x40x125xi32, #tpu.memory_space<hbm>>
          %dma_wait3A_43 = tpu.memref_squeeze %dma_wait3A_42 : memref<1x40x125xi32, #tpu.memory_space<hbm>> -> memref<40x125xi32, #tpu.memory_space<hbm>>
          %dma_wait3A_44 = arith.constant 0 : i32
          %dma_wait3A_45 = tpu.memref_slice %arg4[%arg1, %mul3A_16, %dma_wait3A_44] : memref<16x160x125xi32, #tpu.memory_space<hbm>> -> memref<1x40x125xi32, #tpu.memory_space<hbm>>
          %dma_wait3A_46 = tpu.memref_squeeze %dma_wait3A_45 : memref<1x40x125xi32, #tpu.memory_space<hbm>> -> memref<40x125xi32, #tpu.memory_space<hbm>>
          tpu.wait_dma2 semaphore(%run_scoped3A : memref<!tpu.dma_semaphore, #tpu.memory_space<semaphore_mem>>) src(%dma_wait3A_46 : memref<40x125xi32, #tpu.memory_space<hbm>>) dst(%arg10 : memref<40x125xi32, #tpu.memory_space<vmem>>)
          tpu.yield
        }) : () -> ()
        "tpu.region"() ({
          %run_scoped3A = tpu.sem_alloc : memref<!tpu.dma_semaphore, #tpu.memory_space<semaphore_mem>>
          %dma_start3A_36 = arith.constant 0 : i32
          %dma_start3A_37 = tpu.memref_slice %arg5[%arg1, %mul3A_16, %dma_start3A_36] : memref<16x160x125xi32, #tpu.memory_space<hbm>> -> memref<1x40x125xi32, #tpu.memory_space<hbm>>
          %dma_start3A_38 = tpu.memref_squeeze %dma_start3A_37 : memref<1x40x125xi32, #tpu.memory_space<hbm>> -> memref<40x125xi32, #tpu.memory_space<hbm>>
          %dma_start3A_39 = arith.constant 0 : i32
          %dma_start3A_40 = tpu.memref_slice %arg5[%arg1, %mul3A_16, %dma_start3A_39] : memref<16x160x125xi32, #tpu.memory_space<hbm>> -> memref<1x40x125xi32, #tpu.memory_space<hbm>>
          %dma_start3A_41 = tpu.memref_squeeze %dma_start3A_40 : memref<1x40x125xi32, #tpu.memory_space<hbm>> -> memref<40x125xi32, #tpu.memory_space<hbm>>
          tpu.enqueue_dma source(%dma_start3A_41 : memref<40x125xi32, #tpu.memory_space<hbm>>) target(%arg11 : memref<40x125xi32, #tpu.memory_space<vmem>>) target_semaphore(%run_scoped3A : memref<!tpu.dma_semaphore, #tpu.memory_space<semaphore_mem>>)
          %dma_wait3A = arith.constant 0 : i32
          %dma_wait3A_42 = tpu.memref_slice %arg5[%arg1, %mul3A_16, %dma_wait3A] : memref<16x160x125xi32, #tpu.memory_space<hbm>> -> memref<1x40x125xi32, #tpu.memory_space<hbm>>
          %dma_wait3A_43 = tpu.memref_squeeze %dma_wait3A_42 : memref<1x40x125xi32, #tpu.memory_space<hbm>> -> memref<40x125xi32, #tpu.memory_space<hbm>>
          %dma_wait3A_44 = arith.constant 0 : i32
          %dma_wait3A_45 = tpu.memref_slice %arg5[%arg1, %mul3A_16, %dma_wait3A_44] : memref<16x160x125xi32, #tpu.memory_space<hbm>> -> memref<1x40x125xi32, #tpu.memory_space<hbm>>
          %dma_wait3A_46 = tpu.memref_squeeze %dma_wait3A_45 : memref<1x40x125xi32, #tpu.memory_space<hbm>> -> memref<40x125xi32, #tpu.memory_space<hbm>>
          tpu.wait_dma2 semaphore(%run_scoped3A : memref<!tpu.dma_semaphore, #tpu.memory_space<semaphore_mem>>) src(%dma_wait3A_46 : memref<40x125xi32, #tpu.memory_space<hbm>>) dst(%arg11 : memref<40x125xi32, #tpu.memory_space<vmem>>)
          tpu.yield
        }) : () -> ()
        %dma_start3A = arith.constant 0 : i32
        %dma_start3A_17 = arith.constant 0 : i32
        %dma_start3A_18 = tpu.memref_slice %arg10[%dma_start3A, %dma_start3A_17] : memref<40x125xi32, #tpu.memory_space<vmem>> -> memref<1x125xi32, #tpu.memory_space<vmem>>
        %dma_start3A_19 = tpu.memref_squeeze %dma_start3A_18 : memref<1x125xi32, #tpu.memory_space<vmem>> -> memref<125xi32, #tpu.memory_space<vmem>>
        %dma_start3A_20 = arith.constant 0 : i32
        %dma_start3A_21 = arith.constant 0 : i32
        %dma_start3A_22 = tpu.memref_slice %arg3[%dma_start3A_20, %dma_start3A_21] : memref<10240x80xf32, #tpu.memory_space<hbm>> -> memref<10240x80xf32, #tpu.memory_space<hbm>>
        tpu.enqueue_indirect_dma source(%dma_start3A_22 : memref<10240x80xf32, #tpu.memory_space<hbm>>) target(%arg12 : memref<125x80xf32, #tpu.memory_space<vmem>>) offsets(%dma_start3A_19 : memref<125xi32, #tpu.memory_space<vmem>>) semaphore(%arg14 : memref<!tpu.dma_semaphore, #tpu.memory_space<semaphore_mem>>)
        %dma_start3A_23 = arith.constant 1 : i32
        %dma_start3A_24 = arith.constant 0 : i32
        %dma_start3A_25 = tpu.memref_slice %arg10[%dma_start3A_23, %dma_start3A_24] : memref<40x125xi32, #tpu.memory_space<vmem>> -> memref<1x125xi32, #tpu.memory_space<vmem>>
        %dma_start3A_26 = tpu.memref_squeeze %dma_start3A_25 : memref<1x125xi32, #tpu.memory_space<vmem>> -> memref<125xi32, #tpu.memory_space<vmem>>
        %dma_start3A_27 = arith.constant 0 : i32
        %dma_start3A_28 = arith.constant 0 : i32
        %dma_start3A_29 = tpu.memref_slice %arg3[%dma_start3A_27, %dma_start3A_28] : memref<10240x80xf32, #tpu.memory_space<hbm>> -> memref<10240x80xf32, #tpu.memory_space<hbm>>
        tpu.enqueue_indirect_dma source(%dma_start3A_29 : memref<10240x80xf32, #tpu.memory_space<hbm>>) target(%arg13 : memref<125x80xf32, #tpu.memory_space<vmem>>) offsets(%dma_start3A_26 : memref<125xi32, #tpu.memory_space<vmem>>) semaphore(%arg15 : memref<!tpu.dma_semaphore, #tpu.memory_space<semaphore_mem>>)
        %scan3A_30 = arith.constant 0 : i32
        %scan3A_31 = arith.constant 0 : i32
        %scan3A_32 = arith.constant 20 : i32
        %scan3A_33 = arith.addi %scan3A_31, %scan3A_32 : i32
        %scan3A_34 = arith.constant 1 : i32
        scf.for %scan3A_36 = %scan3A_31 to %scan3A_33 step %scan3A_34  : i32 {
          %mul3A_37 = arith.constant 2 : i32
          %mul3A_38 = arith.muli %mul3A_37, %scan3A_36 : i32
          %dma_wait3A = arith.constant 0 : i32
          %dma_wait3A_39 = tpu.memref_slice %arg10[%mul3A_38, %dma_wait3A] : memref<40x125xi32, #tpu.memory_space<vmem>> -> memref<1x125xi32, #tpu.memory_space<vmem>>
          %dma_wait3A_40 = tpu.memref_squeeze %dma_wait3A_39 : memref<1x125xi32, #tpu.memory_space<vmem>> -> memref<125xi32, #tpu.memory_space<vmem>>
          %dma_wait3A_41 = arith.constant 0 : i32
          %dma_wait3A_42 = arith.constant 0 : i32
          %dma_wait3A_43 = tpu.memref_slice %arg3[%dma_wait3A_41, %dma_wait3A_42] : memref<10240x80xf32, #tpu.memory_space<hbm>> -> memref<10240x80xf32, #tpu.memory_space<hbm>>
          tpu.wait_indirect_dma semaphore(%arg14 : memref<!tpu.dma_semaphore, #tpu.memory_space<semaphore_mem>>) src(%dma_wait3A_43 : memref<10240x80xf32, #tpu.memory_space<hbm>>) dst(%arg12 : memref<125x80xf32, #tpu.memory_space<vmem>>)
          %dma_start3A_44 = arith.constant 0 : i32
          %dma_start3A_45 = tpu.memref_slice %arg11[%mul3A_38, %dma_start3A_44] : memref<40x125xi32, #tpu.memory_space<vmem>> -> memref<1x125xi32, #tpu.memory_space<vmem>>
          %dma_start3A_46 = tpu.memref_squeeze %dma_start3A_45 : memref<1x125xi32, #tpu.memory_space<vmem>> -> memref<125xi32, #tpu.memory_space<vmem>>
          %dma_start3A_47 = arith.constant 0 : i32
          %dma_start3A_48 = arith.constant 0 : i32
          %dma_start3A_49 = tpu.memref_slice %arg9[%dma_start3A_47, %dma_start3A_48] : memref<10240x80xf32, #tpu.memory_space<vmem_shared>> -> memref<10240x80xf32, #tpu.memory_space<vmem_shared>>
          tpu.enqueue_indirect_dma source(%arg12 : memref<125x80xf32, #tpu.memory_space<vmem>>) target(%dma_start3A_49 : memref<10240x80xf32, #tpu.memory_space<vmem_shared>>) offsets(%dma_start3A_46 : memref<125xi32, #tpu.memory_space<vmem>>) semaphore(%arg16 : memref<!tpu.dma_semaphore, #tpu.memory_space<semaphore_mem>>) {add = true}
          %add3A = arith.constant 1 : i32
          %add3A_50 = arith.addi %mul3A_38, %add3A : i32
          %dma_wait3A_51 = arith.constant 0 : i32
          %dma_wait3A_52 = tpu.memref_slice %arg10[%add3A_50, %dma_wait3A_51] : memref<40x125xi32, #tpu.memory_space<vmem>> -> memref<1x125xi32, #tpu.memory_space<vmem>>
          %dma_wait3A_53 = tpu.memref_squeeze %dma_wait3A_52 : memref<1x125xi32, #tpu.memory_space<vmem>> -> memref<125xi32, #tpu.memory_space<vmem>>
          %dma_wait3A_54 = arith.constant 0 : i32
          %dma_wait3A_55 = arith.constant 0 : i32
          %dma_wait3A_56 = tpu.memref_slice %arg3[%dma_wait3A_54, %dma_wait3A_55] : memref<10240x80xf32, #tpu.memory_space<hbm>> -> memref<10240x80xf32, #tpu.memory_space<hbm>>
          tpu.wait_indirect_dma semaphore(%arg15 : memref<!tpu.dma_semaphore, #tpu.memory_space<semaphore_mem>>) src(%dma_wait3A_56 : memref<10240x80xf32, #tpu.memory_space<hbm>>) dst(%arg13 : memref<125x80xf32, #tpu.memory_space<vmem>>)
          %add3A_57 = arith.constant 1 : i32
          %add3A_58 = arith.addi %mul3A_38, %add3A_57 : i32
          %dma_start3A_59 = arith.constant 0 : i32
          %dma_start3A_60 = tpu.memref_slice %arg11[%add3A_58, %dma_start3A_59] : memref<40x125xi32, #tpu.memory_space<vmem>> -> memref<1x125xi32, #tpu.memory_space<vmem>>
          %dma_start3A_61 = tpu.memref_squeeze %dma_start3A_60 : memref<1x125xi32, #tpu.memory_space<vmem>> -> memref<125xi32, #tpu.memory_space<vmem>>
          %dma_start3A_62 = arith.constant 0 : i32
          %dma_start3A_63 = arith.constant 0 : i32
          %dma_start3A_64 = tpu.memref_slice %arg9[%dma_start3A_62, %dma_start3A_63] : memref<10240x80xf32, #tpu.memory_space<vmem_shared>> -> memref<10240x80xf32, #tpu.memory_space<vmem_shared>>
          tpu.enqueue_indirect_dma source(%arg13 : memref<125x80xf32, #tpu.memory_space<vmem>>) target(%dma_start3A_64 : memref<10240x80xf32, #tpu.memory_space<vmem_shared>>) offsets(%dma_start3A_61 : memref<125xi32, #tpu.memory_space<vmem>>) semaphore(%arg17 : memref<!tpu.dma_semaphore, #tpu.memory_space<semaphore_mem>>) {add = true}
          %dma_wait3A_65 = arith.constant 0 : i32
          %dma_wait3A_66 = tpu.memref_slice %arg11[%mul3A_38, %dma_wait3A_65] : memref<40x125xi32, #tpu.memory_space<vmem>> -> memref<1x125xi32, #tpu.memory_space<vmem>>
          %dma_wait3A_67 = tpu.memref_squeeze %dma_wait3A_66 : memref<1x125xi32, #tpu.memory_space<vmem>> -> memref<125xi32, #tpu.memory_space<vmem>>
          %dma_wait3A_68 = arith.constant 0 : i32
          %dma_wait3A_69 = arith.constant 0 : i32
          %dma_wait3A_70 = tpu.memref_slice %arg9[%dma_wait3A_68, %dma_wait3A_69] : memref<10240x80xf32, #tpu.memory_space<vmem_shared>> -> memref<10240x80xf32, #tpu.memory_space<vmem_shared>>
          tpu.wait_indirect_dma semaphore(%arg16 : memref<!tpu.dma_semaphore, #tpu.memory_space<semaphore_mem>>) src(%arg12 : memref<125x80xf32, #tpu.memory_space<vmem>>) dst(%dma_wait3A_70 : memref<10240x80xf32, #tpu.memory_space<vmem_shared>>)
          %add3A_71 = arith.constant 1 : i32
          %add3A_72 = arith.addi %scan3A_36, %add3A_71 : i32
          %lt3A = arith.constant 20 : i32
          %lt3A_73 = arith.cmpi slt, %add3A_72, %lt3A : i32
          %convert_element_type3A_74 = arith.extui %lt3A_73 : i1 to i32
          %cond3A_75 = arith.constant 0 : i32
          %cond3A_76 = arith.cmpi ne, %convert_element_type3A_74, %cond3A_75 : i32
          scf.if %cond3A_76 {
            %add3A_92 = arith.constant 2 : i32
            %add3A_93 = arith.addi %mul3A_38, %add3A_92 : i32
            %dma_start3A_94 = arith.constant 0 : i32
            %dma_start3A_95 = tpu.memref_slice %arg10[%add3A_93, %dma_start3A_94] : memref<40x125xi32, #tpu.memory_space<vmem>> -> memref<1x125xi32, #tpu.memory_space<vmem>>
            %dma_start3A_96 = tpu.memref_squeeze %dma_start3A_95 : memref<1x125xi32, #tpu.memory_space<vmem>> -> memref<125xi32, #tpu.memory_space<vmem>>
            %dma_start3A_97 = arith.constant 0 : i32
            %dma_start3A_98 = arith.constant 0 : i32
            %dma_start3A_99 = tpu.memref_slice %arg3[%dma_start3A_97, %dma_start3A_98] : memref<10240x80xf32, #tpu.memory_space<hbm>> -> memref<10240x80xf32, #tpu.memory_space<hbm>>
            tpu.enqueue_indirect_dma source(%dma_start3A_99 : memref<10240x80xf32, #tpu.memory_space<hbm>>) target(%arg12 : memref<125x80xf32, #tpu.memory_space<vmem>>) offsets(%dma_start3A_96 : memref<125xi32, #tpu.memory_space<vmem>>) semaphore(%arg14 : memref<!tpu.dma_semaphore, #tpu.memory_space<semaphore_mem>>)
          } else {
          }
          %add3A_77 = arith.constant 1 : i32
          %add3A_78 = arith.addi %mul3A_38, %add3A_77 : i32
          %dma_wait3A_79 = arith.constant 0 : i32
          %dma_wait3A_80 = tpu.memref_slice %arg11[%add3A_78, %dma_wait3A_79] : memref<40x125xi32, #tpu.memory_space<vmem>> -> memref<1x125xi32, #tpu.memory_space<vmem>>
          %dma_wait3A_81 = tpu.memref_squeeze %dma_wait3A_80 : memref<1x125xi32, #tpu.memory_space<vmem>> -> memref<125xi32, #tpu.memory_space<vmem>>
          %dma_wait3A_82 = arith.constant 0 : i32
          %dma_wait3A_83 = arith.constant 0 : i32
          %dma_wait3A_84 = tpu.memref_slice %arg9[%dma_wait3A_82, %dma_wait3A_83] : memref<10240x80xf32, #tpu.memory_space<vmem_shared>> -> memref<10240x80xf32, #tpu.memory_space<vmem_shared>>
          tpu.wait_indirect_dma semaphore(%arg17 : memref<!tpu.dma_semaphore, #tpu.memory_space<semaphore_mem>>) src(%arg13 : memref<125x80xf32, #tpu.memory_space<vmem>>) dst(%dma_wait3A_84 : memref<10240x80xf32, #tpu.memory_space<vmem_shared>>)
          %add3A_85 = arith.constant 1 : i32
          %add3A_86 = arith.addi %scan3A_36, %add3A_85 : i32
          %lt3A_87 = arith.constant 20 : i32
          %lt3A_88 = arith.cmpi slt, %add3A_86, %lt3A_87 : i32
          %convert_element_type3A_89 = arith.extui %lt3A_88 : i1 to i32
          %cond3A_90 = arith.constant 0 : i32
          %cond3A_91 = arith.cmpi ne, %convert_element_type3A_89, %cond3A_90 : i32
          scf.if %cond3A_91 {
            %add3A_92 = arith.constant 3 : i32
            %add3A_93 = arith.addi %mul3A_38, %add3A_92 : i32
            %dma_start3A_94 = arith.constant 0 : i32
            %dma_start3A_95 = tpu.memref_slice %arg10[%add3A_93, %dma_start3A_94] : memref<40x125xi32, #tpu.memory_space<vmem>> -> memref<1x125xi32, #tpu.memory_space<vmem>>
            %dma_start3A_96 = tpu.memref_squeeze %dma_start3A_95 : memref<1x125xi32, #tpu.memory_space<vmem>> -> memref<125xi32, #tpu.memory_space<vmem>>
            %dma_start3A_97 = arith.constant 0 : i32
            %dma_start3A_98 = arith.constant 0 : i32
            %dma_start3A_99 = tpu.memref_slice %arg3[%dma_start3A_97, %dma_start3A_98] : memref<10240x80xf32, #tpu.memory_space<hbm>> -> memref<10240x80xf32, #tpu.memory_space<hbm>>
            tpu.enqueue_indirect_dma source(%dma_start3A_99 : memref<10240x80xf32, #tpu.memory_space<hbm>>) target(%arg13 : memref<125x80xf32, #tpu.memory_space<vmem>>) offsets(%dma_start3A_96 : memref<125xi32, #tpu.memory_space<vmem>>) semaphore(%arg15 : memref<!tpu.dma_semaphore, #tpu.memory_space<semaphore_mem>>)
          } else {
          }
        }
        %scan3A_35 = arith.constant 20 : i32
      }
      %scan3A_12 = arith.constant 4 : i32
      %barrier3A_13 = arith.constant 0 : index
      tpu.barrier barrier_id(%barrier3A_13)
      "tpu.region"() ({
        %run_scoped3A = tpu.sem_alloc : memref<!tpu.dma_semaphore, #tpu.memory_space<semaphore_mem>>
        %dma_start3A = arith.constant 0 : i32
        %dma_start3A_14 = tpu.memref_slice %arg8[%mul3A_0, %dma_start3A] : memref<10240x80xf32, #tpu.memory_space<hbm>> -> memref<640x80xf32, #tpu.memory_space<hbm>>
        %dma_start3A_15 = arith.constant 0 : i32
        %dma_start3A_16 = tpu.memref_slice %arg9[%mul3A_0, %dma_start3A_15] : memref<10240x80xf32, #tpu.memory_space<vmem_shared>> -> memref<640x80xf32, #tpu.memory_space<vmem_shared>>
        tpu.enqueue_dma source(%dma_start3A_16 : memref<640x80xf32, #tpu.memory_space<vmem_shared>>) target(%dma_start3A_14 : memref<640x80xf32, #tpu.memory_space<hbm>>) target_semaphore(%run_scoped3A : memref<!tpu.dma_semaphore, #tpu.memory_space<semaphore_mem>>)
        %dma_wait3A = arith.constant 0 : i32
        %dma_wait3A_17 = tpu.memref_slice %arg8[%mul3A_0, %dma_wait3A] : memref<10240x80xf32, #tpu.memory_space<hbm>> -> memref<640x80xf32, #tpu.memory_space<hbm>>
        %dma_wait3A_18 = arith.constant 0 : i32
        %dma_wait3A_19 = tpu.memref_slice %arg9[%mul3A_0, %dma_wait3A_18] : memref<10240x80xf32, #tpu.memory_space<vmem_shared>> -> memref<640x80xf32, #tpu.memory_space<vmem_shared>>
        tpu.wait_dma2 semaphore(%run_scoped3A : memref<!tpu.dma_semaphore, #tpu.memory_space<semaphore_mem>>) src(%dma_wait3A_19 : memref<640x80xf32, #tpu.memory_space<vmem_shared>>) dst(%dma_wait3A_17 : memref<640x80xf32, #tpu.memory_space<hbm>>)
        tpu.yield
      }) : () -> ()
    } else {
    }
    return
  }
}

module attributes {stable_mosaic.version = 14 : i64} {
  func.func @_layer1_body(%arg0: i32, %arg1: memref<2048x80xf32, #tpu.memory_space<vmem>>, %arg2: memref<2048x80xf32, #tpu.memory_space<vmem>>, %arg3: memref<2048x128xf32, #tpu.memory_space<vmem>>, %arg4: memref<64x256xf32, #tpu.memory_space<vmem>>, %arg5: memref<64x256xf32, #tpu.memory_space<vmem>>, %arg6: memref<128x256xf32, #tpu.memory_space<vmem>>, %arg7: memref<1x256xf32, #tpu.memory_space<vmem>>, %arg8: memref<2048x128xf32, #tpu.memory_space<vmem>>, %arg9: memref<2048x128xf32, #tpu.memory_space<vmem>>, %arg10: memref<2048x1xf32, #tpu.memory_space<vmem>>) attributes {dimension_semantics = [#tpu.dimension_semantics<arbitrary>], iteration_bounds = array<i64: 5>, scalar_prefetch = 0 : i64, scratch_operands = 0 : i64, tpu.core_type = #tpu.core_type<tc>, window_params = [{transform_indices = @transform_0, window_bounds = array<i64: 2048, 80>}, {transform_indices = @transform_1, window_bounds = array<i64: 2048, 80>}, {transform_indices = @transform_2, window_bounds = array<i64: 2048, 128>}, {pipeline_mode = #tpu.pipeline_mode<synchronous>, transform_indices = @transform_3, window_bounds = array<i64: 64, 256>}, {pipeline_mode = #tpu.pipeline_mode<synchronous>, transform_indices = @transform_4, window_bounds = array<i64: 64, 256>}, {pipeline_mode = #tpu.pipeline_mode<synchronous>, transform_indices = @transform_5, window_bounds = array<i64: 128, 256>}, {pipeline_mode = #tpu.pipeline_mode<synchronous>, transform_indices = @transform_6, window_bounds = array<i64: 1, 256>}, {transform_indices = @transform_7, window_bounds = array<i64: 2048, 128>}, {transform_indices = @transform_8, window_bounds = array<i64: 2048, 128>}, {transform_indices = @transform_9, window_bounds = array<i64: 2048, 1>}]} {
    %get3A = arith.constant 0 : index
    %get3A_0 = arith.constant 64 : index
    %get3A_1 = vector.load %arg1[%get3A, %get3A_0] : memref<2048x80xf32, #tpu.memory_space<vmem>>, vector<2048x1xf32>
    %max3A = arith.constant 1.000000e+00 : f32
    %max3A_2 = vector.broadcast %max3A : f32 to vector<2048x1xf32>
    %max3A_3 = arith.maximumf %get3A_1, %max3A_2 : vector<2048x1xf32>
    %div3A = arith.constant 1.000000e+00 : f32
    %div3A_4 = vector.broadcast %div3A : f32 to vector<2048x1xf32>
    %div3A_5 = arith.divf %div3A_4, %max3A_3 : vector<2048x1xf32>
    %get3A_6 = arith.constant 0 : index
    %get3A_7 = arith.constant 0 : index
    %get3A_8 = vector.load %arg1[%get3A_6, %get3A_7] : memref<2048x80xf32, #tpu.memory_space<vmem>>, vector<2048x64xf32>
    %get3A_9 = arith.constant 0 : index
    %get3A_10 = arith.constant 0 : index
    %get3A_11 = vector.load %arg4[%get3A_9, %get3A_10] : memref<64x256xf32, #tpu.memory_space<vmem>>, vector<64x256xf32>
    %dot_general3A = arith.constant dense<0.000000e+00> : vector<2048x256xf32>
    %dot_general3A_12 = tpu.matmul %get3A_8, %get3A_11, %dot_general3A {dimension_numbers = #tpu.dot_dimension_numbers<[1], [0], [0], [1], [0, 0, 1, 1], [], []>, transpose_lhs_hint = false} : vector<2048x64xf32>, vector<64x256xf32>, vector<2048x256xf32> -> vector<2048x256xf32>
    %get3A_13 = arith.constant 0 : index
    %get3A_14 = arith.constant 0 : index
    %get3A_15 = vector.load %arg2[%get3A_13, %get3A_14] : memref<2048x80xf32, #tpu.memory_space<vmem>>, vector<2048x64xf32>
    %get3A_16 = arith.constant 0 : index
    %get3A_17 = arith.constant 0 : index
    %get3A_18 = vector.load %arg5[%get3A_16, %get3A_17] : memref<64x256xf32, #tpu.memory_space<vmem>>, vector<64x256xf32>
    %dot_general3A_19 = arith.constant dense<0.000000e+00> : vector<2048x256xf32>
    %dot_general3A_20 = tpu.matmul %get3A_15, %get3A_18, %dot_general3A_19 {dimension_numbers = #tpu.dot_dimension_numbers<[1], [0], [0], [1], [0, 0, 1, 1], [], []>, transpose_lhs_hint = false} : vector<2048x64xf32>, vector<64x256xf32>, vector<2048x256xf32> -> vector<2048x256xf32>
    %add3A = arith.addf %dot_general3A_12, %dot_general3A_20 : vector<2048x256xf32>
    %mul3A = vector.broadcast %div3A_5 : vector<2048x1xf32> to vector<2048x256xf32>
    %mul3A_21 = arith.mulf %add3A, %mul3A : vector<2048x256xf32>
    %get3A_22 = arith.constant 0 : index
    %get3A_23 = arith.constant 0 : index
    %get3A_24 = vector.load %arg3[%get3A_22, %get3A_23] : memref<2048x128xf32, #tpu.memory_space<vmem>>, vector<2048x128xf32>
    %get3A_25 = arith.constant 0 : index
    %get3A_26 = arith.constant 0 : index
    %get3A_27 = vector.load %arg6[%get3A_25, %get3A_26] : memref<128x256xf32, #tpu.memory_space<vmem>>, vector<128x256xf32>
    %dot_general3A_28 = arith.constant dense<0.000000e+00> : vector<2048x256xf32>
    %dot_general3A_29 = tpu.matmul %get3A_24, %get3A_27, %dot_general3A_28 {dimension_numbers = #tpu.dot_dimension_numbers<[1], [0], [0], [1], [0, 0, 1, 1], [], []>, transpose_lhs_hint = false} : vector<2048x128xf32>, vector<128x256xf32>, vector<2048x256xf32> -> vector<2048x256xf32>
    %add3A_30 = arith.addf %mul3A_21, %dot_general3A_29 : vector<2048x256xf32>
    %get3A_31 = arith.constant 0 : index
    %get3A_32 = arith.constant 0 : index
    %get3A_33 = vector.load %arg7[%get3A_31, %get3A_32] : memref<1x256xf32, #tpu.memory_space<vmem>>, vector<1x256xf32>
    %add3A_34 = vector.broadcast %get3A_33 : vector<1x256xf32> to vector<2048x256xf32>
    %add3A_35 = arith.addf %add3A_30, %add3A_34 : vector<2048x256xf32>
    %max3A_36 = arith.constant 0.000000e+00 : f32
    %max3A_37 = vector.broadcast %max3A_36 : f32 to vector<2048x256xf32>
    %max3A_38 = arith.maximumf %add3A_35, %max3A_37 : vector<2048x256xf32>
    %slice3A = vector.extract_strided_slice %max3A_38 {offsets = [0, 0], sizes = [2048, 128], strides = [1, 1]} : vector<2048x256xf32> to vector<2048x128xf32>
    %swap3A = arith.constant 0 : index
    %swap3A_39 = arith.constant 0 : index
    %swap3A_40 = vector.load %arg8[%swap3A, %swap3A_39] : memref<2048x128xf32, #tpu.memory_space<vmem>>, vector<2048x128xf32>
    tpu.vector_store %arg8[%swap3A, %swap3A_39], %slice3A {strides = array<i32>} : memref<2048x128xf32, #tpu.memory_space<vmem>>, vector<2048x128xf32>,
    %slice3A_41 = vector.extract_strided_slice %max3A_38 {offsets = [0, 128], sizes = [2048, 128], strides = [1, 1]} : vector<2048x256xf32> to vector<2048x128xf32>
    %swap3A_42 = arith.constant 0 : index
    %swap3A_43 = arith.constant 0 : index
    %swap3A_44 = vector.load %arg9[%swap3A_42, %swap3A_43] : memref<2048x128xf32, #tpu.memory_space<vmem>>, vector<2048x128xf32>
    tpu.vector_store %arg9[%swap3A_42, %swap3A_43], %slice3A_41 {strides = array<i32>} : memref<2048x128xf32, #tpu.memory_space<vmem>>, vector<2048x128xf32>,
    %swap3A_45 = arith.constant 0 : index
    %swap3A_46 = arith.constant 0 : index
    %swap3A_47 = vector.load %arg10[%swap3A_45, %swap3A_46] : memref<2048x1xf32, #tpu.memory_space<vmem>>, vector<2048x1xf32>
    tpu.vector_store %arg10[%swap3A_45, %swap3A_46], %div3A_5 {strides = array<i32>} : memref<2048x1xf32, #tpu.memory_space<vmem>>, vector<2048x1xf32>,
    return
  }
  func.func @transform_0(%arg0: i32) -> (i32, i32) {
    %c0_i32 = arith.constant 0 : i32
    %c0_i32_0 = arith.constant 0 : i32
    return %arg0, %c0_i32 : i32, i32
  }
  func.func @transform_1(%arg0: i32) -> (i32, i32) {
    %c0_i32 = arith.constant 0 : i32
    %c0_i32_0 = arith.constant 0 : i32
    return %arg0, %c0_i32 : i32, i32
  }
  func.func @transform_2(%arg0: i32) -> (i32, i32) {
    %c0_i32 = arith.constant 0 : i32
    %c0_i32_0 = arith.constant 0 : i32
    return %arg0, %c0_i32 : i32, i32
  }
  func.func @transform_3(%arg0: i32) -> (i32, i32) {
    %c0_i32 = arith.constant 0 : i32
    %c0_i32_0 = arith.constant 0 : i32
    %c0_i32_1 = arith.constant 0 : i32
    return %c0_i32, %c0_i32_0 : i32, i32
  }
  func.func @transform_4(%arg0: i32) -> (i32, i32) {
    %c0_i32 = arith.constant 0 : i32
    %c0_i32_0 = arith.constant 0 : i32
    %c0_i32_1 = arith.constant 0 : i32
    return %c0_i32, %c0_i32_0 : i32, i32
  }
  func.func @transform_5(%arg0: i32) -> (i32, i32) {
    %c0_i32 = arith.constant 0 : i32
    %c0_i32_0 = arith.constant 0 : i32
    %c0_i32_1 = arith.constant 0 : i32
    return %c0_i32, %c0_i32_0 : i32, i32
  }
  func.func @transform_6(%arg0: i32) -> (i32, i32) {
    %c0_i32 = arith.constant 0 : i32
    %c0_i32_0 = arith.constant 0 : i32
    %c0_i32_1 = arith.constant 0 : i32
    return %c0_i32, %c0_i32_0 : i32, i32
  }
  func.func @transform_7(%arg0: i32) -> (i32, i32) {
    %c0_i32 = arith.constant 0 : i32
    %c0_i32_0 = arith.constant 0 : i32
    return %arg0, %c0_i32 : i32, i32
  }
  func.func @transform_8(%arg0: i32) -> (i32, i32) {
    %c0_i32 = arith.constant 0 : i32
    %c0_i32_0 = arith.constant 0 : i32
    return %arg0, %c0_i32 : i32, i32
  }
  func.func @transform_9(%arg0: i32) -> (i32, i32) {
    %c0_i32 = arith.constant 0 : i32
    %c0_i32_0 = arith.constant 0 : i32
    return %arg0, %c0_i32 : i32, i32
  }
}

module attributes {stable_mosaic.version = 14 : i64} {
  func.func @_layer23_body(%arg0: i32, %arg1: memref<2048x128xf32, #tpu.memory_space<vmem>>, %arg2: memref<2048x128xf32, #tpu.memory_space<vmem>>, %arg3: memref<2048x128xf32, #tpu.memory_space<vmem>>, %arg4: memref<2048x128xf32, #tpu.memory_space<vmem>>, %arg5: memref<2048x1xf32, #tpu.memory_space<vmem>>, %arg6: memref<128x256xf32, #tpu.memory_space<vmem>>, %arg7: memref<128x256xf32, #tpu.memory_space<vmem>>, %arg8: memref<128x256xf32, #tpu.memory_space<vmem>>, %arg9: memref<128x256xf32, #tpu.memory_space<vmem>>, %arg10: memref<1x256xf32, #tpu.memory_space<vmem>>, %arg11: memref<256x64xf32, #tpu.memory_space<vmem>>, %arg12: memref<256x64xf32, #tpu.memory_space<vmem>>, %arg13: memref<1x64xf32, #tpu.memory_space<vmem>>, %arg14: memref<2048x32xf32, #tpu.memory_space<vmem>>, %arg15: memref<2048x32xf32, #tpu.memory_space<vmem>>, %arg16: memref<2048x64xf32, #tpu.memory_space<vmem>>) attributes {dimension_semantics = [#tpu.dimension_semantics<arbitrary>], iteration_bounds = array<i64: 5>, scalar_prefetch = 0 : i64, scratch_operands = 0 : i64, tpu.core_type = #tpu.core_type<tc>, window_params = [{transform_indices = @transform_0, window_bounds = array<i64: 2048, 128>}, {transform_indices = @transform_1, window_bounds = array<i64: 2048, 128>}, {transform_indices = @transform_2, window_bounds = array<i64: 2048, 128>}, {transform_indices = @transform_3, window_bounds = array<i64: 2048, 128>}, {transform_indices = @transform_4, window_bounds = array<i64: 2048, 1>}, {pipeline_mode = #tpu.pipeline_mode<synchronous>, transform_indices = @transform_5, window_bounds = array<i64: 128, 256>}, {pipeline_mode = #tpu.pipeline_mode<synchronous>, transform_indices = @transform_6, window_bounds = array<i64: 128, 256>}, {pipeline_mode = #tpu.pipeline_mode<synchronous>, transform_indices = @transform_7, window_bounds = array<i64: 128, 256>}, {pipeline_mode = #tpu.pipeline_mode<synchronous>, transform_indices = @transform_8, window_bounds = array<i64: 128, 256>}, {pipeline_mode = #tpu.pipeline_mode<synchronous>, transform_indices = @transform_9, window_bounds = array<i64: 1, 256>}, {pipeline_mode = #tpu.pipeline_mode<synchronous>, transform_indices = @transform_10, window_bounds = array<i64: 256, 64>}, {pipeline_mode = #tpu.pipeline_mode<synchronous>, transform_indices = @transform_11, window_bounds = array<i64: 256, 64>}, {pipeline_mode = #tpu.pipeline_mode<synchronous>, transform_indices = @transform_12, window_bounds = array<i64: 1, 64>}, {transform_indices = @transform_13, window_bounds = array<i64: 2048, 32>}, {transform_indices = @transform_14, window_bounds = array<i64: 2048, 32>}, {transform_indices = @transform_15, window_bounds = array<i64: 2048, 64>}]} {
    %get3A = arith.constant 0 : index
    %get3A_0 = arith.constant 0 : index
    %get3A_1 = vector.load %arg1[%get3A, %get3A_0] : memref<2048x128xf32, #tpu.memory_space<vmem>>, vector<2048x128xf32>
    %get3A_2 = arith.constant 0 : index
    %get3A_3 = arith.constant 0 : index
    %get3A_4 = vector.load %arg6[%get3A_2, %get3A_3] : memref<128x256xf32, #tpu.memory_space<vmem>>, vector<128x256xf32>
    %dot_general3A = arith.constant dense<0.000000e+00> : vector<2048x256xf32>
    %dot_general3A_5 = tpu.matmul %get3A_1, %get3A_4, %dot_general3A {dimension_numbers = #tpu.dot_dimension_numbers<[1], [0], [0], [1], [0, 0, 1, 1], [], []>, transpose_lhs_hint = false} : vector<2048x128xf32>, vector<128x256xf32>, vector<2048x256xf32> -> vector<2048x256xf32>
    %get3A_6 = arith.constant 0 : index
    %get3A_7 = arith.constant 0 : index
    %get3A_8 = vector.load %arg2[%get3A_6, %get3A_7] : memref<2048x128xf32, #tpu.memory_space<vmem>>, vector<2048x128xf32>
    %get3A_9 = arith.constant 0 : index
    %get3A_10 = arith.constant 0 : index
    %get3A_11 = vector.load %arg7[%get3A_9, %get3A_10] : memref<128x256xf32, #tpu.memory_space<vmem>>, vector<128x256xf32>
    %dot_general3A_12 = arith.constant dense<0.000000e+00> : vector<2048x256xf32>
    %dot_general3A_13 = tpu.matmul %get3A_8, %get3A_11, %dot_general3A_12 {dimension_numbers = #tpu.dot_dimension_numbers<[1], [0], [0], [1], [0, 0, 1, 1], [], []>, transpose_lhs_hint = false} : vector<2048x128xf32>, vector<128x256xf32>, vector<2048x256xf32> -> vector<2048x256xf32>
    %add3A = arith.addf %dot_general3A_5, %dot_general3A_13 : vector<2048x256xf32>
    %get3A_14 = arith.constant 0 : index
    %get3A_15 = arith.constant 0 : index
    %get3A_16 = vector.load %arg3[%get3A_14, %get3A_15] : memref<2048x128xf32, #tpu.memory_space<vmem>>, vector<2048x128xf32>
    %get3A_17 = arith.constant 0 : index
    %get3A_18 = arith.constant 0 : index
    %get3A_19 = vector.load %arg8[%get3A_17, %get3A_18] : memref<128x256xf32, #tpu.memory_space<vmem>>, vector<128x256xf32>
    %dot_general3A_20 = arith.constant dense<0.000000e+00> : vector<2048x256xf32>
    %dot_general3A_21 = tpu.matmul %get3A_16, %get3A_19, %dot_general3A_20 {dimension_numbers = #tpu.dot_dimension_numbers<[1], [0], [0], [1], [0, 0, 1, 1], [], []>, transpose_lhs_hint = false} : vector<2048x128xf32>, vector<128x256xf32>, vector<2048x256xf32> -> vector<2048x256xf32>
    %get3A_22 = arith.constant 0 : index
    %get3A_23 = arith.constant 0 : index
    %get3A_24 = vector.load %arg4[%get3A_22, %get3A_23] : memref<2048x128xf32, #tpu.memory_space<vmem>>, vector<2048x128xf32>
    %get3A_25 = arith.constant 0 : index
    %get3A_26 = arith.constant 0 : index
    %get3A_27 = vector.load %arg9[%get3A_25, %get3A_26] : memref<128x256xf32, #tpu.memory_space<vmem>>, vector<128x256xf32>
    %dot_general3A_28 = arith.constant dense<0.000000e+00> : vector<2048x256xf32>
    %dot_general3A_29 = tpu.matmul %get3A_24, %get3A_27, %dot_general3A_28 {dimension_numbers = #tpu.dot_dimension_numbers<[1], [0], [0], [1], [0, 0, 1, 1], [], []>, transpose_lhs_hint = false} : vector<2048x128xf32>, vector<128x256xf32>, vector<2048x256xf32> -> vector<2048x256xf32>
    %add3A_30 = arith.addf %dot_general3A_21, %dot_general3A_29 : vector<2048x256xf32>
    %get3A_31 = arith.constant 0 : index
    %get3A_32 = arith.constant 0 : index
    %get3A_33 = vector.load %arg5[%get3A_31, %get3A_32] : memref<2048x1xf32, #tpu.memory_space<vmem>>, vector<2048x1xf32>
    %mul3A = vector.broadcast %get3A_33 : vector<2048x1xf32> to vector<2048x256xf32>
    %mul3A_34 = arith.mulf %add3A, %mul3A : vector<2048x256xf32>
    %add3A_35 = arith.addf %mul3A_34, %add3A_30 : vector<2048x256xf32>
    %get3A_36 = arith.constant 0 : index
    %get3A_37 = arith.constant 0 : index
    %get3A_38 = vector.load %arg10[%get3A_36, %get3A_37] : memref<1x256xf32, #tpu.memory_space<vmem>>, vector<1x256xf32>
    %add3A_39 = vector.broadcast %get3A_38 : vector<1x256xf32> to vector<2048x256xf32>
    %add3A_40 = arith.addf %add3A_35, %add3A_39 : vector<2048x256xf32>
    %max3A = arith.constant 0.000000e+00 : f32
    %max3A_41 = vector.broadcast %max3A : f32 to vector<2048x256xf32>
    %max3A_42 = arith.maximumf %add3A_40, %max3A_41 : vector<2048x256xf32>
    %get3A_43 = arith.constant 0 : index
    %get3A_44 = arith.constant 0 : index
    %get3A_45 = vector.load %arg11[%get3A_43, %get3A_44] : memref<256x64xf32, #tpu.memory_space<vmem>>, vector<256x64xf32>
    %dot_general3A_46 = arith.constant dense<0.000000e+00> : vector<2048x64xf32>
    %dot_general3A_47 = tpu.matmul %max3A_42, %get3A_45, %dot_general3A_46 {dimension_numbers = #tpu.dot_dimension_numbers<[1], [0], [0], [1], [0, 0, 1, 1], [], []>, transpose_lhs_hint = false} : vector<2048x256xf32>, vector<256x64xf32>, vector<2048x64xf32> -> vector<2048x64xf32>
    %slice3A = vector.extract_strided_slice %dot_general3A_47 {offsets = [0, 0], sizes = [2048, 32], strides = [1, 1]} : vector<2048x64xf32> to vector<2048x32xf32>
    %swap3A = arith.constant 0 : index
    %swap3A_48 = arith.constant 0 : index
    %swap3A_49 = vector.load %arg14[%swap3A, %swap3A_48] : memref<2048x32xf32, #tpu.memory_space<vmem>>, vector<2048x32xf32>
    tpu.vector_store %arg14[%swap3A, %swap3A_48], %slice3A {strides = array<i32>} : memref<2048x32xf32, #tpu.memory_space<vmem>>, vector<2048x32xf32>,
    %slice3A_50 = vector.extract_strided_slice %dot_general3A_47 {offsets = [0, 32], sizes = [2048, 32], strides = [1, 1]} : vector<2048x64xf32> to vector<2048x32xf32>
    %swap3A_51 = arith.constant 0 : index
    %swap3A_52 = arith.constant 0 : index
    %swap3A_53 = vector.load %arg15[%swap3A_51, %swap3A_52] : memref<2048x32xf32, #tpu.memory_space<vmem>>, vector<2048x32xf32>
    tpu.vector_store %arg15[%swap3A_51, %swap3A_52], %slice3A_50 {strides = array<i32>} : memref<2048x32xf32, #tpu.memory_space<vmem>>, vector<2048x32xf32>,
    %get3A_54 = arith.constant 0 : index
    %get3A_55 = arith.constant 0 : index
    %get3A_56 = vector.load %arg12[%get3A_54, %get3A_55] : memref<256x64xf32, #tpu.memory_space<vmem>>, vector<256x64xf32>
    %dot_general3A_57 = arith.constant dense<0.000000e+00> : vector<2048x64xf32>
    %dot_general3A_58 = tpu.matmul %max3A_42, %get3A_56, %dot_general3A_57 {dimension_numbers = #tpu.dot_dimension_numbers<[1], [0], [0], [1], [0, 0, 1, 1], [], []>, transpose_lhs_hint = false} : vector<2048x256xf32>, vector<256x64xf32>, vector<2048x64xf32> -> vector<2048x64xf32>
    %get3A_59 = arith.constant 0 : index
    %get3A_60 = arith.constant 0 : index
    %get3A_61 = vector.load %arg13[%get3A_59, %get3A_60] : memref<1x64xf32, #tpu.memory_space<vmem>>, vector<1x64xf32>
    %add3A_62 = vector.broadcast %get3A_61 : vector<1x64xf32> to vector<2048x64xf32>
    %add3A_63 = arith.addf %dot_general3A_58, %add3A_62 : vector<2048x64xf32>
    %swap3A_64 = arith.constant 0 : index
    %swap3A_65 = arith.constant 0 : index
    %swap3A_66 = vector.load %arg16[%swap3A_64, %swap3A_65] : memref<2048x64xf32, #tpu.memory_space<vmem>>, vector<2048x64xf32>
    tpu.vector_store %arg16[%swap3A_64, %swap3A_65], %add3A_63 {strides = array<i32>} : memref<2048x64xf32, #tpu.memory_space<vmem>>, vector<2048x64xf32>,
    return
  }
  func.func @transform_0(%arg0: i32) -> (i32, i32) {
    %c0_i32 = arith.constant 0 : i32
    %c0_i32_0 = arith.constant 0 : i32
    return %arg0, %c0_i32 : i32, i32
  }
  func.func @transform_1(%arg0: i32) -> (i32, i32) {
    %c0_i32 = arith.constant 0 : i32
    %c0_i32_0 = arith.constant 0 : i32
    return %arg0, %c0_i32 : i32, i32
  }
  func.func @transform_2(%arg0: i32) -> (i32, i32) {
    %c0_i32 = arith.constant 0 : i32
    %c0_i32_0 = arith.constant 0 : i32
    return %arg0, %c0_i32 : i32, i32
  }
  func.func @transform_3(%arg0: i32) -> (i32, i32) {
    %c0_i32 = arith.constant 0 : i32
    %c0_i32_0 = arith.constant 0 : i32
    return %arg0, %c0_i32 : i32, i32
  }
  func.func @transform_4(%arg0: i32) -> (i32, i32) {
    %c0_i32 = arith.constant 0 : i32
    %c0_i32_0 = arith.constant 0 : i32
    return %arg0, %c0_i32 : i32, i32
  }
  func.func @transform_5(%arg0: i32) -> (i32, i32) {
    %c0_i32 = arith.constant 0 : i32
    %c0_i32_0 = arith.constant 0 : i32
    %c0_i32_1 = arith.constant 0 : i32
    return %c0_i32, %c0_i32_0 : i32, i32
  }
  func.func @transform_6(%arg0: i32) -> (i32, i32) {
    %c0_i32 = arith.constant 0 : i32
    %c0_i32_0 = arith.constant 0 : i32
    %c0_i32_1 = arith.constant 0 : i32
    return %c0_i32, %c0_i32_0 : i32, i32
  }
  func.func @transform_7(%arg0: i32) -> (i32, i32) {
    %c0_i32 = arith.constant 0 : i32
    %c0_i32_0 = arith.constant 0 : i32
    %c0_i32_1 = arith.constant 0 : i32
    return %c0_i32, %c0_i32_0 : i32, i32
  }
  func.func @transform_8(%arg0: i32) -> (i32, i32) {
    %c0_i32 = arith.constant 0 : i32
    %c0_i32_0 = arith.constant 0 : i32
    %c0_i32_1 = arith.constant 0 : i32
    return %c0_i32, %c0_i32_0 : i32, i32
  }
  func.func @transform_9(%arg0: i32) -> (i32, i32) {
    %c0_i32 = arith.constant 0 : i32
    %c0_i32_0 = arith.constant 0 : i32
    %c0_i32_1 = arith.constant 0 : i32
    return %c0_i32, %c0_i32_0 : i32, i32
  }
  func.func @transform_10(%arg0: i32) -> (i32, i32) {
    %c0_i32 = arith.constant 0 : i32
    %c0_i32_0 = arith.constant 0 : i32
    %c0_i32_1 = arith.constant 0 : i32
    return %c0_i32, %c0_i32_0 : i32, i32
  }
  func.func @transform_11(%arg0: i32) -> (i32, i32) {
    %c0_i32 = arith.constant 0 : i32
    %c0_i32_0 = arith.constant 0 : i32
    %c0_i32_1 = arith.constant 0 : i32
    return %c0_i32, %c0_i32_0 : i32, i32
  }
  func.func @transform_12(%arg0: i32) -> (i32, i32) {
    %c0_i32 = arith.constant 0 : i32
    %c0_i32_0 = arith.constant 0 : i32
    %c0_i32_1 = arith.constant 0 : i32
    return %c0_i32, %c0_i32_0 : i32, i32
  }
  func.func @transform_13(%arg0: i32) -> (i32, i32) {
    %c0_i32 = arith.constant 0 : i32
    %c0_i32_0 = arith.constant 0 : i32
    return %arg0, %c0_i32 : i32, i32
  }
  func.func @transform_14(%arg0: i32) -> (i32, i32) {
    %c0_i32 = arith.constant 0 : i32
    %c0_i32_0 = arith.constant 0 : i32
    return %arg0, %c0_i32 : i32, i32
  }
  func.func @transform_15(%arg0: i32) -> (i32, i32) {
    %c0_i32 = arith.constant 0 : i32
    %c0_i32_0 = arith.constant 0 : i32
    return %arg0, %c0_i32 : i32, i32
  }
}

module attributes {stable_mosaic.version = 14 : i64} {
  func.func @_final_body(%arg0: i32, %arg1: memref<2048x32xf32, #tpu.memory_space<vmem>>, %arg2: memref<2048x32xf32, #tpu.memory_space<vmem>>, %arg3: memref<2048x64xf32, #tpu.memory_space<vmem>>, %arg4: memref<2048x1xf32, #tpu.memory_space<vmem>>, %arg5: memref<2048x40xf32, #tpu.memory_space<vmem>>) attributes {dimension_semantics = [#tpu.dimension_semantics<arbitrary>], iteration_bounds = array<i64: 5>, scalar_prefetch = 0 : i64, scratch_operands = 0 : i64, tpu.core_type = #tpu.core_type<tc>, window_params = [{transform_indices = @transform_0, window_bounds = array<i64: 2048, 32>}, {transform_indices = @transform_1, window_bounds = array<i64: 2048, 32>}, {transform_indices = @transform_2, window_bounds = array<i64: 2048, 64>}, {transform_indices = @transform_3, window_bounds = array<i64: 2048, 1>}, {transform_indices = @transform_4, window_bounds = array<i64: 2048, 40>}]} {
    %get3A = arith.constant 0 : index
    %get3A_0 = arith.constant 0 : index
    %get3A_1 = vector.load %arg1[%get3A, %get3A_0] : memref<2048x32xf32, #tpu.memory_space<vmem>>, vector<2048x32xf32>
    %get3A_2 = arith.constant 0 : index
    %get3A_3 = arith.constant 0 : index
    %get3A_4 = vector.load %arg2[%get3A_2, %get3A_3] : memref<2048x32xf32, #tpu.memory_space<vmem>>, vector<2048x32xf32>
    %concatenate3A = tpu.concatenate %get3A_1, %get3A_4 in 1 : vector<2048x32xf32>, vector<2048x32xf32> -> vector<2048x64xf32>
    %get3A_5 = arith.constant 0 : index
    %get3A_6 = arith.constant 0 : index
    %get3A_7 = vector.load %arg4[%get3A_5, %get3A_6] : memref<2048x1xf32, #tpu.memory_space<vmem>>, vector<2048x1xf32>
    %mul3A = vector.broadcast %get3A_7 : vector<2048x1xf32> to vector<2048x64xf32>
    %mul3A_8 = arith.mulf %concatenate3A, %mul3A : vector<2048x64xf32>
    %get3A_9 = arith.constant 0 : index
    %get3A_10 = arith.constant 0 : index
    %get3A_11 = vector.load %arg3[%get3A_9, %get3A_10] : memref<2048x64xf32, #tpu.memory_space<vmem>>, vector<2048x64xf32>
    %add3A = arith.addf %mul3A_8, %get3A_11 : vector<2048x64xf32>
    %iota3A = tpu.iota {dimensions = array<i32: 1>} : vector<2048x64xi32>
    %lt3A = arith.constant 40 : i32
    %lt3A_12 = vector.broadcast %lt3A : i32 to vector<2048x64xi32>
    %lt3A_13 = arith.cmpi slt, %iota3A, %lt3A_12 : vector<2048x64xi32>
    %jit3A = arith.constant 0xFF800000 : f32
    %broadcast_in_dim3A = vector.broadcast %jit3A : f32 to vector<2048x64xf32>
    %select_n3A = arith.select %lt3A_13, %add3A, %broadcast_in_dim3A : vector<2048x64xi1>, vector<2048x64xf32>
    %reduce_max3A = arith.constant dense<0xFF800000> : vector<2048xf32>
    %reduce_max3A_14 = vector.multi_reduction <maximumf>, %select_n3A, %reduce_max3A [1] : vector<2048x64xf32> to vector<2048xf32>
    %broadcast_in_dim3A_15 = vector.shape_cast %reduce_max3A_14 : vector<2048xf32> to vector<2048x1xf32>
    %sub3A = vector.broadcast %broadcast_in_dim3A_15 : vector<2048x1xf32> to vector<2048x64xf32>
    %sub3A_16 = arith.subf %add3A, %sub3A : vector<2048x64xf32>
    %exp3A = math.exp %sub3A_16 : vector<2048x64xf32>
    %jit3A_17 = arith.constant 0.000000e+00 : f32
    %broadcast_in_dim3A_18 = vector.broadcast %jit3A_17 : f32 to vector<2048x64xf32>
    %select_n3A_19 = arith.select %lt3A_13, %exp3A, %broadcast_in_dim3A_18 : vector<2048x64xi1>, vector<2048x64xf32>
    %reduce_sum3A = arith.constant dense<0.000000e+00> : vector<2048xf32>
    %reduce_sum3A_20 = vector.multi_reduction <add>, %select_n3A_19, %reduce_sum3A [1] : vector<2048x64xf32> to vector<2048xf32>
    %broadcast_in_dim3A_21 = vector.shape_cast %reduce_sum3A_20 : vector<2048xf32> to vector<2048x1xf32>
    %log3A = math.log %broadcast_in_dim3A_21 : vector<2048x1xf32>
    %sub3A_22 = vector.broadcast %broadcast_in_dim3A_15 : vector<2048x1xf32> to vector<2048x64xf32>
    %sub3A_23 = arith.subf %add3A, %sub3A_22 : vector<2048x64xf32>
    %sub3A_24 = vector.broadcast %log3A : vector<2048x1xf32> to vector<2048x64xf32>
    %sub3A_25 = arith.subf %sub3A_23, %sub3A_24 : vector<2048x64xf32>
    %slice3A = vector.extract_strided_slice %sub3A_25 {offsets = [0, 0], sizes = [2048, 40], strides = [1, 1]} : vector<2048x64xf32> to vector<2048x40xf32>
    %swap3A = arith.constant 0 : index
    %swap3A_26 = arith.constant 0 : index
    %swap3A_27 = vector.load %arg5[%swap3A, %swap3A_26] : memref<2048x40xf32, #tpu.memory_space<vmem>>, vector<2048x40xf32>
    tpu.vector_store %arg5[%swap3A, %swap3A_26], %slice3A {strides = array<i32>} : memref<2048x40xf32, #tpu.memory_space<vmem>>, vector<2048x40xf32>,
    return
  }
  func.func @transform_0(%arg0: i32) -> (i32, i32) {
    %c0_i32 = arith.constant 0 : i32
    %c0_i32_0 = arith.constant 0 : i32
    return %arg0, %c0_i32 : i32, i32
  }
  func.func @transform_1(%arg0: i32) -> (i32, i32) {
    %c0_i32 = arith.constant 0 : i32
    %c0_i32_0 = arith.constant 0 : i32
    return %arg0, %c0_i32 : i32, i32
  }
  func.func @transform_2(%arg0: i32) -> (i32, i32) {
    %c0_i32 = arith.constant 0 : i32
    %c0_i32_0 = arith.constant 0 : i32
    return %arg0, %c0_i32 : i32, i32
  }
  func.func @transform_3(%arg0: i32) -> (i32, i32) {
    %c0_i32 = arith.constant 0 : i32
    %c0_i32_0 = arith.constant 0 : i32
    return %arg0, %c0_i32 : i32, i32
  }
  func.func @transform_4(%arg0: i32) -> (i32, i32) {
    %c0_i32 = arith.constant 0 : i32
    %c0_i32_0 = arith.constant 0 : i32
    return %arg0, %c0_i32 : i32, i32
  }
}

</mosaic_0001>

<sc_bundles>
// kernel: kernel.11.cloned.1.call-start
scs
__scs_entry_jumppad:
0x0: {  	(pc) =	sbr.rel $0x88, $3  }
0x1: {  	(tag) =	ssettag $0x0;
	lr =	simm.s32 $0x1  }
0x2: {  	[smem:$0x3F96] =	sst lr;
	_ =	strace $0xD0000000  }
0x3: {  	_ = 	snop  }
0x4: {  	_ = 	snop  }
0x5: {  	_ = 	snop  }
0x6: {  	_ = 	snop  }
0x7: {  	_ = 	snop  }
__scs_overlays_trampoline_lowered:
0x8: {  	[smem:$0x3FA5] =	sst s0  }
0x9: {  	[smem:$0x3FA6] =	sst s1  }
0xa: {  	[smem:$0x3FA7] =	sst s2  }
0xb: {  	[smem:$0x3FA8] =	sst s3  }
0xc: {  	[smem:$0x3FA9] =	sst s4  }
0xd: {  	[smem:$0x3FAA] =	sst s5  }
0xe: {  	[smem:$0x3FAB] =	sst s6  }
0xf: {  	[smem:$0x3FAC] =	sst s7  }
0x10: {  	[smem:$0x3FAD] =	sst s8  }
0x11: {  	[smem:$0x3FAE] =	sst s9;
	s0 =	simm.s32 @!p0 $0x0  }
0x12: {  	s1 =	sld [smem:$0x3F94];
	s0 =	simm.s32 @p0 $0x1  }
0x13: {  	[smem:$0x3FAF] =	sst s0;
	s0 =	simm.s32 @!p1 $0x0  }
0x14: {  	s2 =	sld [smem:$0x3F93];
	s0 =	simm.s32 @p1 $0x1  }
0x15: {  	[smem:$0x3FB0] =	sst s0;
	s0 =	simm.s32 @!p2 $0x0  }
0x16: {  	s3 =	sld [smem:$0x3FDB];
	s0 =	simm.s32 @p2 $0x1  }
0x17: {  	s4 =	simm.s32 $0x1BF5;
	[smem:$0x3FB2] =	sst s0  }
0x18: {  	s0 =	sld [smem:$0x3F95];
	_ =	swait.ge [sflag:s4], $0x0  }
0x19: {  	s7 =	sld [smem:$0x3F96]  }
0x1a: {  	s8 =	sadd.s32 $0xFFFFE003, lr  }
0x1b: {  	s9 =	sadd.s32 $0xFFFFFEF7, lr;
	s5 =	simm.s32 $0xFFFFFFFF;
	p2 =	slt.u32 s8, $0xFFFFF086  }
0x1c: {  	p1 =	slt.u32 s9, $0xF7A;
	s5 =	simm.s32 @!p2 $0x0  }
0x1d: {  	s5 =	simm.s32 @p1 $0x1;
	p0 =	seq.s32 s7, s2  }
0x1e: {  	s7 =	smul.u32 @!p0 $0xF7A, s2;
	p2 =	seq.s32 @!p0 s5, $0x0  }
0x1f: {  	s9 =	smul.u32 $0xF7A, s1;
	s8 =	simm.s32 @!p0 $0x1BF5;
	p2 =	por !p2, p0  }
0x20: {  	[sflag:s8] =	ssyncset.s32 @!p0 $0xFFFFF086;
	s6 =	sadd.s32 @!p0 s3, s7;
	s7 =	simm.s32 @!p0 $0x108  }
0x21: {  	s3 =	sadd.s32 s3, s9;
	s6 =	sadd.s32 @!p0 $0x88, s6;
	s7 =	simm.s32 @p2 $0x1082  }
0x22: {  	[simem:s7], [sflag:s8] =	dma.local @!p0 [hbm:s6], $0xF7A  }
0x23: {  	s9 =	sor.u32 $0xD0000000, s2;
	s6 =	simm.s32 $0x108;
	_ =	swait.ge @!p0 [sflag:s8], $0x0  }
0x24: {  	s3 =	sadd.s32 $0x88, s3;
	s6 =	simm.s32 @!p1 $0x1082;
	[sflag:s4] =	ssyncset.s32 $0xFFFFF086  }
0x25: {  	[simem:s6], [sflag:s4] =	dma.local [hbm:s3], $0xF7A  }
0x26: {  	[smem:$0x3F96] =	sst s1;
	(tag) =	ssettag s2;
	_ =	strace s9  }
0x27: {  	s1 =	sld [smem:$0x3FA6]  }
0x28: {  	s2 =	sld [smem:$0x3FA7]  }
0x29: {  	s4 =	sld [smem:$0x3FA9]  }
0x2a: {  	p0 =	seq.s32 s5, $0x0;
	s5 =	sld [smem:$0x3FAA]  }
0x2b: {  	s6 =	sld [smem:$0x3FAB]  }
0x2c: {  	s7 =	sld [smem:$0x3FAC]  }
0x2d: {  	s3 =	simm.s32 $0x108;
	s8 =	sld [smem:$0x3FAD]  }
0x2e: {  	s3 =	simm.s32 @!p0 $0x1082;
	s9 =	sld [smem:$0x3FAE]  }
0x2f: {  	lr =	sadd.s32 s0, s3;
	s0 =	sld [smem:$0x3FA5]  }
0x30: {  	s3 =	sld [smem:$0x3FA8]  }
0x31: {  	[smem:$0x3FB1] =	sst s10  }
0x32: {  	s10 =	sld [smem:$0x3FAF];
	_ =	sdelay $0x3  }
0x33: {  	p0 =	seq.s32 s10, $0x1;
	s10 =	sld [smem:$0x3FB1];
	_ =	sdelay $0x3  }
0x34: {  	[smem:$0x3FB1] =	sst s10  }
0x35: {  	s10 =	sld [smem:$0x3FB0];
	_ =	sdelay $0x3  }
0x36: {  	p1 =	seq.s32 s10, $0x1;
	s10 =	sld [smem:$0x3FB1];
	_ =	sdelay $0x3  }
0x37: {  	[smem:$0x3FB1] =	sst s10  }
0x38: {  	s10 =	sld [smem:$0x3FB2]  }
0x39: {  	_ = 	snop;
	(pc) =	sbr.ind lr, $3  }
0x3a: {  	_ = 	snop  }
0x3b: {  	_ = 	snop  }
0x3c: {  	p2 =	seq.s32 s10, $0x1;
	s10 =	sld [smem:$0x3FB1]  }
0x3d: {  	_ =	shalt  }
0x3e: {  	_ =	shalt  }
0x3f: {  	_ =	shalt  }
0x40: {  	_ =	shalt  }
0x41: {  	_ =	shalt  }
0x42: {  	_ =	shalt  }
0x43: {  	_ =	shalt  }
0x44: {  	_ =	shalt  }
0x45: {  	_ =	shalt  }
0x46: {  	_ =	shalt  }
0x47: {  	_ =	shalt  }
0x48: {  	_ =	shalt  }
0x49: {  	_ =	shalt  }
0x4a: {  	_ =	shalt  }
0x4b: {  	_ =	shalt  }
0x4c: {  	_ =	shalt  }
0x4d: {  	_ =	shalt  }
0x4e: {  	_ =	shalt  }
0x4f: {  	_ =	shalt  }
0x50: {  	_ =	shalt  }
0x51: {  	_ =	shalt  }
0x52: {  	_ =	shalt  }
0x53: {  	_ =	shalt  }
0x54: {  	_ =	shalt  }
0x55: {  	_ =	shalt  }
0x56: {  	_ =	shalt  }
0x57: {  	_ =	shalt  }
0x58: {  	_ =	shalt  }
0x59: {  	_ =	shalt  }
0x5a: {  	_ =	shalt  }
0x5b: {  	_ =	shalt  }
0x5c: {  	_ =	shalt  }
0x5d: {  	_ =	shalt  }
0x5e: {  	_ =	shalt  }
0x5f: {  	_ =	shalt  }
0x60: {  	_ =	shalt  }
0x61: {  	_ =	shalt  }
0x62: {  	_ =	shalt  }
0x63: {  	_ =	shalt  }
0x64: {  	_ =	shalt  }
0x65: {  	_ =	shalt  }
0x66: {  	_ =	shalt  }
0x67: {  	_ =	shalt  }
0x68: {  	_ =	shalt  }
0x69: {  	_ =	shalt  }
0x6a: {  	_ =	shalt  }
0x6b: {  	_ =	shalt  }
0x6c: {  	_ =	shalt  }
0x6d: {  	_ =	shalt  }
0x6e: {  	_ =	shalt  }
0x6f: {  	_ =	shalt  }
0x70: {  	_ =	shalt  }
0x71: {  	_ =	shalt  }
0x72: {  	_ =	shalt  }
0x73: {  	_ =	shalt  }
0x74: {  	_ =	shalt  }
0x75: {  	_ =	shalt  }
0x76: {  	_ =	shalt  }
0x77: {  	_ =	shalt  }
0x78: {  	_ =	shalt  }
0x79: {  	_ =	shalt  }
0x7a: {  	_ =	shalt  }
0x7b: {  	_ =	shalt  }
0x7c: {  	_ =	shalt  }
0x7d: {  	_ =	shalt  }
0x7e: {  	_ =	shalt  }
0x7f: {  	_ =	shalt  }
0x80: {  	_ =	shalt  }
0x81: {  	_ =	shalt  }
0x82: {  	_ =	shalt  }
0x83: {  	_ =	shalt  }
0x84: {  	_ =	shalt  }
0x85: {  	_ =	shalt  }
0x86: {  	_ =	shalt  }
0x87: {  	_ =	shalt  }
.Lfunc_end0:
.L_simem_size_0:
called_computation.1_lowered:
.L_overlay_start_0:
0x88: {  	s2 =	sld [smem:$0x3FD9]  }
0x89: {  	s3 =	sld [smem:$0x3FFE];
	_ =	sdelay $0x1  }
0x8a: {  	s1 =	srdreg.scid  }
0x8b: {  	s0 =	sand.u32 $0x1, s1  }
0x8c: {  	s17 =	sshll.u32 s0, $0xA;
	s2 =	sadd.s32 s3, s2  }
0x8d: {  	s2 =	sadd.s32 s2, s17  }
0x8e: {  	[smem:$0x3FBD] =	sst s2  }
0x8f: {  	_ = 	snop  }
0x90: {  	s2 =	sld [smem:$0x3FD0];
	(tm) =	ssettm $0x1  }
0x91: {  	s18 =	sld [smem:$0x3FFB];
	_ =	sdelay $0x3  }
0x92: {  	_ =	strace s18  }
0x93: {  	s3 =	sld [smem:$0x3FFC];
	_ =	sdelay $0x3  }
0x94: {  	_ =	strace s3  }
0x95: {  	s3 =	sld [smem:$0x3FFD];
	_ =	sdelay $0x3  }
0x96: {  	_ =	strace s3  }
0x97: {  	_ =	strace $0x8FFFFFFF  }
0x98: {  	s19 =	sld [smem:$0x3FDB];
	_ =	sdelay $0x1  }
0x99: {  	s4 =	simm.s32 $_scs_section_size  }
0x9a: {  	s5 =	simm.s32 $_size__tile_overlayer_lowered;
	s6 =	simm.s32 $_tile_overlayer_lowered  }
0x9b: {  	s22 =	simm.s32 $0x1BFF;
	s21 =	sshll.u32 s6, $0x1;
	s3 =	sadd.s32 s4, s19  }
0x9c: {  	s7 =	simm.s32 $0x0;
	s20 =	sshll.u32 s5, $0x1;
	s5 =	sadd.s32 s21, s3  }
0x9d: {  	[timem:s7], [sflag:s22] =	dma.local [hbm:s5], s20  }
0x9e: {  	_ =	swait.ge [sflag:s22], s20  }
0x9f: {  	s4 =	ssub.s32 $0x0, s20;
	[sflag:s22] =	ssyncset.done $0x0  }
0xa0: {  	[sflag:s22] =	ssyncadd.s32 s4;
	_ =	sdelay $0x1  }
0xa1: {  	s23 =	simm.s32 $0x1B8B  }
0xa2: {  	_ =	swait.ge [sflag:s23], $0x1  }
0xa3: {  	[sflag:s23] =	ssyncset.done $0x0  }
0xa4: {  	s25 =	simm.s32 $0x1B8E;
	s24 =	sld [smem:$0x3FFE];
	[sflag:s23] =	ssyncadd.s32 $0xFFFFFFFF  }
0xa5: {  	s26 =	simm.s32 $execute0_lowered;
	[smem:$0x3FD2] =	sst s25  }
0xa6: {  	s5 =	sshll.u32 s26, $0x1;
	_ =	strace $0x80000049;
	[dreg:$0x1] =	wrdreg $0xFFFFFFFF  }
0xa7: {  	s28 =	simm.s32 $_size_execute0_lowered;
	s3 =	sadd.s32 s3, s5;
	[dreg:$0x0] =	wrdreg $0x0  }
0xa8: {  	s5 =	sshll.u32 s28, $0x1;
	[dreg:$0x2] =	wrdreg s3  }
0xa9: {  	[dreg:$0x3] =	wrdreg s5  }
0xaa: {  	[dreg:$0x4] =	wrdreg $0xC0  }
0xab: {  	_ =	task [dreg:s7], $0x5FFFF  }
0xac: {  	[dreg:$0x1] =	wrdreg $0xFFFFFFFF  }
0xad: {  	[dreg:$0x0] =	wrdreg $0x60  }
0xae: {  	[dreg:$0x2] =	wrdreg s24  }
0xaf: {  	[dreg:$0x3] =	wrdreg s2  }
0xb0: {  	[dreg:$0x4] =	wrdreg $0x0  }
0xb1: {  	[dreg:$0x5] =	wrdreg $0x9  }
0xb2: {  	_ =	task.clear_ibuf [dreg:s7], $0x6FFFF;
	_ =	strace $0x90000049  }
0xb3: {  	s29 =	simm.s32 $0x9;
	_ =	strace $0x8000004B  }
0xb4: {  	_ =	swait.ge [sflag:s29], $0x1  }
0xb5: {  	[sflag:s29] =	ssyncadd.s32 $0xFFFFFFFF  }
0xb6: {  	_ =	strace $0x9000004B  }
0xb7: {  	_ =	sfence  }
0xb8: {  	s30 =	sld [smem:$0x0];
	_ =	sdelay $0x2  }
0xb9: {  	s31 =	sshll.u32 s1, $0xD;
	s1 =	sshrl.u32 s1, $0x2  }
0xba: {  	s3 =	sand.u32 $0x4000, s31;
	s1 =	sadd.s32 s1, s30  }
0xbb: {  	s0 =	sor.u32 s3, s0;
	s1 =	sshll.u32 s1, $0x11  }
0xbc: {  	s0 =	sor.u32 s1, s0  }
0xbd: {  	s0 =	sadd.s32 $0x8F2B, s0  }
0xbe: {  	[sflag:s0] =	ssyncadd.remote.s32 $0x1  }
0xbf: {  	_ =	sfence.sel $0xFFFF  }
0xc0: {  	[dreg:$0x0] =	wrdreg $0xFFFFFFFF;
	(pc) =	sbr.abs _section_cstart, $3  }
0xc1: {  	[dreg:$0x1] =	wrdreg $0xFFFFFFFF  }
0xc2: {  	_ =	task.clear_ibuf [dreg:s7], $0x2FFFF;
	_ =	strace $0x9FFFFFFF  }
0xc3: {  	(tm) =	ssettm $0x7FFFFFFF  }
tec
execute0_lowered:
.L_overlay_start_1:
0x0: {  	(tag) =	ssettag $0x1  }
0x1: {  	s0 =	rddreg [dreg:$0x0]  }
0x2: {  	s1 =	rddreg [dreg:$0x1]  }
0x3: {  	s2 =	rddreg [dreg:$0x2];
	s3 =	simm.s32 $0x0;
	s9 =	srdreg.scid  }
0x4: {  	s5 =	stileid.u32;
	s16 =	simm.s32 $0x5;
	s17 =	simm.s32 $0x14000  }
0x5: {  	s18 =	simm.s32 $0x15400;
	s19 =	simm.s32 $0x7D;
	s20 =	simm.s32 $0x16800  }
0x6: {  	s21 =	simm.s32 $0x14080;
	s22 =	simm.s32 $0x1A680;
	s23 =	simm.s32 $0x1  }
0x7: {  	s24 =	simm.s32 $0x2;
	s25 =	simm.s32 $0x3;
	s26 =	simm.s32 $0x4  }
0x8: {  	s28 =	simm.s32 $0x16700;
	s29 =	simm.s32 $0x16780;
	[smem:$0x7FF] =	sst s3  }
0x9: {  	s4 =	sadd.s32 $0xE000, s0;
	s6 =	sadd.s32 $0x36000, s0;
	s7 =	sadd.s32 $0x4000, s0  }
0xa: {  	s8 =	sadd.s32 $0x86000, s0;
	s12 =	sand.u32 $0x1, s9;
	s13 =	smul.u32 $0x14000, s5  }
.Ltmp0:
0xb: {  	s9 =	sadd.s32 $0x88800, s0;
	s10 =	sadd.s32 $0xB0800, s0;
	(pc) =	sbr.rel .LBB2_1-.Ltmp0, $4  }
0xc: {  	s14 =	sshll.u32 s5, $0x6;
	_ =	strace $0x8000004A;
	s11 =	ssub.s32 $0x2, s12  }
0xd: {  	p0 =	seq.s32 s12, $0x1;
	s12 =	smul.u32 $0x5000, s5;
	s31 =	sshrl.u32 s11, $0x1  }
0xe: {  	s15 =	sadd.s32 s13, s2;
	s13 =	sshrl.u32 s13, $0x3;
	s0 =	ssub.s32 s11, s31  }
0xf: {  	s11 =	sor.u32 $0x1C05, s14;
	s15 =	sshrl.u32 s15, $0x3;
	s14 =	smax.u32 s0, $0x1  }
.LBB2_10:
0x10: {  	s3 =	sadd.s32 $0x1, s3  }
0x11: {  	p1 =	sne.s32 s3, s14  }
.Ltmp1:
0x12: {  	s0 =	sadd.s32 s0, s13;
	[bflag:$0x0] =	sbarrier.arrive $0xFFFF;
	(pc) =	sbr.rel @!p1 .LBB2_11-.Ltmp1, $4  }
0x13: {  	[hbm:s0], [sflag:s11] =	dma.local [spmem:s15], $0x2800  }
0x14: {  	_ =	swait.ge [sflag:s16], $0x2800  }
0x15: {  	[sflag:s16] =	ssyncset.done $0x0  }
0x16: {  	[sflag:s16] =	ssyncadd.s32 $0xFFFFD800  }
.LBB2_1:
0x17: {  	[spmem:s15], [sflag:s11] =	dma.local [hbm:s8], $0x2800  }
.Ltmp2:
0x18: {  	_ =	swait.ge [sflag:s16], $0x2800;
	(pc) =	sbr.rel @!p0 .LBB2_2-.Ltmp2, $4  }
0x19: {  	[sflag:s16] =	ssyncset.done $0x0  }
0x1a: {  	[sflag:s16] =	ssyncadd.s32 $0xFFFFD800  }
0x1b: {  	[bflag:$0x0] =	sbarrier.arrive $0xFFFF  }
0x1c: {  	s30 =	simm.s32 $0x0;
	s31 =	simm.s32 $0x0  }
.LBB2_6:
0x1d: {  	s0 =	smul.u32 $0x1400, s31;
	_ =	sdelay $0x1  }
0x1e: {  	s0 =	sadd.s32 s12, s0  }
0x1f: {  	s0 =	sshrl.u32 s0, $0x3  }
0x20: {  	s30 =	simm.s32 $0x0;
	s5 =	sadd.s32 s1, s0  }
0x21: {  	[tilespmem:s17], [sflag:$0x5] =	stream.linear.gather [hbm4b:s5+s30], $0x1400, $0x38;
	[tilespmem:$0x1E500] =	vst v63  }
0x22: {  	_ =	swait.ge [sflag:s16], $0x1400  }
0x23: {  	[sflag:s16] =	ssyncset.done $0x0  }
0x24: {  	s0 =	sadd.s32 s7, s0;
	[sflag:s16] =	ssyncadd.s32 $0xFFFFEC00  }
0x25: {  	[tilespmem:s18], [sflag:$0x5] =	stream.linear.gather [hbm4b:s0+s30], $0x1400, $0x38;
	[tilespmem:$0x1E500] =	vst v63  }
0x26: {  	_ =	swait.ge [sflag:s16], $0x1400  }
0x27: {  	[sflag:s16] =	ssyncset.done $0x0  }
0x28: {  	[sflag:s16] =	ssyncadd.s32 $0xFFFFEC00  }
0x29: {  	[tilespmem:s20], [sflag:$0x1] =	stream.indirect.gather [hbm4b:s6+s19], $0x80, s17, s19, $0xb8;
	[tilespmem:$0x1E500] =	vst v63  }
0x2a: {  	_ = 	snop  }
0x2b: {  	[tilespmem:s22], [sflag:$0x2] =	stream.indirect.gather [hbm4b:s6+s19], $0x80, s21, s19, $0xb8;
	[tilespmem:$0x1E500] =	vst v63  }
0x2c: {  	_ =	swait.ge [sflag:s23], $0x3E80  }
0x2d: {  	[sflag:s23] =	ssyncset.done $0x0  }
0x2e: {  	s5 =	simm.s32 $0x15400;
	[sflag:s23] =	ssyncadd.s32 $0xFFFFC180  }
0x2f: {  	[spmem:s2] =	stream.indirect.scatter.add.f32 [tilespmem:s20], [sflag:$0x3], $0x80, s5, s19, $0xb8;
	[tilespmem:$0x1E500] =	vst v63  }
0x30: {  	_ =	swait.ge [sflag:s24], $0x3E80  }
0x31: {  	[sflag:s24] =	ssyncset.done $0x0  }
0x32: {  	s5 =	simm.s32 $0x15480;
	[sflag:s24] =	ssyncadd.s32 $0xFFFFC180  }
0x33: {  	[spmem:s2] =	stream.indirect.scatter.add.f32 [tilespmem:s22], [sflag:$0x4], $0x80, s5, s19, $0xb8;
	[tilespmem:$0x1E500] =	vst v63  }
0x34: {  	_ =	swait.ge [sflag:s25], $0x3E80  }
0x35: {  	[sflag:s25] =	ssyncset.done $0x0  }
0x36: {  	s5 =	simm.s32 $0x14100;
	[sflag:s25] =	ssyncadd.s32 $0xFFFFC180  }
0x37: {  	[tilespmem:s20], [sflag:$0x1] =	stream.indirect.gather [hbm4b:s6+s19], $0x80, s5, s19, $0xb8;
	[tilespmem:$0x1E500] =	vst v63  }
0x38: {  	_ =	swait.ge [sflag:s26], $0x3E80  }
0x39: {  	[sflag:s26] =	ssyncset.done $0x0  }
0x3a: {  	s30 =	simm.s32 $0x400;
	s0 =	simm.s32 $0x14180;
	[sflag:s26] =	ssyncadd.s32 $0xFFFFC180  }
.LBB2_7:
0x3b: {  	[tilespmem:s22], [sflag:$0x2] =	stream.indirect.gather [hbm4b:s6+s19], $0x80, s0, s19, $0xb8;
	[tilespmem:$0x1E500] =	vst v63  }
0x3c: {  	s0 =	smov.u32 s30  }
0x3d: {  	p1 =	sne.s32 s30, $0x4800;
	s30 =	sadd.s32 $0x400, s30;
	_ =	swait.ge [sflag:s23], $0x3E80  }
0x3e: {  	s0 =	sshra.s32 s0, $0x2;
	[sflag:s23] =	ssyncset.done $0x0  }
0x3f: {  	s5 =	sadd.s32 $0x15400, s0;
	[sflag:s23] =	ssyncadd.s32 $0xFFFFC180  }
0x40: {  	[spmem:s2] =	stream.indirect.scatter.add.f32 [tilespmem:s20], [sflag:$0x3], $0x80, s5, s19, $0xb8;
	[tilespmem:$0x1E500] =	vst v63  }
0x41: {  	_ =	swait.ge [sflag:s24], $0x3E80  }
0x42: {  	[sflag:s24] =	ssyncset.done $0x0  }
0x43: {  	s5 =	sadd.s32 $0x15480, s0;
	[sflag:s24] =	ssyncadd.s32 $0xFFFFC180  }
0x44: {  	[spmem:s2] =	stream.indirect.scatter.add.f32 [tilespmem:s22], [sflag:$0x4], $0x80, s5, s19, $0xb8;
	[tilespmem:$0x1E500] =	vst v63  }
0x45: {  	_ =	swait.ge [sflag:s25], $0x3E80  }
0x46: {  	[sflag:s25] =	ssyncset.done $0x0  }
.Ltmp3:
0x47: {  	s5 =	sadd.s32 $0x14100, s0;
	[sflag:s25] =	ssyncadd.s32 $0xFFFFC180;
	(pc) =	sbr.rel @p1 .LBB2_7-.Ltmp3, $4  }
0x48: {  	[tilespmem:s20], [sflag:$0x1] =	stream.indirect.gather [hbm4b:s6+s19], $0x80, s5, s19, $0xb8;
	[tilespmem:$0x1E500] =	vst v63  }
0x49: {  	_ =	swait.ge [sflag:s26], $0x3E80  }
0x4a: {  	[sflag:s26] =	ssyncset.done $0x0  }
0x4b: {  	s0 =	sadd.s32 $0x14180, s0;
	[sflag:s26] =	ssyncadd.s32 $0xFFFFC180  }
0x4c: {  	[tilespmem:s22], [sflag:$0x2] =	stream.indirect.gather [hbm4b:s6+s19], $0x80, s0, s19, $0xb8;
	[tilespmem:$0x1E500] =	vst v63  }
0x4d: {  	_ =	swait.ge [sflag:s23], $0x3E80  }
0x4e: {  	[sflag:s23] =	ssyncset.done $0x0  }
0x4f: {  	[sflag:s23] =	ssyncadd.s32 $0xFFFFC180  }
0x50: {  	[spmem:s2] =	stream.indirect.scatter.add.f32 [tilespmem:s20], [sflag:$0x3], $0x80, s28, s19, $0xb8;
	[tilespmem:$0x1E500] =	vst v63  }
0x51: {  	_ =	swait.ge [sflag:s24], $0x3E80  }
0x52: {  	[sflag:s24] =	ssyncset.done $0x0  }
0x53: {  	s31 =	sadd.s32 $0x1, s31;
	[sflag:s24] =	ssyncadd.s32 $0xFFFFC180  }
0x54: {  	[spmem:s2] =	stream.indirect.scatter.add.f32 [tilespmem:s22], [sflag:$0x4], $0x80, s29, s19, $0xb8;
	[tilespmem:$0x1E500] =	vst v63  }
0x55: {  	p1 =	sne.s32 s31, $0x4;
	_ =	swait.ge [sflag:s25], $0x3E80  }
.Ltmp4:
0x56: {  	[sflag:s25] =	ssyncset.done $0x0;
	(pc) =	sbr.rel @p1 .LBB2_6-.Ltmp4, $4  }
0x57: {  	[sflag:s25] =	ssyncadd.s32 $0xFFFFC180  }
0x58: {  	_ =	swait.ge [sflag:s26], $0x3E80  }
0x59: {  	[sflag:s26] =	ssyncset.done $0x0  }
0x5a: {  	[sflag:s26] =	ssyncadd.s32 $0xFFFFC180  }
.Ltmp5:
0x5b: {  	(pc) =	sbr.rel .LBB2_10-.Ltmp5, $2  }
0x5c: {  	_ =	sdelay $0x2  }
0x5d: {  	s0 =	smov.u32 s10  }
.LBB2_2:
0x5e: {  	s0 =	smul.u32 $0x1400, s30;
	_ =	sdelay $0x1  }
0x5f: {  	s0 =	sadd.s32 s12, s0  }
0x60: {  	s0 =	sshrl.u32 s0, $0x3  }
0x61: {  	s5 =	simm.s32 $0x0;
	s31 =	sadd.s32 s1, s0  }
0x62: {  	[tilespmem:s17], [sflag:$0x5] =	stream.linear.gather [hbm4b:s31+s5], $0x1400, $0x38;
	[tilespmem:$0x1E500] =	vst v63  }
0x63: {  	_ =	swait.ge [sflag:s16], $0x1400  }
0x64: {  	[sflag:s16] =	ssyncset.done $0x0  }
0x65: {  	s0 =	sadd.s32 s7, s0;
	[sflag:s16] =	ssyncadd.s32 $0xFFFFEC00  }
0x66: {  	[tilespmem:s18], [sflag:$0x5] =	stream.linear.gather [hbm4b:s0+s5], $0x1400, $0x38;
	[tilespmem:$0x1E500] =	vst v63  }
0x67: {  	_ =	swait.ge [sflag:s16], $0x1400  }
0x68: {  	[sflag:s16] =	ssyncset.done $0x0  }
0x69: {  	[sflag:s16] =	ssyncadd.s32 $0xFFFFEC00  }
0x6a: {  	[tilespmem:s20], [sflag:$0x1] =	stream.indirect.gather [hbm4b:s4+s19], $0x80, s17, s19, $0xb8;
	[tilespmem:$0x1E500] =	vst v63  }
0x6b: {  	_ = 	snop  }
0x6c: {  	[tilespmem:s22], [sflag:$0x2] =	stream.indirect.gather [hbm4b:s4+s19], $0x80, s21, s19, $0xb8;
	[tilespmem:$0x1E500] =	vst v63  }
0x6d: {  	_ =	swait.ge [sflag:s23], $0x3E80  }
0x6e: {  	[sflag:s23] =	ssyncset.done $0x0  }
0x6f: {  	s5 =	simm.s32 $0x15400;
	[sflag:s23] =	ssyncadd.s32 $0xFFFFC180  }
0x70: {  	[spmem:s2] =	stream.indirect.scatter.add.f32 [tilespmem:s20], [sflag:$0x3], $0x80, s5, s19, $0xb8;
	[tilespmem:$0x1E500] =	vst v63  }
0x71: {  	_ =	swait.ge [sflag:s24], $0x3E80  }
0x72: {  	[sflag:s24] =	ssyncset.done $0x0  }
0x73: {  	s5 =	simm.s32 $0x15480;
	[sflag:s24] =	ssyncadd.s32 $0xFFFFC180  }
0x74: {  	[spmem:s2] =	stream.indirect.scatter.add.f32 [tilespmem:s22], [sflag:$0x4], $0x80, s5, s19, $0xb8;
	[tilespmem:$0x1E500] =	vst v63  }
0x75: {  	_ =	swait.ge [sflag:s25], $0x3E80  }
0x76: {  	[sflag:s25] =	ssyncset.done $0x0  }
0x77: {  	s5 =	simm.s32 $0x14100;
	[sflag:s25] =	ssyncadd.s32 $0xFFFFC180  }
0x78: {  	[tilespmem:s20], [sflag:$0x1] =	stream.indirect.gather [hbm4b:s4+s19], $0x80, s5, s19, $0xb8;
	[tilespmem:$0x1E500] =	vst v63  }
0x79: {  	_ =	swait.ge [sflag:s26], $0x3E80  }
0x7a: {  	[sflag:s26] =	ssyncset.done $0x0  }
0x7b: {  	s31 =	simm.s32 $0x400;
	s0 =	simm.s32 $0x14180;
	[sflag:s26] =	ssyncadd.s32 $0xFFFFC180  }
.LBB2_3:
0x7c: {  	[tilespmem:s22], [sflag:$0x2] =	stream.indirect.gather [hbm4b:s4+s19], $0x80, s0, s19, $0xb8;
	[tilespmem:$0x1E500] =	vst v63  }
0x7d: {  	s0 =	smov.u32 s31  }
0x7e: {  	p1 =	sne.s32 s31, $0x4800;
	s31 =	sadd.s32 $0x400, s31;
	_ =	swait.ge [sflag:s23], $0x3E80  }
0x7f: {  	s0 =	sshra.s32 s0, $0x2;
	[sflag:s23] =	ssyncset.done $0x0  }
0x80: {  	s5 =	sadd.s32 $0x15400, s0;
	[sflag:s23] =	ssyncadd.s32 $0xFFFFC180  }
0x81: {  	[spmem:s2] =	stream.indirect.scatter.add.f32 [tilespmem:s20], [sflag:$0x3], $0x80, s5, s19, $0xb8;
	[tilespmem:$0x1E500] =	vst v63  }
0x82: {  	_ =	swait.ge [sflag:s24], $0x3E80  }
0x83: {  	[sflag:s24] =	ssyncset.done $0x0  }
0x84: {  	s5 =	sadd.s32 $0x15480, s0;
	[sflag:s24] =	ssyncadd.s32 $0xFFFFC180  }
0x85: {  	[spmem:s2] =	stream.indirect.scatter.add.f32 [tilespmem:s22], [sflag:$0x4], $0x80, s5, s19, $0xb8;
	[tilespmem:$0x1E500] =	vst v63  }
0x86: {  	_ =	swait.ge [sflag:s25], $0x3E80  }
0x87: {  	[sflag:s25] =	ssyncset.done $0x0  }
.Ltmp6:
0x88: {  	s5 =	sadd.s32 $0x14100, s0;
	[sflag:s25] =	ssyncadd.s32 $0xFFFFC180;
	(pc) =	sbr.rel @p1 .LBB2_3-.Ltmp6, $4  }
0x89: {  	[tilespmem:s20], [sflag:$0x1] =	stream.indirect.gather [hbm4b:s4+s19], $0x80, s5, s19, $0xb8;
	[tilespmem:$0x1E500] =	vst v63  }
0x8a: {  	_ =	swait.ge [sflag:s26], $0x3E80  }
0x8b: {  	[sflag:s26] =	ssyncset.done $0x0  }
0x8c: {  	s0 =	sadd.s32 $0x14180, s0;
	[sflag:s26] =	ssyncadd.s32 $0xFFFFC180  }
0x8d: {  	[tilespmem:s22], [sflag:$0x2] =	stream.indirect.gather [hbm4b:s4+s19], $0x80, s0, s19, $0xb8;
	[tilespmem:$0x1E500] =	vst v63  }
0x8e: {  	_ =	swait.ge [sflag:s23], $0x3E80  }
0x8f: {  	[sflag:s23] =	ssyncset.done $0x0  }
0x90: {  	[sflag:s23] =	ssyncadd.s32 $0xFFFFC180  }
0x91: {  	[spmem:s2] =	stream.indirect.scatter.add.f32 [tilespmem:s20], [sflag:$0x3], $0x80, s28, s19, $0xb8;
	[tilespmem:$0x1E500] =	vst v63  }
0x92: {  	_ =	swait.ge [sflag:s24], $0x3E80  }
0x93: {  	[sflag:s24] =	ssyncset.done $0x0  }
0x94: {  	s30 =	sadd.s32 $0x1, s30;
	[sflag:s24] =	ssyncadd.s32 $0xFFFFC180  }
0x95: {  	[spmem:s2] =	stream.indirect.scatter.add.f32 [tilespmem:s22], [sflag:$0x4], $0x80, s29, s19, $0xb8;
	[tilespmem:$0x1E500] =	vst v63  }
0x96: {  	p1 =	seq.s32 s30, $0x4;
	_ =	swait.ge [sflag:s25], $0x3E80  }
.Ltmp7:
0x97: {  	[sflag:s25] =	ssyncset.done $0x0;
	(pc) =	sbr.rel @!p1 .LBB2_2-.Ltmp7, $4  }
0x98: {  	[sflag:s25] =	ssyncadd.s32 $0xFFFFC180  }
0x99: {  	_ =	swait.ge [sflag:s26], $0x3E80  }
0x9a: {  	[sflag:s26] =	ssyncset.done $0x0  }
0x9b: {  	[sflag:s26] =	ssyncadd.s32 $0xFFFFC180  }
.Ltmp8:
0x9c: {  	(pc) =	sbr.rel .LBB2_10-.Ltmp8, $2  }
0x9d: {  	_ =	sdelay $0x2  }
0x9e: {  	s0 =	smov.u32 s9  }
.LBB2_11:
0x9f: {  	_ =	sfence.sel $0x180000  }
0xa0: {  	[bflag:$0x0] =	sbarrier.arrive $0xFFFF  }
0xa1: {  	_ =	strace $0x9000004A  }
0xa2: {  	s0 =	stileid.u32;
	[bflag:$0x2] =	sbarrier.arrive $0xFFFF  }
0xa3: {  	p0 =	sne.s32 s0, $0x0;
	s0 =	rddreg [dreg:$0x3]  }
0xa4: {  	s0 =	sadd.s32 @!p0 $0x100000, s0  }
0xa5: {  	[sflag:s0] =	ssyncadd.tile.s32 @!p0 $0x1;
	_ =	shalt  }
.Lfunc_end2:
_tile_overlayer_lowered:
.L_overlay_start_2:
0xa6: {  	(tag) =	ssettag $0x2  }
0xa7: {  	s0 =	rddreg [dreg:$0x0];
	s2 =	stileid.u32  }
0xa8: {  	s1 =	rddreg [dreg:$0x1];
	p0 =	sne.s32 s2, $0x0  }
0xa9: {  	s3 =	rddreg [dreg:$0x2];
	[bflag:$0x3] =	sbarrier.arrive $0xFFFF;
	s2 =	simm.s32 @!p0 $0x1C05  }
0xaa: {  	[timem:s3], [sflag:s2] =	dma.local @!p0 [hbm:s0], s1  }
0xab: {  	s0 =	simm.s32 @!p0 $0x5  }
0xac: {  	_ =	swait.ge @!p0 [sflag:s0], s1  }
0xad: {  	s1 =	ssub.s32 @!p0 $0x0, s1;
	[sflag:s0] =	ssyncset.done @!p0 $0x0  }
0xae: {  	[sflag:s0] =	ssyncadd.s32 @!p0 s1  }
0xaf: {  	[bflag:$0x3] =	sbarrier.arrive $0xFFFF  }
0xb0: {  	_ =	shalt  }

// kernel: kernel.14.cloned.1.call-start
scs
__scs_entry_jumppad:
0x0: {  	(pc) =	sbr.rel $0x88, $3  }
0x1: {  	(tag) =	ssettag $0x0;
	lr =	simm.s32 $0x1  }
0x2: {  	[smem:$0x3F96] =	sst lr;
	_ =	strace $0xD0000000  }
0x3: {  	_ = 	snop  }
0x4: {  	_ = 	snop  }
0x5: {  	_ = 	snop  }
0x6: {  	_ = 	snop  }
0x7: {  	_ = 	snop  }
__scs_overlays_trampoline_lowered:
0x8: {  	[smem:$0x3FA5] =	sst s0  }
0x9: {  	[smem:$0x3FA6] =	sst s1  }
0xa: {  	[smem:$0x3FA7] =	sst s2  }
0xb: {  	[smem:$0x3FA8] =	sst s3  }
0xc: {  	[smem:$0x3FA9] =	sst s4  }
0xd: {  	[smem:$0x3FAA] =	sst s5  }
0xe: {  	[smem:$0x3FAB] =	sst s6  }
0xf: {  	[smem:$0x3FAC] =	sst s7  }
0x10: {  	[smem:$0x3FAD] =	sst s8  }
0x11: {  	[smem:$0x3FAE] =	sst s9;
	s0 =	simm.s32 @!p0 $0x0  }
0x12: {  	s1 =	sld [smem:$0x3F94];
	s0 =	simm.s32 @p0 $0x1  }
0x13: {  	[smem:$0x3FAF] =	sst s0;
	s0 =	simm.s32 @!p1 $0x0  }
0x14: {  	s2 =	sld [smem:$0x3F93];
	s0 =	simm.s32 @p1 $0x1  }
0x15: {  	[smem:$0x3FB0] =	sst s0;
	s0 =	simm.s32 @!p2 $0x0  }
0x16: {  	s3 =	sld [smem:$0x3FDB];
	s0 =	simm.s32 @p2 $0x1  }
0x17: {  	s4 =	simm.s32 $0x1BF5;
	[smem:$0x3FB2] =	sst s0  }
0x18: {  	s0 =	sld [smem:$0x3F95];
	_ =	swait.ge [sflag:s4], $0x0  }
0x19: {  	s7 =	sld [smem:$0x3F96]  }
0x1a: {  	s8 =	sadd.s32 $0xFFFFE003, lr  }
0x1b: {  	s9 =	sadd.s32 $0xFFFFFEF7, lr;
	s5 =	simm.s32 $0xFFFFFFFF;
	p2 =	slt.u32 s8, $0xFFFFF086  }
0x1c: {  	p1 =	slt.u32 s9, $0xF7A;
	s5 =	simm.s32 @!p2 $0x0  }
0x1d: {  	s5 =	simm.s32 @p1 $0x1;
	p0 =	seq.s32 s7, s2  }
0x1e: {  	s7 =	smul.u32 @!p0 $0xF7A, s2;
	p2 =	seq.s32 @!p0 s5, $0x0  }
0x1f: {  	s9 =	smul.u32 $0xF7A, s1;
	s8 =	simm.s32 @!p0 $0x1BF5;
	p2 =	por !p2, p0  }
0x20: {  	[sflag:s8] =	ssyncset.s32 @!p0 $0xFFFFF086;
	s6 =	sadd.s32 @!p0 s3, s7;
	s7 =	simm.s32 @!p0 $0x108  }
0x21: {  	s3 =	sadd.s32 s3, s9;
	s6 =	sadd.s32 @!p0 $0x88, s6;
	s7 =	simm.s32 @p2 $0x1082  }
0x22: {  	[simem:s7], [sflag:s8] =	dma.local @!p0 [hbm:s6], $0xF7A  }
0x23: {  	s9 =	sor.u32 $0xD0000000, s2;
	s6 =	simm.s32 $0x108;
	_ =	swait.ge @!p0 [sflag:s8], $0x0  }
0x24: {  	s3 =	sadd.s32 $0x88, s3;
	s6 =	simm.s32 @!p1 $0x1082;
	[sflag:s4] =	ssyncset.s32 $0xFFFFF086  }
0x25: {  	[simem:s6], [sflag:s4] =	dma.local [hbm:s3], $0xF7A  }
0x26: {  	[smem:$0x3F96] =	sst s1;
	(tag) =	ssettag s2;
	_ =	strace s9  }
0x27: {  	s1 =	sld [smem:$0x3FA6]  }
0x28: {  	s2 =	sld [smem:$0x3FA7]  }
0x29: {  	s4 =	sld [smem:$0x3FA9]  }
0x2a: {  	p0 =	seq.s32 s5, $0x0;
	s5 =	sld [smem:$0x3FAA]  }
0x2b: {  	s6 =	sld [smem:$0x3FAB]  }
0x2c: {  	s7 =	sld [smem:$0x3FAC]  }
0x2d: {  	s3 =	simm.s32 $0x108;
	s8 =	sld [smem:$0x3FAD]  }
0x2e: {  	s3 =	simm.s32 @!p0 $0x1082;
	s9 =	sld [smem:$0x3FAE]  }
0x2f: {  	lr =	sadd.s32 s0, s3;
	s0 =	sld [smem:$0x3FA5]  }
0x30: {  	s3 =	sld [smem:$0x3FA8]  }
0x31: {  	[smem:$0x3FB1] =	sst s10  }
0x32: {  	s10 =	sld [smem:$0x3FAF];
	_ =	sdelay $0x3  }
0x33: {  	p0 =	seq.s32 s10, $0x1;
	s10 =	sld [smem:$0x3FB1];
	_ =	sdelay $0x3  }
0x34: {  	[smem:$0x3FB1] =	sst s10  }
0x35: {  	s10 =	sld [smem:$0x3FB0];
	_ =	sdelay $0x3  }
0x36: {  	p1 =	seq.s32 s10, $0x1;
	s10 =	sld [smem:$0x3FB1];
	_ =	sdelay $0x3  }
0x37: {  	[smem:$0x3FB1] =	sst s10  }
0x38: {  	s10 =	sld [smem:$0x3FB2]  }
0x39: {  	_ = 	snop;
	(pc) =	sbr.ind lr, $3  }
0x3a: {  	_ = 	snop  }
0x3b: {  	_ = 	snop  }
0x3c: {  	p2 =	seq.s32 s10, $0x1;
	s10 =	sld [smem:$0x3FB1]  }
0x3d: {  	_ =	shalt  }
0x3e: {  	_ =	shalt  }
0x3f: {  	_ =	shalt  }
0x40: {  	_ =	shalt  }
0x41: {  	_ =	shalt  }
0x42: {  	_ =	shalt  }
0x43: {  	_ =	shalt  }
0x44: {  	_ =	shalt  }
0x45: {  	_ =	shalt  }
0x46: {  	_ =	shalt  }
0x47: {  	_ =	shalt  }
0x48: {  	_ =	shalt  }
0x49: {  	_ =	shalt  }
0x4a: {  	_ =	shalt  }
0x4b: {  	_ =	shalt  }
0x4c: {  	_ =	shalt  }
0x4d: {  	_ =	shalt  }
0x4e: {  	_ =	shalt  }
0x4f: {  	_ =	shalt  }
0x50: {  	_ =	shalt  }
0x51: {  	_ =	shalt  }
0x52: {  	_ =	shalt  }
0x53: {  	_ =	shalt  }
0x54: {  	_ =	shalt  }
0x55: {  	_ =	shalt  }
0x56: {  	_ =	shalt  }
0x57: {  	_ =	shalt  }
0x58: {  	_ =	shalt  }
0x59: {  	_ =	shalt  }
0x5a: {  	_ =	shalt  }
0x5b: {  	_ =	shalt  }
0x5c: {  	_ =	shalt  }
0x5d: {  	_ =	shalt  }
0x5e: {  	_ =	shalt  }
0x5f: {  	_ =	shalt  }
0x60: {  	_ =	shalt  }
0x61: {  	_ =	shalt  }
0x62: {  	_ =	shalt  }
0x63: {  	_ =	shalt  }
0x64: {  	_ =	shalt  }
0x65: {  	_ =	shalt  }
0x66: {  	_ =	shalt  }
0x67: {  	_ =	shalt  }
0x68: {  	_ =	shalt  }
0x69: {  	_ =	shalt  }
0x6a: {  	_ =	shalt  }
0x6b: {  	_ =	shalt  }
0x6c: {  	_ =	shalt  }
0x6d: {  	_ =	shalt  }
0x6e: {  	_ =	shalt  }
0x6f: {  	_ =	shalt  }
0x70: {  	_ =	shalt  }
0x71: {  	_ =	shalt  }
0x72: {  	_ =	shalt  }
0x73: {  	_ =	shalt  }
0x74: {  	_ =	shalt  }
0x75: {  	_ =	shalt  }
0x76: {  	_ =	shalt  }
0x77: {  	_ =	shalt  }
0x78: {  	_ =	shalt  }
0x79: {  	_ =	shalt  }
0x7a: {  	_ =	shalt  }
0x7b: {  	_ =	shalt  }
0x7c: {  	_ =	shalt  }
0x7d: {  	_ =	shalt  }
0x7e: {  	_ =	shalt  }
0x7f: {  	_ =	shalt  }
0x80: {  	_ =	shalt  }
0x81: {  	_ =	shalt  }
0x82: {  	_ =	shalt  }
0x83: {  	_ =	shalt  }
0x84: {  	_ =	shalt  }
0x85: {  	_ =	shalt  }
0x86: {  	_ =	shalt  }
0x87: {  	_ =	shalt  }
.Lfunc_end0:
.L_simem_size_0:
called_computation.2_lowered:
.L_overlay_start_0:
0x88: {  	s2 =	sld [smem:$0x3FD9]  }
0x89: {  	s3 =	sld [smem:$0x3FFE];
	_ =	sdelay $0x1  }
0x8a: {  	s1 =	srdreg.scid  }
0x8b: {  	s0 =	sand.u32 $0x1, s1  }
0x8c: {  	s17 =	sshll.u32 s0, $0xA;
	s2 =	sadd.s32 s3, s2  }
0x8d: {  	s2 =	sadd.s32 s2, s17  }
0x8e: {  	[smem:$0x3FBD] =	sst s2  }
0x8f: {  	_ = 	snop  }
0x90: {  	s2 =	sld [smem:$0x3FD0];
	(tm) =	ssettm $0x1  }
0x91: {  	s18 =	sld [smem:$0x3FFB];
	_ =	sdelay $0x3  }
0x92: {  	_ =	strace s18  }
0x93: {  	s3 =	sld [smem:$0x3FFC];
	_ =	sdelay $0x3  }
0x94: {  	_ =	strace s3  }
0x95: {  	s3 =	sld [smem:$0x3FFD];
	_ =	sdelay $0x3  }
0x96: {  	_ =	strace s3  }
0x97: {  	_ =	strace $0x8FFFFFFF  }
0x98: {  	s19 =	sld [smem:$0x3FDB];
	_ =	sdelay $0x1  }
0x99: {  	s4 =	simm.s32 $_scs_section_size  }
0x9a: {  	s5 =	simm.s32 $_size__tile_overlayer_lowered;
	s6 =	simm.s32 $_tile_overlayer_lowered  }
0x9b: {  	s22 =	simm.s32 $0x1BFF;
	s21 =	sshll.u32 s6, $0x1;
	s3 =	sadd.s32 s4, s19  }
0x9c: {  	s7 =	simm.s32 $0x0;
	s20 =	sshll.u32 s5, $0x1;
	s5 =	sadd.s32 s21, s3  }
0x9d: {  	[timem:s7], [sflag:s22] =	dma.local [hbm:s5], s20  }
0x9e: {  	_ =	swait.ge [sflag:s22], s20  }
0x9f: {  	s4 =	ssub.s32 $0x0, s20;
	[sflag:s22] =	ssyncset.done $0x0  }
0xa0: {  	[sflag:s22] =	ssyncadd.s32 s4;
	_ =	sdelay $0x1  }
0xa1: {  	s23 =	simm.s32 $0x1B8B  }
0xa2: {  	_ =	swait.ge [sflag:s23], $0x1  }
0xa3: {  	[sflag:s23] =	ssyncset.done $0x0  }
0xa4: {  	s25 =	simm.s32 $0x1B8E;
	s24 =	sld [smem:$0x3FFE];
	[sflag:s23] =	ssyncadd.s32 $0xFFFFFFFF  }
0xa5: {  	s26 =	simm.s32 $execute0_lowered;
	[smem:$0x3FD2] =	sst s25  }
0xa6: {  	s5 =	sshll.u32 s26, $0x1;
	_ =	strace $0x8000004C;
	[dreg:$0x1] =	wrdreg $0xFFFFFFFF  }
0xa7: {  	s28 =	simm.s32 $_size_execute0_lowered;
	s3 =	sadd.s32 s3, s5;
	[dreg:$0x0] =	wrdreg $0x0  }
0xa8: {  	s5 =	sshll.u32 s28, $0x1;
	[dreg:$0x2] =	wrdreg s3  }
0xa9: {  	[dreg:$0x3] =	wrdreg s5  }
0xaa: {  	[dreg:$0x4] =	wrdreg $0xC0  }
0xab: {  	_ =	task [dreg:s7], $0x5FFFF  }
0xac: {  	[dreg:$0x1] =	wrdreg $0xFFFFFFFF  }
0xad: {  	[dreg:$0x0] =	wrdreg $0x60  }
0xae: {  	[dreg:$0x2] =	wrdreg s24  }
0xaf: {  	[dreg:$0x3] =	wrdreg s2  }
0xb0: {  	[dreg:$0x4] =	wrdreg $0x0  }
0xb1: {  	[dreg:$0x5] =	wrdreg $0x9  }
0xb2: {  	_ =	task.clear_ibuf [dreg:s7], $0x6FFFF;
	_ =	strace $0x9000004C  }
0xb3: {  	s29 =	simm.s32 $0x9;
	_ =	strace $0x8000004E  }
0xb4: {  	_ =	swait.ge [sflag:s29], $0x1  }
0xb5: {  	[sflag:s29] =	ssyncadd.s32 $0xFFFFFFFF  }
0xb6: {  	_ =	strace $0x9000004E  }
0xb7: {  	_ =	sfence  }
0xb8: {  	s30 =	sld [smem:$0x0];
	_ =	sdelay $0x2  }
0xb9: {  	s31 =	sshll.u32 s1, $0xD;
	s1 =	sshrl.u32 s1, $0x2  }
0xba: {  	s3 =	sand.u32 $0x4000, s31;
	s1 =	sadd.s32 s1, s30  }
0xbb: {  	s0 =	sor.u32 s3, s0;
	s1 =	sshll.u32 s1, $0x11  }
0xbc: {  	s0 =	sor.u32 s1, s0  }
0xbd: {  	s0 =	sadd.s32 $0x8F2B, s0  }
0xbe: {  	[sflag:s0] =	ssyncadd.remote.s32 $0x1  }
0xbf: {  	_ =	sfence.sel $0xFFFF  }
0xc0: {  	[dreg:$0x0] =	wrdreg $0xFFFFFFFF;
	(pc) =	sbr.abs _section_cstart, $3  }
0xc1: {  	[dreg:$0x1] =	wrdreg $0xFFFFFFFF  }
0xc2: {  	_ =	task.clear_ibuf [dreg:s7], $0x2FFFF;
	_ =	strace $0x9FFFFFFF  }
0xc3: {  	(tm) =	ssettm $0x7FFFFFFF  }
tec
execute0_lowered:
.L_overlay_start_1:
0x0: {  	(tag) =	ssettag $0x1  }
0x1: {  	s0 =	rddreg [dreg:$0x0]  }
0x2: {  	s1 =	rddreg [dreg:$0x1]  }
0x3: {  	s2 =	rddreg [dreg:$0x2];
	s3 =	simm.s32 $0x0  }
0x4: {  	s8 =	srdreg.scid;
	s4 =	stileid.u32;
	s16 =	simm.s32 $0x5  }
0x5: {  	s17 =	simm.s32 $0x5000;
	s18 =	simm.s32 $0x6400;
	s19 =	simm.s32 $0x7D  }
0x6: {  	s20 =	simm.s32 $0x7800;
	s21 =	simm.s32 $0x5080;
	s22 =	simm.s32 $0x87A0  }
0x7: {  	s23 =	simm.s32 $0x1;
	s24 =	simm.s32 $0x2;
	s25 =	simm.s32 $0x3  }
0x8: {  	s26 =	simm.s32 $0x4;
	s28 =	simm.s32 $0x7700;
	s29 =	simm.s32 $0x7780  }
0x9: {  	[smem:$0x7FF] =	sst s3;
	s5 =	sadd.s32 $0x18000, s0;
	s6 =	sadd.s32 $0xE000, s0  }
0xa: {  	s7 =	sadd.s32 $0x4000, s0;
	s13 =	sand.u32 $0x1, s8;
	s9 =	smul.u32 $0x5000, s4  }
.Ltmp0:
0xb: {  	s8 =	sadd.s32 $0x22000, s0;
	s10 =	sadd.s32 $0x2CA00, s0;
	(pc) =	sbr.rel .LBB2_1-.Ltmp0, $4  }
0xc: {  	s11 =	sadd.s32 $0x22A00, s0;
	s31 =	sshll.u32 s4, $0x6;
	s12 =	ssub.s32 $0x2, s13  }
0xd: {  	_ =	strace $0x8000004D;
	p0 =	seq.s32 s13, $0x1;
	s30 =	sshrl.u32 s12, $0x1  }
0xe: {  	s15 =	sadd.s32 s9, s2;
	s13 =	sshrl.u32 s9, $0x3;
	s0 =	ssub.s32 s12, s30  }
0xf: {  	s12 =	sor.u32 $0x1C05, s31;
	s15 =	sshrl.u32 s15, $0x3;
	s14 =	smax.u32 s0, $0x1  }
.LBB2_10:
0x10: {  	s3 =	sadd.s32 $0x1, s3  }
0x11: {  	p1 =	sne.s32 s3, s14  }
.Ltmp1:
0x12: {  	s0 =	sadd.s32 s0, s13;
	[bflag:$0x0] =	sbarrier.arrive $0xFFFF;
	(pc) =	sbr.rel @!p1 .LBB2_11-.Ltmp1, $4  }
0x13: {  	[hbm:s0], [sflag:s12] =	dma.local [spmem:s15], $0xA00  }
0x14: {  	_ =	swait.ge [sflag:s16], $0xA00  }
0x15: {  	[sflag:s16] =	ssyncset.done $0x0  }
0x16: {  	[sflag:s16] =	ssyncadd.s32 $0xFFFFF600  }
.LBB2_1:
0x17: {  	[spmem:s15], [sflag:s12] =	dma.local [hbm:s8], $0xA00  }
.Ltmp2:
0x18: {  	_ =	swait.ge [sflag:s16], $0xA00;
	(pc) =	sbr.rel @!p0 .LBB2_2-.Ltmp2, $4  }
0x19: {  	[sflag:s16] =	ssyncset.done $0x0  }
0x1a: {  	[sflag:s16] =	ssyncadd.s32 $0xFFFFF600  }
0x1b: {  	[bflag:$0x0] =	sbarrier.arrive $0xFFFF  }
0x1c: {  	s30 =	simm.s32 $0x0;
	s31 =	simm.s32 $0x0  }
.LBB2_6:
0x1d: {  	s0 =	smul.u32 $0x1400, s31;
	_ =	sdelay $0x1  }
0x1e: {  	s0 =	sadd.s32 s9, s0  }
0x1f: {  	s0 =	sshrl.u32 s0, $0x3  }
0x20: {  	s30 =	simm.s32 $0x0;
	s4 =	sadd.s32 s1, s0  }
0x21: {  	[tilespmem:s17], [sflag:$0x5] =	stream.linear.gather [hbm4b:s4+s30], $0x1400, $0x38;
	[tilespmem:$0x9740] =	vst v63  }
0x22: {  	_ =	swait.ge [sflag:s16], $0x1400  }
0x23: {  	[sflag:s16] =	ssyncset.done $0x0  }
0x24: {  	s0 =	sadd.s32 s7, s0;
	[sflag:s16] =	ssyncadd.s32 $0xFFFFEC00  }
0x25: {  	[tilespmem:s18], [sflag:$0x5] =	stream.linear.gather [hbm4b:s0+s30], $0x1400, $0x38;
	[tilespmem:$0x9740] =	vst v63  }
0x26: {  	_ =	swait.ge [sflag:s16], $0x1400  }
0x27: {  	[sflag:s16] =	ssyncset.done $0x0  }
0x28: {  	[sflag:s16] =	ssyncadd.s32 $0xFFFFEC00  }
0x29: {  	[tilespmem:s20], [sflag:$0x1] =	stream.indirect.gather [hbm4b:s6+s19], $0x20, s17, s19, $0xb8;
	[tilespmem:$0x9740] =	vst v63  }
0x2a: {  	_ = 	snop  }
0x2b: {  	[tilespmem:s22], [sflag:$0x2] =	stream.indirect.gather [hbm4b:s6+s19], $0x20, s21, s19, $0xb8;
	[tilespmem:$0x9740] =	vst v63  }
0x2c: {  	_ =	swait.ge [sflag:s23], $0xFA0  }
0x2d: {  	[sflag:s23] =	ssyncset.done $0x0  }
0x2e: {  	s4 =	simm.s32 $0x6400;
	[sflag:s23] =	ssyncadd.s32 $0xFFFFF060  }
0x2f: {  	[spmem:s2] =	stream.indirect.scatter.add.f32 [tilespmem:s20], [sflag:$0x3], $0x20, s4, s19, $0xb8;
	[tilespmem:$0x9740] =	vst v63  }
0x30: {  	_ =	swait.ge [sflag:s24], $0xFA0  }
0x31: {  	[sflag:s24] =	ssyncset.done $0x0  }
0x32: {  	s4 =	simm.s32 $0x6480;
	[sflag:s24] =	ssyncadd.s32 $0xFFFFF060  }
0x33: {  	[spmem:s2] =	stream.indirect.scatter.add.f32 [tilespmem:s22], [sflag:$0x4], $0x20, s4, s19, $0xb8;
	[tilespmem:$0x9740] =	vst v63  }
0x34: {  	_ =	swait.ge [sflag:s25], $0xFA0  }
0x35: {  	[sflag:s25] =	ssyncset.done $0x0  }
0x36: {  	s4 =	simm.s32 $0x5100;
	[sflag:s25] =	ssyncadd.s32 $0xFFFFF060  }
0x37: {  	[tilespmem:s20], [sflag:$0x1] =	stream.indirect.gather [hbm4b:s6+s19], $0x20, s4, s19, $0xb8;
	[tilespmem:$0x9740] =	vst v63  }
0x38: {  	_ =	swait.ge [sflag:s26], $0xFA0  }
0x39: {  	[sflag:s26] =	ssyncset.done $0x0  }
0x3a: {  	s30 =	simm.s32 $0x400;
	s0 =	simm.s32 $0x5180;
	[sflag:s26] =	ssyncadd.s32 $0xFFFFF060  }
.LBB2_7:
0x3b: {  	[tilespmem:s22], [sflag:$0x2] =	stream.indirect.gather [hbm4b:s6+s19], $0x20, s0, s19, $0xb8;
	[tilespmem:$0x9740] =	vst v63  }
0x3c: {  	s0 =	smov.u32 s30  }
0x3d: {  	p1 =	sne.s32 s30, $0x4800;
	s30 =	sadd.s32 $0x400, s30;
	_ =	swait.ge [sflag:s23], $0xFA0  }
0x3e: {  	s0 =	sshra.s32 s0, $0x2;
	[sflag:s23] =	ssyncset.done $0x0  }
0x3f: {  	s4 =	sadd.s32 $0x6400, s0;
	[sflag:s23] =	ssyncadd.s32 $0xFFFFF060  }
0x40: {  	[spmem:s2] =	stream.indirect.scatter.add.f32 [tilespmem:s20], [sflag:$0x3], $0x20, s4, s19, $0xb8;
	[tilespmem:$0x9740] =	vst v63  }
0x41: {  	_ =	swait.ge [sflag:s24], $0xFA0  }
0x42: {  	[sflag:s24] =	ssyncset.done $0x0  }
0x43: {  	s4 =	sadd.s32 $0x6480, s0;
	[sflag:s24] =	ssyncadd.s32 $0xFFFFF060  }
0x44: {  	[spmem:s2] =	stream.indirect.scatter.add.f32 [tilespmem:s22], [sflag:$0x4], $0x20, s4, s19, $0xb8;
	[tilespmem:$0x9740] =	vst v63  }
0x45: {  	_ =	swait.ge [sflag:s25], $0xFA0  }
0x46: {  	[sflag:s25] =	ssyncset.done $0x0  }
.Ltmp3:
0x47: {  	s4 =	sadd.s32 $0x5100, s0;
	[sflag:s25] =	ssyncadd.s32 $0xFFFFF060;
	(pc) =	sbr.rel @p1 .LBB2_7-.Ltmp3, $4  }
0x48: {  	[tilespmem:s20], [sflag:$0x1] =	stream.indirect.gather [hbm4b:s6+s19], $0x20, s4, s19, $0xb8;
	[tilespmem:$0x9740] =	vst v63  }
0x49: {  	_ =	swait.ge [sflag:s26], $0xFA0  }
0x4a: {  	[sflag:s26] =	ssyncset.done $0x0  }
0x4b: {  	s0 =	sadd.s32 $0x5180, s0;
	[sflag:s26] =	ssyncadd.s32 $0xFFFFF060  }
0x4c: {  	[tilespmem:s22], [sflag:$0x2] =	stream.indirect.gather [hbm4b:s6+s19], $0x20, s0, s19, $0xb8;
	[tilespmem:$0x9740] =	vst v63  }
0x4d: {  	_ =	swait.ge [sflag:s23], $0xFA0  }
0x4e: {  	[sflag:s23] =	ssyncset.done $0x0  }
0x4f: {  	[sflag:s23] =	ssyncadd.s32 $0xFFFFF060  }
0x50: {  	[spmem:s2] =	stream.indirect.scatter.add.f32 [tilespmem:s20], [sflag:$0x3], $0x20, s28, s19, $0xb8;
	[tilespmem:$0x9740] =	vst v63  }
0x51: {  	_ =	swait.ge [sflag:s24], $0xFA0  }
0x52: {  	[sflag:s24] =	ssyncset.done $0x0  }
0x53: {  	s31 =	sadd.s32 $0x1, s31;
	[sflag:s24] =	ssyncadd.s32 $0xFFFFF060  }
0x54: {  	[spmem:s2] =	stream.indirect.scatter.add.f32 [tilespmem:s22], [sflag:$0x4], $0x20, s29, s19, $0xb8;
	[tilespmem:$0x9740] =	vst v63  }
0x55: {  	p1 =	sne.s32 s31, $0x4;
	_ =	swait.ge [sflag:s25], $0xFA0  }
.Ltmp4:
0x56: {  	[sflag:s25] =	ssyncset.done $0x0;
	(pc) =	sbr.rel @p1 .LBB2_6-.Ltmp4, $4  }
0x57: {  	[sflag:s25] =	ssyncadd.s32 $0xFFFFF060  }
0x58: {  	_ =	swait.ge [sflag:s26], $0xFA0  }
0x59: {  	[sflag:s26] =	ssyncset.done $0x0  }
0x5a: {  	[sflag:s26] =	ssyncadd.s32 $0xFFFFF060  }
.Ltmp5:
0x5b: {  	(pc) =	sbr.rel .LBB2_10-.Ltmp5, $2  }
0x5c: {  	_ =	sdelay $0x2  }
0x5d: {  	s0 =	smov.u32 s11  }
.LBB2_2:
0x5e: {  	s0 =	smul.u32 $0x1400, s30;
	_ =	sdelay $0x1  }
0x5f: {  	s0 =	sadd.s32 s9, s0  }
0x60: {  	s0 =	sshrl.u32 s0, $0x3  }
0x61: {  	s4 =	simm.s32 $0x0;
	s31 =	sadd.s32 s1, s0  }
0x62: {  	[tilespmem:s17], [sflag:$0x5] =	stream.linear.gather [hbm4b:s31+s4], $0x1400, $0x38;
	[tilespmem:$0x9740] =	vst v63  }
0x63: {  	_ =	swait.ge [sflag:s16], $0x1400  }
0x64: {  	[sflag:s16] =	ssyncset.done $0x0  }
0x65: {  	s0 =	sadd.s32 s7, s0;
	[sflag:s16] =	ssyncadd.s32 $0xFFFFEC00  }
0x66: {  	[tilespmem:s18], [sflag:$0x5] =	stream.linear.gather [hbm4b:s0+s4], $0x1400, $0x38;
	[tilespmem:$0x9740] =	vst v63  }
0x67: {  	_ =	swait.ge [sflag:s16], $0x1400  }
0x68: {  	[sflag:s16] =	ssyncset.done $0x0  }
0x69: {  	[sflag:s16] =	ssyncadd.s32 $0xFFFFEC00  }
0x6a: {  	[tilespmem:s20], [sflag:$0x1] =	stream.indirect.gather [hbm4b:s5+s19], $0x20, s17, s19, $0xb8;
	[tilespmem:$0x9740] =	vst v63  }
0x6b: {  	_ = 	snop  }
0x6c: {  	[tilespmem:s22], [sflag:$0x2] =	stream.indirect.gather [hbm4b:s5+s19], $0x20, s21, s19, $0xb8;
	[tilespmem:$0x9740] =	vst v63  }
0x6d: {  	_ =	swait.ge [sflag:s23], $0xFA0  }
0x6e: {  	[sflag:s23] =	ssyncset.done $0x0  }
0x6f: {  	s4 =	simm.s32 $0x6400;
	[sflag:s23] =	ssyncadd.s32 $0xFFFFF060  }
0x70: {  	[spmem:s2] =	stream.indirect.scatter.add.f32 [tilespmem:s20], [sflag:$0x3], $0x20, s4, s19, $0xb8;
	[tilespmem:$0x9740] =	vst v63  }
0x71: {  	_ =	swait.ge [sflag:s24], $0xFA0  }
0x72: {  	[sflag:s24] =	ssyncset.done $0x0  }
0x73: {  	s4 =	simm.s32 $0x6480;
	[sflag:s24] =	ssyncadd.s32 $0xFFFFF060  }
0x74: {  	[spmem:s2] =	stream.indirect.scatter.add.f32 [tilespmem:s22], [sflag:$0x4], $0x20, s4, s19, $0xb8;
	[tilespmem:$0x9740] =	vst v63  }
0x75: {  	_ =	swait.ge [sflag:s25], $0xFA0  }
0x76: {  	[sflag:s25] =	ssyncset.done $0x0  }
0x77: {  	s4 =	simm.s32 $0x5100;
	[sflag:s25] =	ssyncadd.s32 $0xFFFFF060  }
0x78: {  	[tilespmem:s20], [sflag:$0x1] =	stream.indirect.gather [hbm4b:s5+s19], $0x20, s4, s19, $0xb8;
	[tilespmem:$0x9740] =	vst v63  }
0x79: {  	_ =	swait.ge [sflag:s26], $0xFA0  }
0x7a: {  	[sflag:s26] =	ssyncset.done $0x0  }
0x7b: {  	s31 =	simm.s32 $0x400;
	s0 =	simm.s32 $0x5180;
	[sflag:s26] =	ssyncadd.s32 $0xFFFFF060  }
.LBB2_3:
0x7c: {  	[tilespmem:s22], [sflag:$0x2] =	stream.indirect.gather [hbm4b:s5+s19], $0x20, s0, s19, $0xb8;
	[tilespmem:$0x9740] =	vst v63  }
0x7d: {  	s0 =	smov.u32 s31  }
0x7e: {  	p1 =	sne.s32 s31, $0x4800;
	s31 =	sadd.s32 $0x400, s31;
	_ =	swait.ge [sflag:s23], $0xFA0  }
0x7f: {  	s0 =	sshra.s32 s0, $0x2;
	[sflag:s23] =	ssyncset.done $0x0  }
0x80: {  	s4 =	sadd.s32 $0x6400, s0;
	[sflag:s23] =	ssyncadd.s32 $0xFFFFF060  }
0x81: {  	[spmem:s2] =	stream.indirect.scatter.add.f32 [tilespmem:s20], [sflag:$0x3], $0x20, s4, s19, $0xb8;
	[tilespmem:$0x9740] =	vst v63  }
0x82: {  	_ =	swait.ge [sflag:s24], $0xFA0  }
0x83: {  	[sflag:s24] =	ssyncset.done $0x0  }
0x84: {  	s4 =	sadd.s32 $0x6480, s0;
	[sflag:s24] =	ssyncadd.s32 $0xFFFFF060  }
0x85: {  	[spmem:s2] =	stream.indirect.scatter.add.f32 [tilespmem:s22], [sflag:$0x4], $0x20, s4, s19, $0xb8;
	[tilespmem:$0x9740] =	vst v63  }
0x86: {  	_ =	swait.ge [sflag:s25], $0xFA0  }
0x87: {  	[sflag:s25] =	ssyncset.done $0x0  }
.Ltmp6:
0x88: {  	s4 =	sadd.s32 $0x5100, s0;
	[sflag:s25] =	ssyncadd.s32 $0xFFFFF060;
	(pc) =	sbr.rel @p1 .LBB2_3-.Ltmp6, $4  }
0x89: {  	[tilespmem:s20], [sflag:$0x1] =	stream.indirect.gather [hbm4b:s5+s19], $0x20, s4, s19, $0xb8;
	[tilespmem:$0x9740] =	vst v63  }
0x8a: {  	_ =	swait.ge [sflag:s26], $0xFA0  }
0x8b: {  	[sflag:s26] =	ssyncset.done $0x0  }
0x8c: {  	s0 =	sadd.s32 $0x5180, s0;
	[sflag:s26] =	ssyncadd.s32 $0xFFFFF060  }
0x8d: {  	[tilespmem:s22], [sflag:$0x2] =	stream.indirect.gather [hbm4b:s5+s19], $0x20, s0, s19, $0xb8;
	[tilespmem:$0x9740] =	vst v63  }
0x8e: {  	_ =	swait.ge [sflag:s23], $0xFA0  }
0x8f: {  	[sflag:s23] =	ssyncset.done $0x0  }
0x90: {  	[sflag:s23] =	ssyncadd.s32 $0xFFFFF060  }
0x91: {  	[spmem:s2] =	stream.indirect.scatter.add.f32 [tilespmem:s20], [sflag:$0x3], $0x20, s28, s19, $0xb8;
	[tilespmem:$0x9740] =	vst v63  }
0x92: {  	_ =	swait.ge [sflag:s24], $0xFA0  }
0x93: {  	[sflag:s24] =	ssyncset.done $0x0  }
0x94: {  	s30 =	sadd.s32 $0x1, s30;
	[sflag:s24] =	ssyncadd.s32 $0xFFFFF060  }
0x95: {  	[spmem:s2] =	stream.indirect.scatter.add.f32 [tilespmem:s22], [sflag:$0x4], $0x20, s29, s19, $0xb8;
	[tilespmem:$0x9740] =	vst v63  }
0x96: {  	p1 =	seq.s32 s30, $0x4;
	_ =	swait.ge [sflag:s25], $0xFA0  }
.Ltmp7:
0x97: {  	[sflag:s25] =	ssyncset.done $0x0;
	(pc) =	sbr.rel @!p1 .LBB2_2-.Ltmp7, $4  }
0x98: {  	[sflag:s25] =	ssyncadd.s32 $0xFFFFF060  }
0x99: {  	_ =	swait.ge [sflag:s26], $0xFA0  }
0x9a: {  	[sflag:s26] =	ssyncset.done $0x0  }
0x9b: {  	[sflag:s26] =	ssyncadd.s32 $0xFFFFF060  }
.Ltmp8:
0x9c: {  	(pc) =	sbr.rel .LBB2_10-.Ltmp8, $2  }
0x9d: {  	_ =	sdelay $0x2  }
0x9e: {  	s0 =	smov.u32 s10  }
.LBB2_11:
0x9f: {  	_ =	sfence.sel $0x180000  }
0xa0: {  	[bflag:$0x0] =	sbarrier.arrive $0xFFFF  }
0xa1: {  	_ =	strace $0x9000004D  }
0xa2: {  	s0 =	stileid.u32;
	[bflag:$0x2] =	sbarrier.arrive $0xFFFF  }
0xa3: {  	p0 =	sne.s32 s0, $0x0;
	s0 =	rddreg [dreg:$0x3]  }
0xa4: {  	s0 =	sadd.s32 @!p0 $0x100000, s0  }
0xa5: {  	[sflag:s0] =	ssyncadd.tile.s32 @!p0 $0x1;
	_ =	shalt  }
.Lfunc_end2:
_tile_overlayer_lowered:
.L_overlay_start_2:
0xa6: {  	(tag) =	ssettag $0x2  }
0xa7: {  	s0 =	rddreg [dreg:$0x0];
	s2 =	stileid.u32  }
0xa8: {  	s1 =	rddreg [dreg:$0x1];
	p0 =	sne.s32 s2, $0x0  }
0xa9: {  	s3 =	rddreg [dreg:$0x2];
	[bflag:$0x3] =	sbarrier.arrive $0xFFFF;
	s2 =	simm.s32 @!p0 $0x1C05  }
0xaa: {  	[timem:s3], [sflag:s2] =	dma.local @!p0 [hbm:s0], s1  }
0xab: {  	s0 =	simm.s32 @!p0 $0x5  }
0xac: {  	_ =	swait.ge @!p0 [sflag:s0], s1  }
0xad: {  	s1 =	ssub.s32 @!p0 $0x0, s1;
	[sflag:s0] =	ssyncset.done @!p0 $0x0  }
0xae: {  	[sflag:s0] =	ssyncadd.s32 @!p0 s1  }
0xaf: {  	[bflag:$0x3] =	sbarrier.arrive $0xFFFF  }
0xb0: {  	_ =	shalt  }

// kernel: kernel.8.cloned.1.call-start
scs
__scs_entry_jumppad:
0x0: {  	(pc) =	sbr.rel $0x88, $3  }
0x1: {  	(tag) =	ssettag $0x0;
	lr =	simm.s32 $0x1  }
0x2: {  	[smem:$0x3F96] =	sst lr;
	_ =	strace $0xD0000000  }
0x3: {  	_ = 	snop  }
0x4: {  	_ = 	snop  }
0x5: {  	_ = 	snop  }
0x6: {  	_ = 	snop  }
0x7: {  	_ = 	snop  }
__scs_overlays_trampoline_lowered:
0x8: {  	[smem:$0x3FA5] =	sst s0  }
0x9: {  	[smem:$0x3FA6] =	sst s1  }
0xa: {  	[smem:$0x3FA7] =	sst s2  }
0xb: {  	[smem:$0x3FA8] =	sst s3  }
0xc: {  	[smem:$0x3FA9] =	sst s4  }
0xd: {  	[smem:$0x3FAA] =	sst s5  }
0xe: {  	[smem:$0x3FAB] =	sst s6  }
0xf: {  	[smem:$0x3FAC] =	sst s7  }
0x10: {  	[smem:$0x3FAD] =	sst s8  }
0x11: {  	[smem:$0x3FAE] =	sst s9;
	s0 =	simm.s32 @!p0 $0x0  }
0x12: {  	s1 =	sld [smem:$0x3F94];
	s0 =	simm.s32 @p0 $0x1  }
0x13: {  	[smem:$0x3FAF] =	sst s0;
	s0 =	simm.s32 @!p1 $0x0  }
0x14: {  	s2 =	sld [smem:$0x3F93];
	s0 =	simm.s32 @p1 $0x1  }
0x15: {  	[smem:$0x3FB0] =	sst s0;
	s0 =	simm.s32 @!p2 $0x0  }
0x16: {  	s3 =	sld [smem:$0x3FDB];
	s0 =	simm.s32 @p2 $0x1  }
0x17: {  	s4 =	simm.s32 $0x1BF5;
	[smem:$0x3FB2] =	sst s0  }
0x18: {  	s0 =	sld [smem:$0x3F95];
	_ =	swait.ge [sflag:s4], $0x0  }
0x19: {  	s7 =	sld [smem:$0x3F96]  }
0x1a: {  	s8 =	sadd.s32 $0xFFFFE003, lr  }
0x1b: {  	s9 =	sadd.s32 $0xFFFFFEF7, lr;
	s5 =	simm.s32 $0xFFFFFFFF;
	p2 =	slt.u32 s8, $0xFFFFF086  }
0x1c: {  	p1 =	slt.u32 s9, $0xF7A;
	s5 =	simm.s32 @!p2 $0x0  }
0x1d: {  	s5 =	simm.s32 @p1 $0x1;
	p0 =	seq.s32 s7, s2  }
0x1e: {  	s7 =	smul.u32 @!p0 $0xF7A, s2;
	p2 =	seq.s32 @!p0 s5, $0x0  }
0x1f: {  	s9 =	smul.u32 $0xF7A, s1;
	s8 =	simm.s32 @!p0 $0x1BF5;
	p2 =	por !p2, p0  }
0x20: {  	[sflag:s8] =	ssyncset.s32 @!p0 $0xFFFFF086;
	s6 =	sadd.s32 @!p0 s3, s7;
	s7 =	simm.s32 @!p0 $0x108  }
0x21: {  	s3 =	sadd.s32 s3, s9;
	s6 =	sadd.s32 @!p0 $0x88, s6;
	s7 =	simm.s32 @p2 $0x1082  }
0x22: {  	[simem:s7], [sflag:s8] =	dma.local @!p0 [hbm:s6], $0xF7A  }
0x23: {  	s9 =	sor.u32 $0xD0000000, s2;
	s6 =	simm.s32 $0x108;
	_ =	swait.ge @!p0 [sflag:s8], $0x0  }
0x24: {  	s3 =	sadd.s32 $0x88, s3;
	s6 =	simm.s32 @!p1 $0x1082;
	[sflag:s4] =	ssyncset.s32 $0xFFFFF086  }
0x25: {  	[simem:s6], [sflag:s4] =	dma.local [hbm:s3], $0xF7A  }
0x26: {  	[smem:$0x3F96] =	sst s1;
	(tag) =	ssettag s2;
	_ =	strace s9  }
0x27: {  	s1 =	sld [smem:$0x3FA6]  }
0x28: {  	s2 =	sld [smem:$0x3FA7]  }
0x29: {  	s4 =	sld [smem:$0x3FA9]  }
0x2a: {  	p0 =	seq.s32 s5, $0x0;
	s5 =	sld [smem:$0x3FAA]  }
0x2b: {  	s6 =	sld [smem:$0x3FAB]  }
0x2c: {  	s7 =	sld [smem:$0x3FAC]  }
0x2d: {  	s3 =	simm.s32 $0x108;
	s8 =	sld [smem:$0x3FAD]  }
0x2e: {  	s3 =	simm.s32 @!p0 $0x1082;
	s9 =	sld [smem:$0x3FAE]  }
0x2f: {  	lr =	sadd.s32 s0, s3;
	s0 =	sld [smem:$0x3FA5]  }
0x30: {  	s3 =	sld [smem:$0x3FA8]  }
0x31: {  	[smem:$0x3FB1] =	sst s10  }
0x32: {  	s10 =	sld [smem:$0x3FAF];
	_ =	sdelay $0x3  }
0x33: {  	p0 =	seq.s32 s10, $0x1;
	s10 =	sld [smem:$0x3FB1];
	_ =	sdelay $0x3  }
0x34: {  	[smem:$0x3FB1] =	sst s10  }
0x35: {  	s10 =	sld [smem:$0x3FB0];
	_ =	sdelay $0x3  }
0x36: {  	p1 =	seq.s32 s10, $0x1;
	s10 =	sld [smem:$0x3FB1];
	_ =	sdelay $0x3  }
0x37: {  	[smem:$0x3FB1] =	sst s10  }
0x38: {  	s10 =	sld [smem:$0x3FB2]  }
0x39: {  	_ = 	snop;
	(pc) =	sbr.ind lr, $3  }
0x3a: {  	_ = 	snop  }
0x3b: {  	_ = 	snop  }
0x3c: {  	p2 =	seq.s32 s10, $0x1;
	s10 =	sld [smem:$0x3FB1]  }
0x3d: {  	_ =	shalt  }
0x3e: {  	_ =	shalt  }
0x3f: {  	_ =	shalt  }
0x40: {  	_ =	shalt  }
0x41: {  	_ =	shalt  }
0x42: {  	_ =	shalt  }
0x43: {  	_ =	shalt  }
0x44: {  	_ =	shalt  }
0x45: {  	_ =	shalt  }
0x46: {  	_ =	shalt  }
0x47: {  	_ =	shalt  }
0x48: {  	_ =	shalt  }
0x49: {  	_ =	shalt  }
0x4a: {  	_ =	shalt  }
0x4b: {  	_ =	shalt  }
0x4c: {  	_ =	shalt  }
0x4d: {  	_ =	shalt  }
0x4e: {  	_ =	shalt  }
0x4f: {  	_ =	shalt  }
0x50: {  	_ =	shalt  }
0x51: {  	_ =	shalt  }
0x52: {  	_ =	shalt  }
0x53: {  	_ =	shalt  }
0x54: {  	_ =	shalt  }
0x55: {  	_ =	shalt  }
0x56: {  	_ =	shalt  }
0x57: {  	_ =	shalt  }
0x58: {  	_ =	shalt  }
0x59: {  	_ =	shalt  }
0x5a: {  	_ =	shalt  }
0x5b: {  	_ =	shalt  }
0x5c: {  	_ =	shalt  }
0x5d: {  	_ =	shalt  }
0x5e: {  	_ =	shalt  }
0x5f: {  	_ =	shalt  }
0x60: {  	_ =	shalt  }
0x61: {  	_ =	shalt  }
0x62: {  	_ =	shalt  }
0x63: {  	_ =	shalt  }
0x64: {  	_ =	shalt  }
0x65: {  	_ =	shalt  }
0x66: {  	_ =	shalt  }
0x67: {  	_ =	shalt  }
0x68: {  	_ =	shalt  }
0x69: {  	_ =	shalt  }
0x6a: {  	_ =	shalt  }
0x6b: {  	_ =	shalt  }
0x6c: {  	_ =	shalt  }
0x6d: {  	_ =	shalt  }
0x6e: {  	_ =	shalt  }
0x6f: {  	_ =	shalt  }
0x70: {  	_ =	shalt  }
0x71: {  	_ =	shalt  }
0x72: {  	_ =	shalt  }
0x73: {  	_ =	shalt  }
0x74: {  	_ =	shalt  }
0x75: {  	_ =	shalt  }
0x76: {  	_ =	shalt  }
0x77: {  	_ =	shalt  }
0x78: {  	_ =	shalt  }
0x79: {  	_ =	shalt  }
0x7a: {  	_ =	shalt  }
0x7b: {  	_ =	shalt  }
0x7c: {  	_ =	shalt  }
0x7d: {  	_ =	shalt  }
0x7e: {  	_ =	shalt  }
0x7f: {  	_ =	shalt  }
0x80: {  	_ =	shalt  }
0x81: {  	_ =	shalt  }
0x82: {  	_ =	shalt  }
0x83: {  	_ =	shalt  }
0x84: {  	_ =	shalt  }
0x85: {  	_ =	shalt  }
0x86: {  	_ =	shalt  }
0x87: {  	_ =	shalt  }
.Lfunc_end0:
.L_simem_size_0:
called_computation_lowered:
.L_overlay_start_0:
0x88: {  	s2 =	sld [smem:$0x3FD9]  }
0x89: {  	s3 =	sld [smem:$0x3FFE];
	_ =	sdelay $0x1  }
0x8a: {  	s1 =	srdreg.scid  }
0x8b: {  	s0 =	sand.u32 $0x1, s1  }
0x8c: {  	s17 =	sshll.u32 s0, $0xA;
	s2 =	sadd.s32 s3, s2  }
0x8d: {  	s2 =	sadd.s32 s2, s17  }
0x8e: {  	[smem:$0x3FBD] =	sst s2  }
0x8f: {  	_ = 	snop  }
0x90: {  	s2 =	sld [smem:$0x3FD0];
	(tm) =	ssettm $0x1  }
0x91: {  	s18 =	sld [smem:$0x3FFB];
	_ =	sdelay $0x3  }
0x92: {  	_ =	strace s18  }
0x93: {  	s3 =	sld [smem:$0x3FFC];
	_ =	sdelay $0x3  }
0x94: {  	_ =	strace s3  }
0x95: {  	s3 =	sld [smem:$0x3FFD];
	_ =	sdelay $0x3  }
0x96: {  	_ =	strace s3  }
0x97: {  	_ =	strace $0x8FFFFFFF  }
0x98: {  	s19 =	sld [smem:$0x3FDB];
	_ =	sdelay $0x1  }
0x99: {  	s4 =	simm.s32 $_scs_section_size  }
0x9a: {  	s5 =	simm.s32 $_size__tile_overlayer_lowered;
	s6 =	simm.s32 $_tile_overlayer_lowered  }
0x9b: {  	s22 =	simm.s32 $0x1BFF;
	s21 =	sshll.u32 s6, $0x1;
	s3 =	sadd.s32 s4, s19  }
0x9c: {  	s7 =	simm.s32 $0x0;
	s20 =	sshll.u32 s5, $0x1;
	s5 =	sadd.s32 s21, s3  }
0x9d: {  	[timem:s7], [sflag:s22] =	dma.local [hbm:s5], s20  }
0x9e: {  	_ =	swait.ge [sflag:s22], s20  }
0x9f: {  	s4 =	ssub.s32 $0x0, s20;
	[sflag:s22] =	ssyncset.done $0x0  }
0xa0: {  	[sflag:s22] =	ssyncadd.s32 s4;
	_ =	sdelay $0x1  }
0xa1: {  	s23 =	simm.s32 $0x1B8B  }
0xa2: {  	_ =	swait.ge [sflag:s23], $0x1  }
0xa3: {  	[sflag:s23] =	ssyncset.done $0x0  }
0xa4: {  	s25 =	simm.s32 $0x1B8E;
	s24 =	sld [smem:$0x3FFE];
	[sflag:s23] =	ssyncadd.s32 $0xFFFFFFFF  }
0xa5: {  	s26 =	simm.s32 $execute0_lowered;
	[smem:$0x3FD2] =	sst s25  }
0xa6: {  	s5 =	sshll.u32 s26, $0x1;
	_ =	strace $0x80000046;
	[dreg:$0x1] =	wrdreg $0xFFFFFFFF  }
0xa7: {  	s28 =	simm.s32 $_size_execute0_lowered;
	s3 =	sadd.s32 s3, s5;
	[dreg:$0x0] =	wrdreg $0x0  }
0xa8: {  	s5 =	sshll.u32 s28, $0x1;
	[dreg:$0x2] =	wrdreg s3  }
0xa9: {  	[dreg:$0x3] =	wrdreg s5  }
0xaa: {  	[dreg:$0x4] =	wrdreg $0xC0  }
0xab: {  	_ =	task [dreg:s7], $0x5FFFF  }
0xac: {  	[dreg:$0x1] =	wrdreg $0xFFFFFFFF  }
0xad: {  	[dreg:$0x0] =	wrdreg $0x60  }
0xae: {  	[dreg:$0x2] =	wrdreg s24  }
0xaf: {  	[dreg:$0x3] =	wrdreg s2  }
0xb0: {  	[dreg:$0x4] =	wrdreg $0x0  }
0xb1: {  	[dreg:$0x5] =	wrdreg $0x9  }
0xb2: {  	_ =	task.clear_ibuf [dreg:s7], $0x6FFFF;
	_ =	strace $0x90000046  }
0xb3: {  	s29 =	simm.s32 $0x9;
	_ =	strace $0x80000048  }
0xb4: {  	_ =	swait.ge [sflag:s29], $0x1  }
0xb5: {  	[sflag:s29] =	ssyncadd.s32 $0xFFFFFFFF  }
0xb6: {  	_ =	strace $0x90000048  }
0xb7: {  	_ =	sfence  }
0xb8: {  	s30 =	sld [smem:$0x0];
	_ =	sdelay $0x2  }
0xb9: {  	s31 =	sshll.u32 s1, $0xD;
	s1 =	sshrl.u32 s1, $0x2  }
0xba: {  	s3 =	sand.u32 $0x4000, s31;
	s1 =	sadd.s32 s1, s30  }
0xbb: {  	s0 =	sor.u32 s3, s0;
	s1 =	sshll.u32 s1, $0x11  }
0xbc: {  	s0 =	sor.u32 s1, s0  }
0xbd: {  	s0 =	sadd.s32 $0x8F2B, s0  }
0xbe: {  	[sflag:s0] =	ssyncadd.remote.s32 $0x1  }
0xbf: {  	_ =	sfence.sel $0xFFFF  }
0xc0: {  	[dreg:$0x0] =	wrdreg $0xFFFFFFFF;
	(pc) =	sbr.abs _section_cstart, $3  }
0xc1: {  	[dreg:$0x1] =	wrdreg $0xFFFFFFFF  }
0xc2: {  	_ =	task.clear_ibuf [dreg:s7], $0x2FFFF;
	_ =	strace $0x9FFFFFFF  }
0xc3: {  	(tm) =	ssettm $0x7FFFFFFF  }
tec
execute0_lowered:
.L_overlay_start_1:
0x0: {  	(tag) =	ssettag $0x1  }
0x1: {  	s0 =	rddreg [dreg:$0x0]  }
0x2: {  	s1 =	rddreg [dreg:$0x1]  }
0x3: {  	s2 =	rddreg [dreg:$0x2];
	s3 =	simm.s32 $0x0;
	s9 =	srdreg.scid  }
0x4: {  	s5 =	stileid.u32;
	s16 =	simm.s32 $0x5;
	s17 =	simm.s32 $0xC800  }
0x5: {  	s18 =	simm.s32 $0xDC00;
	s19 =	simm.s32 $0x7D;
	s20 =	simm.s32 $0xF000  }
0x6: {  	s21 =	simm.s32 $0xC880;
	s22 =	simm.s32 $0x11710;
	s23 =	simm.s32 $0x1  }
0x7: {  	s24 =	simm.s32 $0x2;
	s25 =	simm.s32 $0x3;
	s26 =	simm.s32 $0x4  }
0x8: {  	s28 =	simm.s32 $0xEF00;
	s29 =	simm.s32 $0xEF80;
	[smem:$0x7FF] =	sst s3  }
0x9: {  	s4 =	sadd.s32 $0x27000, s0;
	s6 =	sadd.s32 $0xE000, s0;
	s7 =	sadd.s32 $0x4000, s0  }
0xa: {  	s8 =	sadd.s32 $0x40000, s0;
	s12 =	sand.u32 $0x1, s9;
	s13 =	smul.u32 $0xC800, s5  }
.Ltmp0:
0xb: {  	s9 =	sadd.s32 $0x5AA00, s0;
	s10 =	sadd.s32 $0x41A00, s0;
	(pc) =	sbr.rel .LBB2_1-.Ltmp0, $4  }
0xc: {  	s14 =	sshll.u32 s5, $0x6;
	_ =	strace $0x80000047;
	s11 =	ssub.s32 $0x2, s12  }
0xd: {  	p0 =	seq.s32 s12, $0x1;
	s12 =	smul.u32 $0x5000, s5;
	s31 =	sshrl.u32 s11, $0x1  }
0xe: {  	s15 =	sadd.s32 s13, s2;
	s13 =	sshrl.u32 s13, $0x3;
	s0 =	ssub.s32 s11, s31  }
0xf: {  	s11 =	sor.u32 $0x1C05, s14;
	s15 =	sshrl.u32 s15, $0x3;
	s14 =	smax.u32 s0, $0x1  }
.LBB2_10:
0x10: {  	s3 =	sadd.s32 $0x1, s3  }
0x11: {  	p1 =	sne.s32 s3, s14  }
.Ltmp1:
0x12: {  	s0 =	sadd.s32 s0, s13;
	[bflag:$0x0] =	sbarrier.arrive $0xFFFF;
	(pc) =	sbr.rel @!p1 .LBB2_11-.Ltmp1, $4  }
0x13: {  	[hbm:s0], [sflag:s11] =	dma.local [spmem:s15], $0x1900  }
0x14: {  	_ =	swait.ge [sflag:s16], $0x1900  }
0x15: {  	[sflag:s16] =	ssyncset.done $0x0  }
0x16: {  	[sflag:s16] =	ssyncadd.s32 $0xFFFFE700  }
.LBB2_1:
0x17: {  	[spmem:s15], [sflag:s11] =	dma.local [hbm:s8], $0x1900  }
.Ltmp2:
0x18: {  	_ =	swait.ge [sflag:s16], $0x1900;
	(pc) =	sbr.rel @!p0 .LBB2_2-.Ltmp2, $4  }
0x19: {  	[sflag:s16] =	ssyncset.done $0x0  }
0x1a: {  	[sflag:s16] =	ssyncadd.s32 $0xFFFFE700  }
0x1b: {  	[bflag:$0x0] =	sbarrier.arrive $0xFFFF  }
0x1c: {  	s30 =	simm.s32 $0x0;
	s31 =	simm.s32 $0x0  }
.LBB2_6:
0x1d: {  	s0 =	smul.u32 $0x1400, s31;
	_ =	sdelay $0x1  }
0x1e: {  	s0 =	sadd.s32 s12, s0  }
0x1f: {  	s0 =	sshrl.u32 s0, $0x3  }
0x20: {  	s30 =	simm.s32 $0x0;
	s5 =	sadd.s32 s1, s0  }
0x21: {  	[tilespmem:s17], [sflag:$0x5] =	stream.linear.gather [hbm4b:s5+s30], $0x1400, $0x38;
	[tilespmem:$0x13E20] =	vst v63  }
0x22: {  	_ =	swait.ge [sflag:s16], $0x1400  }
0x23: {  	[sflag:s16] =	ssyncset.done $0x0  }
0x24: {  	s0 =	sadd.s32 s7, s0;
	[sflag:s16] =	ssyncadd.s32 $0xFFFFEC00  }
0x25: {  	[tilespmem:s18], [sflag:$0x5] =	stream.linear.gather [hbm4b:s0+s30], $0x1400, $0x38;
	[tilespmem:$0x13E20] =	vst v63  }
0x26: {  	_ =	swait.ge [sflag:s16], $0x1400  }
0x27: {  	[sflag:s16] =	ssyncset.done $0x0  }
0x28: {  	[sflag:s16] =	ssyncadd.s32 $0xFFFFEC00  }
0x29: {  	[tilespmem:s20], [sflag:$0x1] =	stream.indirect.gather [hbm4b:s6+s19], $0x50, s17, s19, $0xb8;
	[tilespmem:$0x13E20] =	vst v63  }
0x2a: {  	_ = 	snop  }
0x2b: {  	[tilespmem:s22], [sflag:$0x2] =	stream.indirect.gather [hbm4b:s6+s19], $0x50, s21, s19, $0xb8;
	[tilespmem:$0x13E20] =	vst v63  }
0x2c: {  	_ =	swait.ge [sflag:s23], $0x2710  }
0x2d: {  	[sflag:s23] =	ssyncset.done $0x0  }
0x2e: {  	s5 =	simm.s32 $0xDC00;
	[sflag:s23] =	ssyncadd.s32 $0xFFFFD8F0  }
0x2f: {  	[spmem:s2] =	stream.indirect.scatter.add.f32 [tilespmem:s20], [sflag:$0x3], $0x50, s5, s19, $0xb8;
	[tilespmem:$0x13E20] =	vst v63  }
0x30: {  	_ =	swait.ge [sflag:s24], $0x2710  }
0x31: {  	[sflag:s24] =	ssyncset.done $0x0  }
0x32: {  	s5 =	simm.s32 $0xDC80;
	[sflag:s24] =	ssyncadd.s32 $0xFFFFD8F0  }
0x33: {  	[spmem:s2] =	stream.indirect.scatter.add.f32 [tilespmem:s22], [sflag:$0x4], $0x50, s5, s19, $0xb8;
	[tilespmem:$0x13E20] =	vst v63  }
0x34: {  	_ =	swait.ge [sflag:s25], $0x2710  }
0x35: {  	[sflag:s25] =	ssyncset.done $0x0  }
0x36: {  	s5 =	simm.s32 $0xC900;
	[sflag:s25] =	ssyncadd.s32 $0xFFFFD8F0  }
0x37: {  	[tilespmem:s20], [sflag:$0x1] =	stream.indirect.gather [hbm4b:s6+s19], $0x50, s5, s19, $0xb8;
	[tilespmem:$0x13E20] =	vst v63  }
0x38: {  	_ =	swait.ge [sflag:s26], $0x2710  }
0x39: {  	[sflag:s26] =	ssyncset.done $0x0  }
0x3a: {  	s30 =	simm.s32 $0x400;
	s0 =	simm.s32 $0xC980;
	[sflag:s26] =	ssyncadd.s32 $0xFFFFD8F0  }
.LBB2_7:
0x3b: {  	[tilespmem:s22], [sflag:$0x2] =	stream.indirect.gather [hbm4b:s6+s19], $0x50, s0, s19, $0xb8;
	[tilespmem:$0x13E20] =	vst v63  }
0x3c: {  	s0 =	smov.u32 s30  }
0x3d: {  	p1 =	sne.s32 s30, $0x4800;
	s30 =	sadd.s32 $0x400, s30;
	_ =	swait.ge [sflag:s23], $0x2710  }
0x3e: {  	s0 =	sshra.s32 s0, $0x2;
	[sflag:s23] =	ssyncset.done $0x0  }
0x3f: {  	s5 =	sadd.s32 $0xDC00, s0;
	[sflag:s23] =	ssyncadd.s32 $0xFFFFD8F0  }
0x40: {  	[spmem:s2] =	stream.indirect.scatter.add.f32 [tilespmem:s20], [sflag:$0x3], $0x50, s5, s19, $0xb8;
	[tilespmem:$0x13E20] =	vst v63  }
0x41: {  	_ =	swait.ge [sflag:s24], $0x2710  }
0x42: {  	[sflag:s24] =	ssyncset.done $0x0  }
0x43: {  	s5 =	sadd.s32 $0xDC80, s0;
	[sflag:s24] =	ssyncadd.s32 $0xFFFFD8F0  }
0x44: {  	[spmem:s2] =	stream.indirect.scatter.add.f32 [tilespmem:s22], [sflag:$0x4], $0x50, s5, s19, $0xb8;
	[tilespmem:$0x13E20] =	vst v63  }
0x45: {  	_ =	swait.ge [sflag:s25], $0x2710  }
0x46: {  	[sflag:s25] =	ssyncset.done $0x0  }
.Ltmp3:
0x47: {  	s5 =	sadd.s32 $0xC900, s0;
	[sflag:s25] =	ssyncadd.s32 $0xFFFFD8F0;
	(pc) =	sbr.rel @p1 .LBB2_7-.Ltmp3, $4  }
0x48: {  	[tilespmem:s20], [sflag:$0x1] =	stream.indirect.gather [hbm4b:s6+s19], $0x50, s5, s19, $0xb8;
	[tilespmem:$0x13E20] =	vst v63  }
0x49: {  	_ =	swait.ge [sflag:s26], $0x2710  }
0x4a: {  	[sflag:s26] =	ssyncset.done $0x0  }
0x4b: {  	s0 =	sadd.s32 $0xC980, s0;
	[sflag:s26] =	ssyncadd.s32 $0xFFFFD8F0  }
0x4c: {  	[tilespmem:s22], [sflag:$0x2] =	stream.indirect.gather [hbm4b:s6+s19], $0x50, s0, s19, $0xb8;
	[tilespmem:$0x13E20] =	vst v63  }
0x4d: {  	_ =	swait.ge [sflag:s23], $0x2710  }
0x4e: {  	[sflag:s23] =	ssyncset.done $0x0  }
0x4f: {  	[sflag:s23] =	ssyncadd.s32 $0xFFFFD8F0  }
0x50: {  	[spmem:s2] =	stream.indirect.scatter.add.f32 [tilespmem:s20], [sflag:$0x3], $0x50, s28, s19, $0xb8;
	[tilespmem:$0x13E20] =	vst v63  }
0x51: {  	_ =	swait.ge [sflag:s24], $0x2710  }
0x52: {  	[sflag:s24] =	ssyncset.done $0x0  }
0x53: {  	s31 =	sadd.s32 $0x1, s31;
	[sflag:s24] =	ssyncadd.s32 $0xFFFFD8F0  }
0x54: {  	[spmem:s2] =	stream.indirect.scatter.add.f32 [tilespmem:s22], [sflag:$0x4], $0x50, s29, s19, $0xb8;
	[tilespmem:$0x13E20] =	vst v63  }
0x55: {  	p1 =	sne.s32 s31, $0x4;
	_ =	swait.ge [sflag:s25], $0x2710  }
.Ltmp4:
0x56: {  	[sflag:s25] =	ssyncset.done $0x0;
	(pc) =	sbr.rel @p1 .LBB2_6-.Ltmp4, $4  }
0x57: {  	[sflag:s25] =	ssyncadd.s32 $0xFFFFD8F0  }
0x58: {  	_ =	swait.ge [sflag:s26], $0x2710  }
0x59: {  	[sflag:s26] =	ssyncset.done $0x0  }
0x5a: {  	[sflag:s26] =	ssyncadd.s32 $0xFFFFD8F0  }
.Ltmp5:
0x5b: {  	(pc) =	sbr.rel .LBB2_10-.Ltmp5, $2  }
0x5c: {  	_ =	sdelay $0x2  }
0x5d: {  	s0 =	smov.u32 s10  }
.LBB2_2:
0x5e: {  	s0 =	smul.u32 $0x1400, s30;
	_ =	sdelay $0x1  }
0x5f: {  	s0 =	sadd.s32 s12, s0  }
0x60: {  	s0 =	sshrl.u32 s0, $0x3  }
0x61: {  	s5 =	simm.s32 $0x0;
	s31 =	sadd.s32 s1, s0  }
0x62: {  	[tilespmem:s17], [sflag:$0x5] =	stream.linear.gather [hbm4b:s31+s5], $0x1400, $0x38;
	[tilespmem:$0x13E20] =	vst v63  }
0x63: {  	_ =	swait.ge [sflag:s16], $0x1400  }
0x64: {  	[sflag:s16] =	ssyncset.done $0x0  }
0x65: {  	s0 =	sadd.s32 s7, s0;
	[sflag:s16] =	ssyncadd.s32 $0xFFFFEC00  }
0x66: {  	[tilespmem:s18], [sflag:$0x5] =	stream.linear.gather [hbm4b:s0+s5], $0x1400, $0x38;
	[tilespmem:$0x13E20] =	vst v63  }
0x67: {  	_ =	swait.ge [sflag:s16], $0x1400  }
0x68: {  	[sflag:s16] =	ssyncset.done $0x0  }
0x69: {  	[sflag:s16] =	ssyncadd.s32 $0xFFFFEC00  }
0x6a: {  	[tilespmem:s20], [sflag:$0x1] =	stream.indirect.gather [hbm4b:s4+s19], $0x50, s17, s19, $0xb8;
	[tilespmem:$0x13E20] =	vst v63  }
0x6b: {  	_ = 	snop  }
0x6c: {  	[tilespmem:s22], [sflag:$0x2] =	stream.indirect.gather [hbm4b:s4+s19], $0x50, s21, s19, $0xb8;
	[tilespmem:$0x13E20] =	vst v63  }
0x6d: {  	_ =	swait.ge [sflag:s23], $0x2710  }
0x6e: {  	[sflag:s23] =	ssyncset.done $0x0  }
0x6f: {  	s5 =	simm.s32 $0xDC00;
	[sflag:s23] =	ssyncadd.s32 $0xFFFFD8F0  }
0x70: {  	[spmem:s2] =	stream.indirect.scatter.add.f32 [tilespmem:s20], [sflag:$0x3], $0x50, s5, s19, $0xb8;
	[tilespmem:$0x13E20] =	vst v63  }
0x71: {  	_ =	swait.ge [sflag:s24], $0x2710  }
0x72: {  	[sflag:s24] =	ssyncset.done $0x0  }
0x73: {  	s5 =	simm.s32 $0xDC80;
	[sflag:s24] =	ssyncadd.s32 $0xFFFFD8F0  }
0x74: {  	[spmem:s2] =	stream.indirect.scatter.add.f32 [tilespmem:s22], [sflag:$0x4], $0x50, s5, s19, $0xb8;
	[tilespmem:$0x13E20] =	vst v63  }
0x75: {  	_ =	swait.ge [sflag:s25], $0x2710  }
0x76: {  	[sflag:s25] =	ssyncset.done $0x0  }
0x77: {  	s5 =	simm.s32 $0xC900;
	[sflag:s25] =	ssyncadd.s32 $0xFFFFD8F0  }
0x78: {  	[tilespmem:s20], [sflag:$0x1] =	stream.indirect.gather [hbm4b:s4+s19], $0x50, s5, s19, $0xb8;
	[tilespmem:$0x13E20] =	vst v63  }
0x79: {  	_ =	swait.ge [sflag:s26], $0x2710  }
0x7a: {  	[sflag:s26] =	ssyncset.done $0x0  }
0x7b: {  	s31 =	simm.s32 $0x400;
	s0 =	simm.s32 $0xC980;
	[sflag:s26] =	ssyncadd.s32 $0xFFFFD8F0  }
.LBB2_3:
0x7c: {  	[tilespmem:s22], [sflag:$0x2] =	stream.indirect.gather [hbm4b:s4+s19], $0x50, s0, s19, $0xb8;
	[tilespmem:$0x13E20] =	vst v63  }
0x7d: {  	s0 =	smov.u32 s31  }
0x7e: {  	p1 =	sne.s32 s31, $0x4800;
	s31 =	sadd.s32 $0x400, s31;
	_ =	swait.ge [sflag:s23], $0x2710  }
0x7f: {  	s0 =	sshra.s32 s0, $0x2;
	[sflag:s23] =	ssyncset.done $0x0  }
0x80: {  	s5 =	sadd.s32 $0xDC00, s0;
	[sflag:s23] =	ssyncadd.s32 $0xFFFFD8F0  }
0x81: {  	[spmem:s2] =	stream.indirect.scatter.add.f32 [tilespmem:s20], [sflag:$0x3], $0x50, s5, s19, $0xb8;
	[tilespmem:$0x13E20] =	vst v63  }
0x82: {  	_ =	swait.ge [sflag:s24], $0x2710  }
0x83: {  	[sflag:s24] =	ssyncset.done $0x0  }
0x84: {  	s5 =	sadd.s32 $0xDC80, s0;
	[sflag:s24] =	ssyncadd.s32 $0xFFFFD8F0  }
0x85: {  	[spmem:s2] =	stream.indirect.scatter.add.f32 [tilespmem:s22], [sflag:$0x4], $0x50, s5, s19, $0xb8;
	[tilespmem:$0x13E20] =	vst v63  }
0x86: {  	_ =	swait.ge [sflag:s25], $0x2710  }
0x87: {  	[sflag:s25] =	ssyncset.done $0x0  }
.Ltmp6:
0x88: {  	s5 =	sadd.s32 $0xC900, s0;
	[sflag:s25] =	ssyncadd.s32 $0xFFFFD8F0;
	(pc) =	sbr.rel @p1 .LBB2_3-.Ltmp6, $4  }
0x89: {  	[tilespmem:s20], [sflag:$0x1] =	stream.indirect.gather [hbm4b:s4+s19], $0x50, s5, s19, $0xb8;
	[tilespmem:$0x13E20] =	vst v63  }
0x8a: {  	_ =	swait.ge [sflag:s26], $0x2710  }
0x8b: {  	[sflag:s26] =	ssyncset.done $0x0  }
0x8c: {  	s0 =	sadd.s32 $0xC980, s0;
	[sflag:s26] =	ssyncadd.s32 $0xFFFFD8F0  }
0x8d: {  	[tilespmem:s22], [sflag:$0x2] =	stream.indirect.gather [hbm4b:s4+s19], $0x50, s0, s19, $0xb8;
	[tilespmem:$0x13E20] =	vst v63  }
0x8e: {  	_ =	swait.ge [sflag:s23], $0x2710  }
0x8f: {  	[sflag:s23] =	ssyncset.done $0x0  }
0x90: {  	[sflag:s23] =	ssyncadd.s32 $0xFFFFD8F0  }
0x91: {  	[spmem:s2] =	stream.indirect.scatter.add.f32 [tilespmem:s20], [sflag:$0x3], $0x50, s28, s19, $0xb8;
	[tilespmem:$0x13E20] =	vst v63  }
0x92: {  	_ =	swait.ge [sflag:s24], $0x2710  }
0x93: {  	[sflag:s24] =	ssyncset.done $0x0  }
0x94: {  	s30 =	sadd.s32 $0x1, s30;
	[sflag:s24] =	ssyncadd.s32 $0xFFFFD8F0  }
0x95: {  	[spmem:s2] =	stream.indirect.scatter.add.f32 [tilespmem:s22], [sflag:$0x4], $0x50, s29, s19, $0xb8;
	[tilespmem:$0x13E20] =	vst v63  }
0x96: {  	p1 =	seq.s32 s30, $0x4;
	_ =	swait.ge [sflag:s25], $0x2710  }
.Ltmp7:
0x97: {  	[sflag:s25] =	ssyncset.done $0x0;
	(pc) =	sbr.rel @!p1 .LBB2_2-.Ltmp7, $4  }
0x98: {  	[sflag:s25] =	ssyncadd.s32 $0xFFFFD8F0  }
0x99: {  	_ =	swait.ge [sflag:s26], $0x2710  }
0x9a: {  	[sflag:s26] =	ssyncset.done $0x0  }
0x9b: {  	[sflag:s26] =	ssyncadd.s32 $0xFFFFD8F0  }
.Ltmp8:
0x9c: {  	(pc) =	sbr.rel .LBB2_10-.Ltmp8, $2  }
0x9d: {  	_ =	sdelay $0x2  }
0x9e: {  	s0 =	smov.u32 s9  }
.LBB2_11:
0x9f: {  	_ =	sfence.sel $0x180000  }
0xa0: {  	[bflag:$0x0] =	sbarrier.arrive $0xFFFF  }
0xa1: {  	_ =	strace $0x90000047  }
0xa2: {  	s0 =	stileid.u32;
	[bflag:$0x2] =	sbarrier.arrive $0xFFFF  }
0xa3: {  	p0 =	sne.s32 s0, $0x0;
	s0 =	rddreg [dreg:$0x3]  }
0xa4: {  	s0 =	sadd.s32 @!p0 $0x100000, s0  }
0xa5: {  	[sflag:s0] =	ssyncadd.tile.s32 @!p0 $0x1;
	_ =	shalt  }
.Lfunc_end2:
_tile_overlayer_lowered:
.L_overlay_start_2:
0xa6: {  	(tag) =	ssettag $0x2  }
0xa7: {  	s0 =	rddreg [dreg:$0x0];
	s2 =	stileid.u32  }
0xa8: {  	s1 =	rddreg [dreg:$0x1];
	p0 =	sne.s32 s2, $0x0  }
0xa9: {  	s3 =	rddreg [dreg:$0x2];
	[bflag:$0x3] =	sbarrier.arrive $0xFFFF;
	s2 =	simm.s32 @!p0 $0x1C05  }
0xaa: {  	[timem:s3], [sflag:s2] =	dma.local @!p0 [hbm:s0], s1  }
0xab: {  	s0 =	simm.s32 @!p0 $0x5  }
0xac: {  	_ =	swait.ge @!p0 [sflag:s0], s1  }
0xad: {  	s1 =	ssub.s32 @!p0 $0x0, s1;
	[sflag:s0] =	ssyncset.done @!p0 $0x0  }
0xae: {  	[sflag:s0] =	ssyncadd.s32 @!p0 s1  }
0xaf: {  	[bflag:$0x3] =	sbarrier.arrive $0xFFFF  }
0xb0: {  	_ =	shalt  }

</sc_bundles>
